<compile_context>
chip_gen: v7x
topology: tpu7x:2x2x1
jax: 0.10.2.dev20260603
libtpu: 0.0.44.dev20260713+nightly
codegen_flags: <defaults>
</compile_context>

<pallas_src>
import functools

import jax
import jax.numpy as jnp
import numpy as np
from jax import lax
from jax.experimental import pallas as pl
from jax.experimental.pallas import tpu as pltpu
from jax.experimental.pallas import tpu_sc as plsc

_NC = 2
_NS = 16
_NW = _NC * _NS



def _sc_gather(table, idx_list):
    (n_rows, width) = table.shape
    e_total = idx_list[0].shape[0]
    epw = e_total // _NW
    n_idx = len(idx_list)
    mesh = plsc.VectorSubcoreMesh(core_axis_name="c", subcore_axis_name="s")

    @functools.partial(
        pl.kernel,
        out_type=[jax.ShapeDtypeStruct((e_total, width), jnp.float32)] * n_idx,
        mesh=mesh,
        scratch_types=[
            pltpu.VMEM((epw,), jnp.int32),
            pltpu.VMEM((epw, width), jnp.float32),
            pltpu.SemaphoreType.DMA,
        ],
        compiler_params=pltpu.CompilerParams(use_tc_tiling_on_sc=False),
    )
    def k(*refs):
        table_hbm = refs[0]
        idx_hbms = refs[1:1 + n_idx]
        out_hbms = refs[1 + n_idx:1 + 2 * n_idx]
        idx_v, rows_v, sem = refs[1 + 2 * n_idx:]
        c = lax.axis_index("c")
        s = lax.axis_index("s")
        base = (s * _NC + c) * epw
        for j in range(n_idx):
            pltpu.sync_copy(idx_hbms[j].at[pl.ds(base, epw)], idx_v)
            pltpu.async_copy(table_hbm.at[idx_v], rows_v, sem).wait()
            pltpu.sync_copy(rows_v, out_hbms[j].at[pl.ds(base, epw)])

    return list(k(table, *idx_list))


def _sc_scatter_add(msg, col, zeros_init):
    e_total = msg.shape[0]
    n_rows, width = zeros_init.shape
    epw = e_total // _NW
    rows_per_tile = n_rows // _NS
    mesh = plsc.VectorSubcoreMesh(core_axis_name="c", subcore_axis_name="s")

    @functools.partial(
        pl.kernel,
        out_type=jax.ShapeDtypeStruct((_NC * n_rows, width), jnp.float32),
        mesh=mesh,
        scratch_types=[
            pltpu.VMEM((epw,), jnp.int32),
            pltpu.VMEM((epw, width), jnp.float32),
            pltpu.VMEM_SHARED((n_rows, width), jnp.float32),
            pltpu.SemaphoreType.DMA,
        ],
        compiler_params=pltpu.CompilerParams(use_tc_tiling_on_sc=False),
    )
    def k(msg_hbm, col_hbm, zero_hbm, out_hbm, idx_v, msg_v, shared, sem):
        c = lax.axis_index("c")
        s = lax.axis_index("s")
        base = (c * _NS + s) * epw

        @pl.when(s == 0)
        def _():
            pltpu.sync_copy(zero_hbm, shared)

        plsc.subcore_barrier()
        pltpu.sync_copy(col_hbm.at[pl.ds(base, epw)], idx_v)
        pltpu.sync_copy(msg_hbm.at[pl.ds(base, epw)], msg_v)
        pltpu.sync_copy(msg_v, shared.at[idx_v], add=True)
        plsc.subcore_barrier()
        pltpu.sync_copy(
            shared.at[pl.ds(s * rows_per_tile, rows_per_tile)],
            out_hbm.at[pl.ds(c * n_rows + s * rows_per_tile, rows_per_tile)],
        )

    return k(msg, col, zeros_init)



def _tc_h0(x_p, w1big, b1rep):
    gn = x_p.shape[0]

    def body(x_ref, w_ref, b_ref, o_ref):
        o_ref[...] = jax.nn.silu(
            jnp.dot(x_ref[...], w_ref[...], preferred_element_type=jnp.float32)
            + b_ref[...])

    return pl.pallas_call(
        body,
        out_shape=jax.ShapeDtypeStruct((gn, 128), jnp.float32),
    )(x_p, w1big, b1rep)


def _tc_z(pr_p, pc_p, ea32, sg, c_ea, c_dist, a1rep):
    g_total = pr_p.shape[0]
    blk = 2000

    def body(pr_ref, pc_ref, ea_ref, sg_ref, cea_ref, cd_ref, a1b_ref, o_ref):
        d = pr_ref[...] - pc_ref[...]
        t8 = jnp.dot(d * d, sg_ref[...], preferred_element_type=jnp.float32)
        dist8 = jnp.sqrt(t8 + 1e-12)
        pre = (jnp.dot(ea_ref[...], cea_ref[...],
                       preferred_element_type=jnp.float32)
               + jnp.dot(dist8, cd_ref[...],
                         preferred_element_type=jnp.float32)
               + a1b_ref[...])
        o_ref[...] = jax.nn.silu(pre)

    return pl.pallas_call(
        body,
        grid=(g_total // blk,),
        in_specs=[
            pl.BlockSpec((blk, 128), lambda i: (i, 0)),
            pl.BlockSpec((blk, 128), lambda i: (i, 0)),
            pl.BlockSpec((blk, 32), lambda i: (i, 0)),
            pl.BlockSpec((128, 8), lambda i: (0, 0)),
            pl.BlockSpec((32, 256), lambda i: (0, 0)),
            pl.BlockSpec((8, 256), lambda i: (0, 0)),
            pl.BlockSpec((1, 256), lambda i: (0, 0)),
        ],
        out_specs=pl.BlockSpec((blk, 256), lambda i: (i, 0)),
        out_shape=jax.ShapeDtypeStruct((g_total, 256), jnp.float32),
    )(pr_p, pc_p, ea32, sg, c_ea, c_dist, a1rep)


def _tc_msg(z_p, u_p, a2bd4, a2rep, tbd, sbd):
    g_total = u_p.shape[0]
    blk = 400

    def body(z_ref, u_ref, a2_ref, a2b_ref, t_ref, s_ref, o_ref):
        zv = z_ref[...]
        wep_a = jnp.dot(zv[:, :128], a2_ref[...],
                        preferred_element_type=jnp.float32)
        wep_b = jnp.dot(zv[:, 128:], a2_ref[...],
                        preferred_element_type=jnp.float32)
        wep = jnp.concatenate([wep_a, wep_b], axis=1) + a2b_ref[...]
        uv = u_ref[...]
        uexp = jnp.concatenate(
            [jnp.tile(uv[:, 16 * j:16 * (j + 1)], (1, 16)) for j in range(8)],
            axis=1)
        o_ref[...] = jnp.dot(wep * uexp, s_ref[...],
                             preferred_element_type=jnp.float32)

    return pl.pallas_call(
        body,
        grid=(g_total // blk,),
        in_specs=[
            pl.BlockSpec((blk, 256), lambda i: (i, 0)),
            pl.BlockSpec((blk, 128), lambda i: (i, 0)),
            pl.BlockSpec((128, 1024), lambda i: (0, 0)),
            pl.BlockSpec((1, 2048), lambda i: (0, 0)),
            pl.BlockSpec((128, 2048), lambda i: (0, 0)),
            pl.BlockSpec((2048, 128), lambda i: (0, 0)),
        ],
        out_specs=pl.BlockSpec((blk, 128), lambda i: (i, 0)),
        out_shape=jax.ShapeDtypeStruct((g_total, 128), jnp.float32),
    )(z_p, u_p, a2bd4, a2rep, tbd, sbd)


def _tc_gru(h_p, parts_p, wr_bd, br_rep, wih_big, whh_big, bih_big, bhh_big):
    gn = h_p.shape[0]

    def body(h_ref, p_ref, wr_ref, br_ref, wih_ref, whh_ref, bih_ref,
             bhh_ref, o_ref):
        hv = h_ref[...]
        aggr = p_ref[:gn, :] + p_ref[gn:, :]
        hc = jax.nn.silu(
            jnp.dot(hv, wr_ref[...], preferred_element_type=jnp.float32)
            + br_ref[...] + aggr)
        gi = jnp.dot(hc, wih_ref[...], preferred_element_type=jnp.float32) + bih_ref[...]
        gh = jnp.dot(hv, whh_ref[...], preferred_element_type=jnp.float32) + bhh_ref[...]
        r = jax.nn.sigmoid(gi[:, 0:128] + gh[:, 0:128])
        z = jax.nn.sigmoid(gi[:, 128:256] + gh[:, 128:256])
        nn = jnp.tanh(gi[:, 256:384] + r * gh[:, 256:384])
        o_ref[...] = (1.0 - z) * nn + z * hv

    return pl.pallas_call(
        body,
        out_shape=jax.ShapeDtypeStruct((gn, 128), jnp.float32),
    )(h_p, parts_p, wr_bd, br_rep, wih_big, whh_big, bih_big, bhh_big)


def _tc_set2set(h_state, batch_col, wi_t, wh_t, bi_row, bh_row,
                o1m, o1b, o2m, o2b, m_steps, n_graphs):
    n, h = h_state.shape

    def body(h_ref, b_ref, wi_ref, wh_ref, bi_ref, bh_ref,
             o1_ref, o1b_ref, o2_ref, o2b_ref, out_ref):
        hv = h_ref[...]
        seg = b_ref[...]
        gid = lax.broadcasted_iota(jnp.int32, (n, n_graphs), 1)
        mask = seg == gid
        onehot = mask.astype(jnp.float32)

        q_star = jnp.zeros((n_graphs, 2 * h), jnp.float32)
        lh = jnp.zeros((n_graphs, h), jnp.float32)
        lc = jnp.zeros((n_graphs, h), jnp.float32)
        for _ in range(m_steps):
            g = (jnp.dot(q_star, wi_ref[...], preferred_element_type=jnp.float32)
                 + bi_ref[...]
                 + jnp.dot(lh, wh_ref[...], preferred_element_type=jnp.float32)
                 + bh_ref[...])
            i_ = jax.nn.sigmoid(g[:, 0:h])
            f_ = jax.nn.sigmoid(g[:, h:2 * h])
            c_ = jnp.tanh(g[:, 2 * h:3 * h])
            o_ = jax.nn.sigmoid(g[:, 3 * h:4 * h])
            lc = f_ * lc + i_ * c_
            lh = o_ * jnp.tanh(lc)
            q = lh
            qpn = jnp.dot(onehot, q, preferred_element_type=jnp.float32)
            e = jnp.sum(hv * qpn, axis=1, keepdims=True)
            me = jnp.where(mask, e, -3e38)
            emax = jnp.max(me, axis=0, keepdims=True)
            emax = jnp.where(emax > -1e38, emax, 0.0)
            eg = jnp.sum(onehot * emax, axis=1, keepdims=True)
            ee = jnp.exp(e - eg)
            den = jnp.sum(onehot * ee, axis=0, keepdims=True)
            dg = jnp.sum(onehot * den, axis=1, keepdims=True)
            a = ee / (dg + 1e-16)
            wgt = onehot * a
            rvec = lax.dot_general(wgt, hv, (((0,), (0,)), ((), ())),
                                   preferred_element_type=jnp.float32)
            q_star = jnp.concatenate([q, rvec], axis=1)

        s = jax.nn.silu(
            jnp.dot(q_star, o1_ref[...], preferred_element_type=jnp.float32)
            + o1b_ref[...])
        out_ref[...] = (jnp.dot(s, o2_ref[...], preferred_element_type=jnp.float32)
                        + o2b_ref[...])

    return pl.pallas_call(
        body,
        out_shape=jax.ShapeDtypeStruct((n_graphs, 1), jnp.float32),
    )(h_state, batch_col, wi_t, wh_t, bi_row, bh_row, o1m, o1b, o2m, o2b)



def kernel(x, edge_index, edge_attr, pos, batch, W1, b1, A1, a1, A2, a2,
           Wr, br, Wih, Whh, bih, bhh, Wi, Wh, bi, bh, O1, o1, O2, o2):
    n, d_in = x.shape
    e_total = edge_index.shape[1]
    h = W1.shape[1]
    m_steps = 3
    num_layers = 4
    b_graphs = 16
    ge = e_total // 8
    gn = n // 8

    row = edge_index[0]
    col = edge_index[1]

    eye8 = np.eye(8, dtype=np.float32)
    eye16 = np.eye(16, dtype=np.float32)
    sg = jnp.asarray(np.kron(eye8, np.ones((16, 1), np.float32)))
    c_ea = jnp.kron(eye8, A1[:4])
    c_dist = jnp.kron(eye8, A1[4:5])
    a1rep = jnp.tile(a1.reshape(1, 2 * h), (1, 8))
    a2perm = A2.reshape(2 * h, h, h).transpose(0, 2, 1).reshape(2 * h, h * h)
    a2bd4 = jnp.kron(jnp.eye(4, dtype=jnp.float32), a2perm)
    a2rep = jnp.tile(a2.reshape(h, h).T.reshape(1, h * h), (1, 8))
    t16 = np.tile(eye16, (1, 16))
    s16 = np.repeat(eye16, 16, axis=0)
    tbd = jnp.asarray(np.kron(eye8, t16))
    sbd = jnp.asarray(np.kron(eye8, s16))
    w1big = jnp.kron(jnp.eye(8, dtype=jnp.float32), W1)
    b1rep = jnp.tile(b1.reshape(1, h), (1, 8))
    wr_bd = jnp.kron(jnp.eye(8, dtype=jnp.float32), Wr)
    br_rep = jnp.tile(br.reshape(1, h), (1, 8))
    wih_t = Wih.T
    whh_t = Whh.T
    wih_big = jnp.concatenate(
        [jnp.kron(jnp.eye(8, dtype=jnp.float32),
                  wih_t[:, 16 * g:16 * (g + 1)]) for g in range(3)], axis=1)
    whh_big = jnp.concatenate(
        [jnp.kron(jnp.eye(8, dtype=jnp.float32),
                  whh_t[:, 16 * g:16 * (g + 1)]) for g in range(3)], axis=1)
    bih_big = jnp.concatenate(
        [jnp.tile(bih[16 * g:16 * (g + 1)].reshape(1, 16), (1, 8))
         for g in range(3)], axis=1)
    bhh_big = jnp.concatenate(
        [jnp.tile(bhh[16 * g:16 * (g + 1)].reshape(1, 16), (1, 8))
         for g in range(3)], axis=1)

    pos16 = jnp.zeros((n, 16), jnp.float32).at[:, :3].set(pos)
    ea32 = edge_attr.reshape(ge, 32)
    zeros_init = jnp.zeros((n, h), jnp.float32)
    x_p = x.reshape(gn, 8 * d_in)

    pr, pc = _sc_gather(pos16, [row, col])
    z_p = _tc_z(pr.reshape(ge, 128), pc.reshape(ge, 128), ea32,
                sg, c_ea, c_dist, a1rep)
    h_p = _tc_h0(x_p, w1big, b1rep)

    for _ in range(num_layers):
        (u,) = _sc_gather(h_p.reshape(n, h), [row])
        msg_p = _tc_msg(z_p, u.reshape(ge, 128), a2bd4, a2rep, tbd, sbd)
        parts = _sc_scatter_add(msg_p.reshape(e_total, h), col, zeros_init)
        h_p = _tc_gru(h_p, parts.reshape(2 * gn, 128), wr_bd, br_rep,
                      wih_big, whh_big, bih_big, bhh_big)

    out = _tc_set2set(h_p.reshape(n, h), batch.reshape(n, 1), Wi.T, Wh.T,
                      bi.reshape(1, 4 * h), bh.reshape(1, 4 * h),
                      O1, o1.reshape(1, h), O2, o2.reshape(1, 1),
                      m_steps, b_graphs)
    return jnp.squeeze(out)

# --- scband reference (transcript-rebuilt; emitter-appended) ---
"""Pipeline reference for scband-spatial-gnn-12867722018827 (READ-ONLY COPY).

The authoritative reference and input builder live on the scoring server;
editing this copy changes nothing except your own understanding.
"""

import jax, jax.numpy as jnp
import numpy as np

N = 10000
E = 160000
D_IN = 128
H = 16
D_EDGE = 4
NUM_LAYERS = 4
M_STEPS = 3
B = 16


def _p(k, shape):
    fan_in = shape[0] if len(shape) > 1 else shape[0]
    return jax.random.normal(k, shape, dtype=jnp.float32) * (1.0 / np.sqrt(fan_in))


def setup_inputs(seed: int = 0) -> dict:
    key = jax.random.key(seed)
    ks = jax.random.split(key, 30)
    inp = {}
    inp["x"] = jax.random.normal(ks[0], (N, D_IN), dtype=jnp.float32)
    inp["edge_index"] = jax.random.randint(ks[1], (2, E), 0, N, dtype=jnp.int32)
    inp["edge_attr"] = jax.random.normal(ks[2], (E, D_EDGE), dtype=jnp.float32)
    inp["pos"] = jax.random.normal(ks[3], (N, 3), dtype=jnp.float32)
    inp["batch"] = jnp.sort(jax.random.randint(ks[4], (N,), 0, B, dtype=jnp.int32))
    # first layer
    inp["W1"] = _p(ks[5], (D_IN, H)); inp["b1"] = jnp.zeros((H,), jnp.float32)
    # edge-conditioned weight MLP: Linear(edge_feat_dim+1, 2H) -> SiLU -> Linear(2H, H*H)
    inp["A1"] = _p(ks[6], (D_EDGE + 1, 2 * H)); inp["a1"] = jnp.zeros((2 * H,), jnp.float32)
    inp["A2"] = _p(ks[7], (2 * H, H * H)); inp["a2"] = jnp.zeros((H * H,), jnp.float32)
    # NNConv root weight
    inp["Wr"] = _p(ks[8], (H, H)); inp["br"] = jnp.zeros((H,), jnp.float32)
    # GRU (single layer, input H, hidden H)
    inp["Wih"] = _p(ks[9], (3 * H, H)); inp["Whh"] = _p(ks[10], (3 * H, H))
    inp["bih"] = jnp.zeros((3 * H,), jnp.float32); inp["bhh"] = jnp.zeros((3 * H,), jnp.float32)
    # Set2Set LSTM (input 2H, hidden H)
    inp["Wi"] = _p(ks[11], (4 * H, 2 * H)); inp["Wh"] = _p(ks[12], (4 * H, H))
    inp["bi"] = jnp.zeros((4 * H,), jnp.float32); inp["bh"] = jnp.zeros((4 * H,), jnp.float32)
    # output MLP: Linear(2H, H) -> SiLU -> Linear(H, 1)
    inp["O1"] = _p(ks[13], (2 * H, H)); inp["o1"] = jnp.zeros((H,), jnp.float32)
    inp["O2"] = _p(ks[14], (H, 1)); inp["o2"] = jnp.zeros((1,), jnp.float32)
    return inp


def reference(x, edge_index, edge_attr, pos, batch, W1, b1, A1, a1, A2, a2, Wr, br,
              Wih, Whh, bih, bhh, Wi, Wh, bi, bh, O1, o1, O2, o2):
    silu = jax.nn.silu
    row = edge_index[0]
    col = edge_index[1]
    # positional edge feature: Euclidean distance appended to edge_attr
    dist = jnp.sqrt(jnp.sum((pos[row] - pos[col]) ** 2, axis=-1, keepdims=True) + 1e-12)
    e_in = jnp.concatenate([edge_attr, dist], axis=-1)  # [E, D_EDGE+1]
    h = silu(x @ W1 + b1)  # [N, H]
    hid = h  # GRU hidden state
    for _ in range(NUM_LAYERS):
        # edge-conditioned weights (NNConv): h_Theta(e_ij) -> [E, H, H]
        We = (silu(e_in @ A1 + a1) @ A2 + a2).reshape(E, H, H)
        msg = jnp.einsum('eh,eho->eo', h[row], We)  # gather x_j, per-edge matmul
        aggr = jax.ops.segment_sum(msg, col, num_segments=N)  # scatter-add to dst
        hc = silu(h @ Wr + br + aggr)
        # GRU step (seq_len=1)
        gi = hc @ Wih.T + bih
        gh = hid @ Whh.T + bhh
        ir, iz, inn = jnp.split(gi, 3, axis=-1)
        hr, hz, hn = jnp.split(gh, 3, axis=-1)
        r = jax.nn.sigmoid(ir + hr)
        z = jax.nn.sigmoid(iz + hz)
        n = jnp.tanh(inn + r * hn)
        hid = (1.0 - z) * n + z * hid
        h = hid
    # Set2Set pooling over graphs (segment ids = batch)
    q_star = jnp.zeros((B, 2 * H), dtype=h.dtype)
    lh = jnp.zeros((B, H), dtype=h.dtype)
    lc = jnp.zeros((B, H), dtype=h.dtype)
    for _ in range(M_STEPS):
        g = q_star @ Wi.T + bi + lh @ Wh.T + bh
        gi_, gf_, gg_, go_ = jnp.split(g, 4, axis=-1)
        i_ = jax.nn.sigmoid(gi_); f_ = jax.nn.sigmoid(gf_)
        c_ = jnp.tanh(gg_); o_ = jax.nn.sigmoid(go_)
        lc = f_ * lc + i_ * c_
        lh = o_ * jnp.tanh(lc)
        q = lh  # [B, H]
        e = jnp.sum(h * q[batch], axis=-1)  # [N]
        emax = jax.ops.segment_max(e, batch, num_segments=B)
        emax = jnp.where(jnp.isfinite(emax), emax, 0.0)
        ee = jnp.exp(e - emax[batch])
        denom = jax.ops.segment_sum(ee, batch, num_segments=B)
        a = ee / (denom[batch] + 1e-16)
        rvec = jax.ops.segment_sum(a[:, None] * h, batch, num_segments=B)
        q_star = jnp.concatenate([q, rvec], axis=-1)
    out = silu(q_star @ O1 + o1) @ O2 + o2  # [B, 1]
    return jnp.squeeze(out)

if __name__ == "__main__":
    import jax
    _d = setup_inputs()
    print(jax.jit(kernel)(*tuple(_d.values())))

</pallas_src>

<mosaic_0001>
#map = affine_map<(d0, d1) -> (0, 0)>
#map1 = affine_map<(d0, d1) -> (0)>
module attributes {stable_mosaic.version = 14 : i64} {
  func.func @k(%arg0: i32, %arg1: i32, %arg2: memref<10000x16xf32, #tpu.memory_space<hbm>>, %arg3: memref<160000xi32, #tpu.memory_space<hbm>>, %arg4: memref<160000x16xf32, #tpu.memory_space<hbm>>, %arg5: memref<5000xi32, #tpu.memory_space<vmem>>, %arg6: memref<5000x16xf32, #tpu.memory_space<vmem>>, %arg7: memref<!tpu.dma_semaphore, #tpu.memory_space<semaphore_mem>>) attributes {dimension_semantics = [#tpu.dimension_semantics<core_parallel>, #tpu.dimension_semantics<subcore_parallel>], iteration_bounds = array<i64: 2, 16>, scalar_prefetch = 0 : i64, scratch_operands = 3 : i64, tpu.core_type = #tpu.core_type<sc_vector_subcore>, window_params = [{transform_indices = #map}, {transform_indices = #map1}, {transform_indices = #map}]} {
    %mul3A = arith.constant 2 : i32
    %mul3A_0 = arith.muli %arg1, %mul3A : i32
    %add3A = arith.addi %mul3A_0, %arg0 : i32
    %mul3A_1 = arith.constant 5000 : i32
    %mul3A_2 = arith.muli %add3A, %mul3A_1 : i32
    "tpu.region"() ({
      %run_scoped3A = tpu.sem_alloc : memref<!tpu.dma_semaphore, #tpu.memory_space<semaphore_mem>>
      %dma_start3A_7 = tpu.memref_slice %arg3[%mul3A_2] : memref<160000xi32, #tpu.memory_space<hbm>> -> memref<5000xi32, #tpu.memory_space<hbm>>
      %dma_start3A_8 = tpu.memref_slice %arg3[%mul3A_2] : memref<160000xi32, #tpu.memory_space<hbm>> -> memref<5000xi32, #tpu.memory_space<hbm>>
      tpu.enqueue_dma source(%dma_start3A_8 : memref<5000xi32, #tpu.memory_space<hbm>>) target(%arg5 : memref<5000xi32, #tpu.memory_space<vmem>>) target_semaphore(%run_scoped3A : memref<!tpu.dma_semaphore, #tpu.memory_space<semaphore_mem>>)
      %dma_wait3A_9 = tpu.memref_slice %arg3[%mul3A_2] : memref<160000xi32, #tpu.memory_space<hbm>> -> memref<5000xi32, #tpu.memory_space<hbm>>
      %dma_wait3A_10 = tpu.memref_slice %arg3[%mul3A_2] : memref<160000xi32, #tpu.memory_space<hbm>> -> memref<5000xi32, #tpu.memory_space<hbm>>
      tpu.wait_dma2 semaphore(%run_scoped3A : memref<!tpu.dma_semaphore, #tpu.memory_space<semaphore_mem>>) src(%dma_wait3A_10 : memref<5000xi32, #tpu.memory_space<hbm>>) dst(%arg5 : memref<5000xi32, #tpu.memory_space<vmem>>)
      tpu.yield
    }) : () -> ()
    %dma_start3A = arith.constant 0 : i32
    %dma_start3A_3 = arith.constant 0 : i32
    %dma_start3A_4 = tpu.memref_slice %arg2[%dma_start3A, %dma_start3A_3] : memref<10000x16xf32, #tpu.memory_space<hbm>> -> memref<10000x16xf32, #tpu.memory_space<hbm>>
    tpu.enqueue_indirect_dma source(%dma_start3A_4 : memref<10000x16xf32, #tpu.memory_space<hbm>>) target(%arg6 : memref<5000x16xf32, #tpu.memory_space<vmem>>) offsets(%arg5 : memref<5000xi32, #tpu.memory_space<vmem>>) semaphore(%arg7 : memref<!tpu.dma_semaphore, #tpu.memory_space<semaphore_mem>>)
    %dma_wait3A = arith.constant 0 : i32
    %dma_wait3A_5 = arith.constant 0 : i32
    %dma_wait3A_6 = tpu.memref_slice %arg2[%dma_wait3A, %dma_wait3A_5] : memref<10000x16xf32, #tpu.memory_space<hbm>> -> memref<10000x16xf32, #tpu.memory_space<hbm>>
    tpu.wait_indirect_dma semaphore(%arg7 : memref<!tpu.dma_semaphore, #tpu.memory_space<semaphore_mem>>) src(%dma_wait3A_6 : memref<10000x16xf32, #tpu.memory_space<hbm>>) dst(%arg6 : memref<5000x16xf32, #tpu.memory_space<vmem>>)
    "tpu.region"() ({
      %run_scoped3A = tpu.sem_alloc : memref<!tpu.dma_semaphore, #tpu.memory_space<semaphore_mem>>
      %dma_start3A_7 = arith.constant 0 : i32
      %dma_start3A_8 = tpu.memref_slice %arg4[%mul3A_2, %dma_start3A_7] : memref<160000x16xf32, #tpu.memory_space<hbm>> -> memref<5000x16xf32, #tpu.memory_space<hbm>>
      %dma_start3A_9 = arith.constant 0 : i32
      %dma_start3A_10 = tpu.memref_slice %arg4[%mul3A_2, %dma_start3A_9] : memref<160000x16xf32, #tpu.memory_space<hbm>> -> memref<5000x16xf32, #tpu.memory_space<hbm>>
      tpu.enqueue_dma source(%arg6 : memref<5000x16xf32, #tpu.memory_space<vmem>>) target(%dma_start3A_10 : memref<5000x16xf32, #tpu.memory_space<hbm>>) target_semaphore(%run_scoped3A : memref<!tpu.dma_semaphore, #tpu.memory_space<semaphore_mem>>)
      %dma_wait3A_11 = arith.constant 0 : i32
      %dma_wait3A_12 = tpu.memref_slice %arg4[%mul3A_2, %dma_wait3A_11] : memref<160000x16xf32, #tpu.memory_space<hbm>> -> memref<5000x16xf32, #tpu.memory_space<hbm>>
      %dma_wait3A_13 = arith.constant 0 : i32
      %dma_wait3A_14 = tpu.memref_slice %arg4[%mul3A_2, %dma_wait3A_13] : memref<160000x16xf32, #tpu.memory_space<hbm>> -> memref<5000x16xf32, #tpu.memory_space<hbm>>
      tpu.wait_dma2 semaphore(%run_scoped3A : memref<!tpu.dma_semaphore, #tpu.memory_space<semaphore_mem>>) src(%arg6 : memref<5000x16xf32, #tpu.memory_space<vmem>>) dst(%dma_wait3A_14 : memref<5000x16xf32, #tpu.memory_space<hbm>>)
      tpu.yield
    }) : () -> ()
    return
  }
}

#map = affine_map<(d0, d1) -> (0, 0)>
#map1 = affine_map<(d0, d1) -> (0)>
module attributes {stable_mosaic.version = 14 : i64} {
  func.func @k(%arg0: i32, %arg1: i32, %arg2: memref<10000x16xf32, #tpu.memory_space<hbm>>, %arg3: memref<160000xi32, #tpu.memory_space<hbm>>, %arg4: memref<160000xi32, #tpu.memory_space<hbm>>, %arg5: memref<160000x16xf32, #tpu.memory_space<hbm>>, %arg6: memref<160000x16xf32, #tpu.memory_space<hbm>>, %arg7: memref<5000xi32, #tpu.memory_space<vmem>>, %arg8: memref<5000x16xf32, #tpu.memory_space<vmem>>, %arg9: memref<!tpu.dma_semaphore, #tpu.memory_space<semaphore_mem>>) attributes {dimension_semantics = [#tpu.dimension_semantics<core_parallel>, #tpu.dimension_semantics<subcore_parallel>], iteration_bounds = array<i64: 2, 16>, scalar_prefetch = 0 : i64, scratch_operands = 3 : i64, tpu.core_type = #tpu.core_type<sc_vector_subcore>, window_params = [{transform_indices = #map}, {transform_indices = #map1}, {transform_indices = #map1}, {transform_indices = #map}, {transform_indices = #map}]} {
    %mul3A = arith.constant 2 : i32
    %mul3A_0 = arith.muli %arg1, %mul3A : i32
    %add3A = arith.addi %mul3A_0, %arg0 : i32
    %mul3A_1 = arith.constant 5000 : i32
    %mul3A_2 = arith.muli %add3A, %mul3A_1 : i32
    "tpu.region"() ({
      %run_scoped3A = tpu.sem_alloc : memref<!tpu.dma_semaphore, #tpu.memory_space<semaphore_mem>>
      %dma_start3A_13 = tpu.memref_slice %arg3[%mul3A_2] : memref<160000xi32, #tpu.memory_space<hbm>> -> memref<5000xi32, #tpu.memory_space<hbm>>
      %dma_start3A_14 = tpu.memref_slice %arg3[%mul3A_2] : memref<160000xi32, #tpu.memory_space<hbm>> -> memref<5000xi32, #tpu.memory_space<hbm>>
      tpu.enqueue_dma source(%dma_start3A_14 : memref<5000xi32, #tpu.memory_space<hbm>>) target(%arg7 : memref<5000xi32, #tpu.memory_space<vmem>>) target_semaphore(%run_scoped3A : memref<!tpu.dma_semaphore, #tpu.memory_space<semaphore_mem>>)
      %dma_wait3A_15 = tpu.memref_slice %arg3[%mul3A_2] : memref<160000xi32, #tpu.memory_space<hbm>> -> memref<5000xi32, #tpu.memory_space<hbm>>
      %dma_wait3A_16 = tpu.memref_slice %arg3[%mul3A_2] : memref<160000xi32, #tpu.memory_space<hbm>> -> memref<5000xi32, #tpu.memory_space<hbm>>
      tpu.wait_dma2 semaphore(%run_scoped3A : memref<!tpu.dma_semaphore, #tpu.memory_space<semaphore_mem>>) src(%dma_wait3A_16 : memref<5000xi32, #tpu.memory_space<hbm>>) dst(%arg7 : memref<5000xi32, #tpu.memory_space<vmem>>)
      tpu.yield
    }) : () -> ()
    %dma_start3A = arith.constant 0 : i32
    %dma_start3A_3 = arith.constant 0 : i32
    %dma_start3A_4 = tpu.memref_slice %arg2[%dma_start3A, %dma_start3A_3] : memref<10000x16xf32, #tpu.memory_space<hbm>> -> memref<10000x16xf32, #tpu.memory_space<hbm>>
    tpu.enqueue_indirect_dma source(%dma_start3A_4 : memref<10000x16xf32, #tpu.memory_space<hbm>>) target(%arg8 : memref<5000x16xf32, #tpu.memory_space<vmem>>) offsets(%arg7 : memref<5000xi32, #tpu.memory_space<vmem>>) semaphore(%arg9 : memref<!tpu.dma_semaphore, #tpu.memory_space<semaphore_mem>>)
    %dma_wait3A = arith.constant 0 : i32
    %dma_wait3A_5 = arith.constant 0 : i32
    %dma_wait3A_6 = tpu.memref_slice %arg2[%dma_wait3A, %dma_wait3A_5] : memref<10000x16xf32, #tpu.memory_space<hbm>> -> memref<10000x16xf32, #tpu.memory_space<hbm>>
    tpu.wait_indirect_dma semaphore(%arg9 : memref<!tpu.dma_semaphore, #tpu.memory_space<semaphore_mem>>) src(%dma_wait3A_6 : memref<10000x16xf32, #tpu.memory_space<hbm>>) dst(%arg8 : memref<5000x16xf32, #tpu.memory_space<vmem>>)
    "tpu.region"() ({
      %run_scoped3A = tpu.sem_alloc : memref<!tpu.dma_semaphore, #tpu.memory_space<semaphore_mem>>
      %dma_start3A_13 = arith.constant 0 : i32
      %dma_start3A_14 = tpu.memref_slice %arg5[%mul3A_2, %dma_start3A_13] : memref<160000x16xf32, #tpu.memory_space<hbm>> -> memref<5000x16xf32, #tpu.memory_space<hbm>>
      %dma_start3A_15 = arith.constant 0 : i32
      %dma_start3A_16 = tpu.memref_slice %arg5[%mul3A_2, %dma_start3A_15] : memref<160000x16xf32, #tpu.memory_space<hbm>> -> memref<5000x16xf32, #tpu.memory_space<hbm>>
      tpu.enqueue_dma source(%arg8 : memref<5000x16xf32, #tpu.memory_space<vmem>>) target(%dma_start3A_16 : memref<5000x16xf32, #tpu.memory_space<hbm>>) target_semaphore(%run_scoped3A : memref<!tpu.dma_semaphore, #tpu.memory_space<semaphore_mem>>)
      %dma_wait3A_17 = arith.constant 0 : i32
      %dma_wait3A_18 = tpu.memref_slice %arg5[%mul3A_2, %dma_wait3A_17] : memref<160000x16xf32, #tpu.memory_space<hbm>> -> memref<5000x16xf32, #tpu.memory_space<hbm>>
      %dma_wait3A_19 = arith.constant 0 : i32
      %dma_wait3A_20 = tpu.memref_slice %arg5[%mul3A_2, %dma_wait3A_19] : memref<160000x16xf32, #tpu.memory_space<hbm>> -> memref<5000x16xf32, #tpu.memory_space<hbm>>
      tpu.wait_dma2 semaphore(%run_scoped3A : memref<!tpu.dma_semaphore, #tpu.memory_space<semaphore_mem>>) src(%arg8 : memref<5000x16xf32, #tpu.memory_space<vmem>>) dst(%dma_wait3A_20 : memref<5000x16xf32, #tpu.memory_space<hbm>>)
      tpu.yield
    }) : () -> ()
    "tpu.region"() ({
      %run_scoped3A = tpu.sem_alloc : memref<!tpu.dma_semaphore, #tpu.memory_space<semaphore_mem>>
      %dma_start3A_13 = tpu.memref_slice %arg4[%mul3A_2] : memref<160000xi32, #tpu.memory_space<hbm>> -> memref<5000xi32, #tpu.memory_space<hbm>>
      %dma_start3A_14 = tpu.memref_slice %arg4[%mul3A_2] : memref<160000xi32, #tpu.memory_space<hbm>> -> memref<5000xi32, #tpu.memory_space<hbm>>
      tpu.enqueue_dma source(%dma_start3A_14 : memref<5000xi32, #tpu.memory_space<hbm>>) target(%arg7 : memref<5000xi32, #tpu.memory_space<vmem>>) target_semaphore(%run_scoped3A : memref<!tpu.dma_semaphore, #tpu.memory_space<semaphore_mem>>)
      %dma_wait3A_15 = tpu.memref_slice %arg4[%mul3A_2] : memref<160000xi32, #tpu.memory_space<hbm>> -> memref<5000xi32, #tpu.memory_space<hbm>>
      %dma_wait3A_16 = tpu.memref_slice %arg4[%mul3A_2] : memref<160000xi32, #tpu.memory_space<hbm>> -> memref<5000xi32, #tpu.memory_space<hbm>>
      tpu.wait_dma2 semaphore(%run_scoped3A : memref<!tpu.dma_semaphore, #tpu.memory_space<semaphore_mem>>) src(%dma_wait3A_16 : memref<5000xi32, #tpu.memory_space<hbm>>) dst(%arg7 : memref<5000xi32, #tpu.memory_space<vmem>>)
      tpu.yield
    }) : () -> ()
    %dma_start3A_7 = arith.constant 0 : i32
    %dma_start3A_8 = arith.constant 0 : i32
    %dma_start3A_9 = tpu.memref_slice %arg2[%dma_start3A_7, %dma_start3A_8] : memref<10000x16xf32, #tpu.memory_space<hbm>> -> memref<10000x16xf32, #tpu.memory_space<hbm>>
    tpu.enqueue_indirect_dma source(%dma_start3A_9 : memref<10000x16xf32, #tpu.memory_space<hbm>>) target(%arg8 : memref<5000x16xf32, #tpu.memory_space<vmem>>) offsets(%arg7 : memref<5000xi32, #tpu.memory_space<vmem>>) semaphore(%arg9 : memref<!tpu.dma_semaphore, #tpu.memory_space<semaphore_mem>>)
    %dma_wait3A_10 = arith.constant 0 : i32
    %dma_wait3A_11 = arith.constant 0 : i32
    %dma_wait3A_12 = tpu.memref_slice %arg2[%dma_wait3A_10, %dma_wait3A_11] : memref<10000x16xf32, #tpu.memory_space<hbm>> -> memref<10000x16xf32, #tpu.memory_space<hbm>>
    tpu.wait_indirect_dma semaphore(%arg9 : memref<!tpu.dma_semaphore, #tpu.memory_space<semaphore_mem>>) src(%dma_wait3A_12 : memref<10000x16xf32, #tpu.memory_space<hbm>>) dst(%arg8 : memref<5000x16xf32, #tpu.memory_space<vmem>>)
    "tpu.region"() ({
      %run_scoped3A = tpu.sem_alloc : memref<!tpu.dma_semaphore, #tpu.memory_space<semaphore_mem>>
      %dma_start3A_13 = arith.constant 0 : i32
      %dma_start3A_14 = tpu.memref_slice %arg6[%mul3A_2, %dma_start3A_13] : memref<160000x16xf32, #tpu.memory_space<hbm>> -> memref<5000x16xf32, #tpu.memory_space<hbm>>
      %dma_start3A_15 = arith.constant 0 : i32
      %dma_start3A_16 = tpu.memref_slice %arg6[%mul3A_2, %dma_start3A_15] : memref<160000x16xf32, #tpu.memory_space<hbm>> -> memref<5000x16xf32, #tpu.memory_space<hbm>>
      tpu.enqueue_dma source(%arg8 : memref<5000x16xf32, #tpu.memory_space<vmem>>) target(%dma_start3A_16 : memref<5000x16xf32, #tpu.memory_space<hbm>>) target_semaphore(%run_scoped3A : memref<!tpu.dma_semaphore, #tpu.memory_space<semaphore_mem>>)
      %dma_wait3A_17 = arith.constant 0 : i32
      %dma_wait3A_18 = tpu.memref_slice %arg6[%mul3A_2, %dma_wait3A_17] : memref<160000x16xf32, #tpu.memory_space<hbm>> -> memref<5000x16xf32, #tpu.memory_space<hbm>>
      %dma_wait3A_19 = arith.constant 0 : i32
      %dma_wait3A_20 = tpu.memref_slice %arg6[%mul3A_2, %dma_wait3A_19] : memref<160000x16xf32, #tpu.memory_space<hbm>> -> memref<5000x16xf32, #tpu.memory_space<hbm>>
      tpu.wait_dma2 semaphore(%run_scoped3A : memref<!tpu.dma_semaphore, #tpu.memory_space<semaphore_mem>>) src(%arg8 : memref<5000x16xf32, #tpu.memory_space<vmem>>) dst(%dma_wait3A_20 : memref<5000x16xf32, #tpu.memory_space<hbm>>)
      tpu.yield
    }) : () -> ()
    return
  }
}

#map = affine_map<(d0, d1) -> (0, 0)>
#map1 = affine_map<(d0, d1) -> (0)>
module attributes {stable_mosaic.version = 14 : i64} {
  func.func @k(%arg0: i32, %arg1: i32, %arg2: memref<160000x16xf32, #tpu.memory_space<hbm>>, %arg3: memref<160000xi32, #tpu.memory_space<hbm>>, %arg4: memref<10000x16xf32, #tpu.memory_space<hbm>>, %arg5: memref<20000x16xf32, #tpu.memory_space<hbm>>, %arg6: memref<5000xi32, #tpu.memory_space<vmem>>, %arg7: memref<5000x16xf32, #tpu.memory_space<vmem>>, %arg8: memref<10000x16xf32, #tpu.memory_space<vmem_shared>>, %arg9: memref<!tpu.dma_semaphore, #tpu.memory_space<semaphore_mem>>) attributes {dimension_semantics = [#tpu.dimension_semantics<core_parallel>, #tpu.dimension_semantics<subcore_parallel>], iteration_bounds = array<i64: 2, 16>, scalar_prefetch = 0 : i64, scratch_operands = 4 : i64, tpu.core_type = #tpu.core_type<sc_vector_subcore>, window_params = [{transform_indices = #map}, {transform_indices = #map1}, {transform_indices = #map}, {transform_indices = #map}]} {
    %mul3A = arith.constant 16 : i32
    %mul3A_0 = arith.muli %arg0, %mul3A : i32
    %add3A = arith.addi %mul3A_0, %arg1 : i32
    %mul3A_1 = arith.constant 5000 : i32
    %mul3A_2 = arith.muli %add3A, %mul3A_1 : i32
    %eq3A = arith.constant 0 : i32
    %eq3A_3 = arith.cmpi eq, %arg1, %eq3A : i32
    %convert_element_type3A = arith.extui %eq3A_3 : i1 to i32
    %cond3A = arith.constant 0 : i32
    %cond3A_4 = arith.cmpi ne, %convert_element_type3A, %cond3A : i32
    scf.if %cond3A_4 {
      "tpu.region"() ({
        %run_scoped3A = tpu.sem_alloc : memref<!tpu.dma_semaphore, #tpu.memory_space<semaphore_mem>>
        tpu.enqueue_dma source(%arg4 : memref<10000x16xf32, #tpu.memory_space<hbm>>) target(%arg8 : memref<10000x16xf32, #tpu.memory_space<vmem_shared>>) target_semaphore(%run_scoped3A : memref<!tpu.dma_semaphore, #tpu.memory_space<semaphore_mem>>)
        tpu.wait_dma2 semaphore(%run_scoped3A : memref<!tpu.dma_semaphore, #tpu.memory_space<semaphore_mem>>) src(%arg4 : memref<10000x16xf32, #tpu.memory_space<hbm>>) dst(%arg8 : memref<10000x16xf32, #tpu.memory_space<vmem_shared>>)
        tpu.yield
      }) : () -> ()
    } else {
    }
    %barrier3A = arith.constant 0 : index
    tpu.barrier barrier_id(%barrier3A)
    "tpu.region"() ({
      %run_scoped3A = tpu.sem_alloc : memref<!tpu.dma_semaphore, #tpu.memory_space<semaphore_mem>>
      %dma_start3A = tpu.memref_slice %arg3[%mul3A_2] : memref<160000xi32, #tpu.memory_space<hbm>> -> memref<5000xi32, #tpu.memory_space<hbm>>
      %dma_start3A_13 = tpu.memref_slice %arg3[%mul3A_2] : memref<160000xi32, #tpu.memory_space<hbm>> -> memref<5000xi32, #tpu.memory_space<hbm>>
      tpu.enqueue_dma source(%dma_start3A_13 : memref<5000xi32, #tpu.memory_space<hbm>>) target(%arg6 : memref<5000xi32, #tpu.memory_space<vmem>>) target_semaphore(%run_scoped3A : memref<!tpu.dma_semaphore, #tpu.memory_space<semaphore_mem>>)
      %dma_wait3A = tpu.memref_slice %arg3[%mul3A_2] : memref<160000xi32, #tpu.memory_space<hbm>> -> memref<5000xi32, #tpu.memory_space<hbm>>
      %dma_wait3A_14 = tpu.memref_slice %arg3[%mul3A_2] : memref<160000xi32, #tpu.memory_space<hbm>> -> memref<5000xi32, #tpu.memory_space<hbm>>
      tpu.wait_dma2 semaphore(%run_scoped3A : memref<!tpu.dma_semaphore, #tpu.memory_space<semaphore_mem>>) src(%dma_wait3A_14 : memref<5000xi32, #tpu.memory_space<hbm>>) dst(%arg6 : memref<5000xi32, #tpu.memory_space<vmem>>)
      tpu.yield
    }) : () -> ()
    "tpu.region"() ({
      %run_scoped3A = tpu.sem_alloc : memref<!tpu.dma_semaphore, #tpu.memory_space<semaphore_mem>>
      %dma_start3A = arith.constant 0 : i32
      %dma_start3A_13 = tpu.memref_slice %arg2[%mul3A_2, %dma_start3A] : memref<160000x16xf32, #tpu.memory_space<hbm>> -> memref<5000x16xf32, #tpu.memory_space<hbm>>
      %dma_start3A_14 = arith.constant 0 : i32
      %dma_start3A_15 = tpu.memref_slice %arg2[%mul3A_2, %dma_start3A_14] : memref<160000x16xf32, #tpu.memory_space<hbm>> -> memref<5000x16xf32, #tpu.memory_space<hbm>>
      tpu.enqueue_dma source(%dma_start3A_15 : memref<5000x16xf32, #tpu.memory_space<hbm>>) target(%arg7 : memref<5000x16xf32, #tpu.memory_space<vmem>>) target_semaphore(%run_scoped3A : memref<!tpu.dma_semaphore, #tpu.memory_space<semaphore_mem>>)
      %dma_wait3A = arith.constant 0 : i32
      %dma_wait3A_16 = tpu.memref_slice %arg2[%mul3A_2, %dma_wait3A] : memref<160000x16xf32, #tpu.memory_space<hbm>> -> memref<5000x16xf32, #tpu.memory_space<hbm>>
      %dma_wait3A_17 = arith.constant 0 : i32
      %dma_wait3A_18 = tpu.memref_slice %arg2[%mul3A_2, %dma_wait3A_17] : memref<160000x16xf32, #tpu.memory_space<hbm>> -> memref<5000x16xf32, #tpu.memory_space<hbm>>
      tpu.wait_dma2 semaphore(%run_scoped3A : memref<!tpu.dma_semaphore, #tpu.memory_space<semaphore_mem>>) src(%dma_wait3A_18 : memref<5000x16xf32, #tpu.memory_space<hbm>>) dst(%arg7 : memref<5000x16xf32, #tpu.memory_space<vmem>>)
      tpu.yield
    }) : () -> ()
    "tpu.region"() ({
      %run_scoped3A = tpu.sem_alloc : memref<!tpu.dma_semaphore, #tpu.memory_space<semaphore_mem>>
      %dma_start3A = arith.constant 0 : i32
      %dma_start3A_13 = arith.constant 0 : i32
      %dma_start3A_14 = tpu.memref_slice %arg8[%dma_start3A, %dma_start3A_13] : memref<10000x16xf32, #tpu.memory_space<vmem_shared>> -> memref<10000x16xf32, #tpu.memory_space<vmem_shared>>
      tpu.enqueue_indirect_dma source(%arg7 : memref<5000x16xf32, #tpu.memory_space<vmem>>) target(%dma_start3A_14 : memref<10000x16xf32, #tpu.memory_space<vmem_shared>>) offsets(%arg6 : memref<5000xi32, #tpu.memory_space<vmem>>) semaphore(%run_scoped3A : memref<!tpu.dma_semaphore, #tpu.memory_space<semaphore_mem>>) {add = true}
      %dma_wait3A = arith.constant 0 : i32
      %dma_wait3A_15 = arith.constant 0 : i32
      %dma_wait3A_16 = tpu.memref_slice %arg8[%dma_wait3A, %dma_wait3A_15] : memref<10000x16xf32, #tpu.memory_space<vmem_shared>> -> memref<10000x16xf32, #tpu.memory_space<vmem_shared>>
      tpu.wait_indirect_dma semaphore(%run_scoped3A : memref<!tpu.dma_semaphore, #tpu.memory_space<semaphore_mem>>) src(%arg7 : memref<5000x16xf32, #tpu.memory_space<vmem>>) dst(%dma_wait3A_16 : memref<10000x16xf32, #tpu.memory_space<vmem_shared>>)
      tpu.yield
    }) : () -> ()
    %barrier3A_5 = arith.constant 0 : index
    tpu.barrier barrier_id(%barrier3A_5)
    %mul3A_6 = arith.constant 625 : i32
    %mul3A_7 = arith.muli %arg1, %mul3A_6 : i32
    %mul3A_8 = arith.constant 10000 : i32
    %mul3A_9 = arith.muli %arg0, %mul3A_8 : i32
    %mul3A_10 = arith.constant 625 : i32
    %mul3A_11 = arith.muli %arg1, %mul3A_10 : i32
    %add3A_12 = arith.addi %mul3A_9, %mul3A_11 : i32
    "tpu.region"() ({
      %run_scoped3A = tpu.sem_alloc : memref<!tpu.dma_semaphore, #tpu.memory_space<semaphore_mem>>
      %dma_start3A = arith.constant 0 : i32
      %dma_start3A_13 = tpu.memref_slice %arg5[%add3A_12, %dma_start3A] : memref<20000x16xf32, #tpu.memory_space<hbm>> -> memref<625x16xf32, #tpu.memory_space<hbm>>
      %dma_start3A_14 = arith.constant 0 : i32
      %dma_start3A_15 = tpu.memref_slice %arg8[%mul3A_7, %dma_start3A_14] : memref<10000x16xf32, #tpu.memory_space<vmem_shared>> -> memref<625x16xf32, #tpu.memory_space<vmem_shared>>
      tpu.enqueue_dma source(%dma_start3A_15 : memref<625x16xf32, #tpu.memory_space<vmem_shared>>) target(%dma_start3A_13 : memref<625x16xf32, #tpu.memory_space<hbm>>) target_semaphore(%run_scoped3A : memref<!tpu.dma_semaphore, #tpu.memory_space<semaphore_mem>>)
      %dma_wait3A = arith.constant 0 : i32
      %dma_wait3A_16 = tpu.memref_slice %arg5[%add3A_12, %dma_wait3A] : memref<20000x16xf32, #tpu.memory_space<hbm>> -> memref<625x16xf32, #tpu.memory_space<hbm>>
      %dma_wait3A_17 = arith.constant 0 : i32
      %dma_wait3A_18 = tpu.memref_slice %arg8[%mul3A_7, %dma_wait3A_17] : memref<10000x16xf32, #tpu.memory_space<vmem_shared>> -> memref<625x16xf32, #tpu.memory_space<vmem_shared>>
      tpu.wait_dma2 semaphore(%run_scoped3A : memref<!tpu.dma_semaphore, #tpu.memory_space<semaphore_mem>>) src(%dma_wait3A_18 : memref<625x16xf32, #tpu.memory_space<vmem_shared>>) dst(%dma_wait3A_16 : memref<625x16xf32, #tpu.memory_space<hbm>>)
      tpu.yield
    }) : () -> ()
    return
  }
}

#map = affine_map<(d0, d1) -> (0, 0)>
#map1 = affine_map<(d0, d1) -> (0)>
module attributes {stable_mosaic.version = 14 : i64} {
  func.func @k(%arg0: i32, %arg1: i32, %arg2: memref<10000x16xf32, #tpu.memory_space<hbm>>, %arg3: memref<160000xi32, #tpu.memory_space<hbm>>, %arg4: memref<160000x16xf32, #tpu.memory_space<hbm>>, %arg5: memref<5000xi32, #tpu.memory_space<vmem>>, %arg6: memref<5000x16xf32, #tpu.memory_space<vmem>>, %arg7: memref<!tpu.dma_semaphore, #tpu.memory_space<semaphore_mem>>) attributes {dimension_semantics = [#tpu.dimension_semantics<core_parallel>, #tpu.dimension_semantics<subcore_parallel>], iteration_bounds = array<i64: 2, 16>, scalar_prefetch = 0 : i64, scratch_operands = 3 : i64, tpu.core_type = #tpu.core_type<sc_vector_subcore>, window_params = [{transform_indices = #map}, {transform_indices = #map1}, {transform_indices = #map}]} {
    %mul3A = arith.constant 2 : i32
    %mul3A_0 = arith.muli %arg1, %mul3A : i32
    %add3A = arith.addi %mul3A_0, %arg0 : i32
    %mul3A_1 = arith.constant 5000 : i32
    %mul3A_2 = arith.muli %add3A, %mul3A_1 : i32
    "tpu.region"() ({
      %run_scoped3A = tpu.sem_alloc : memref<!tpu.dma_semaphore, #tpu.memory_space<semaphore_mem>>
      %dma_start3A_7 = tpu.memref_slice %arg3[%mul3A_2] : memref<160000xi32, #tpu.memory_space<hbm>> -> memref<5000xi32, #tpu.memory_space<hbm>>
      %dma_start3A_8 = tpu.memref_slice %arg3[%mul3A_2] : memref<160000xi32, #tpu.memory_space<hbm>> -> memref<5000xi32, #tpu.memory_space<hbm>>
      tpu.enqueue_dma source(%dma_start3A_8 : memref<5000xi32, #tpu.memory_space<hbm>>) target(%arg5 : memref<5000xi32, #tpu.memory_space<vmem>>) target_semaphore(%run_scoped3A : memref<!tpu.dma_semaphore, #tpu.memory_space<semaphore_mem>>)
      %dma_wait3A_9 = tpu.memref_slice %arg3[%mul3A_2] : memref<160000xi32, #tpu.memory_space<hbm>> -> memref<5000xi32, #tpu.memory_space<hbm>>
      %dma_wait3A_10 = tpu.memref_slice %arg3[%mul3A_2] : memref<160000xi32, #tpu.memory_space<hbm>> -> memref<5000xi32, #tpu.memory_space<hbm>>
      tpu.wait_dma2 semaphore(%run_scoped3A : memref<!tpu.dma_semaphore, #tpu.memory_space<semaphore_mem>>) src(%dma_wait3A_10 : memref<5000xi32, #tpu.memory_space<hbm>>) dst(%arg5 : memref<5000xi32, #tpu.memory_space<vmem>>)
      tpu.yield
    }) : () -> ()
    %dma_start3A = arith.constant 0 : i32
    %dma_start3A_3 = arith.constant 0 : i32
    %dma_start3A_4 = tpu.memref_slice %arg2[%dma_start3A, %dma_start3A_3] : memref<10000x16xf32, #tpu.memory_space<hbm>> -> memref<10000x16xf32, #tpu.memory_space<hbm>>
    tpu.enqueue_indirect_dma source(%dma_start3A_4 : memref<10000x16xf32, #tpu.memory_space<hbm>>) target(%arg6 : memref<5000x16xf32, #tpu.memory_space<vmem>>) offsets(%arg5 : memref<5000xi32, #tpu.memory_space<vmem>>) semaphore(%arg7 : memref<!tpu.dma_semaphore, #tpu.memory_space<semaphore_mem>>)
    %dma_wait3A = arith.constant 0 : i32
    %dma_wait3A_5 = arith.constant 0 : i32
    %dma_wait3A_6 = tpu.memref_slice %arg2[%dma_wait3A, %dma_wait3A_5] : memref<10000x16xf32, #tpu.memory_space<hbm>> -> memref<10000x16xf32, #tpu.memory_space<hbm>>
    tpu.wait_indirect_dma semaphore(%arg7 : memref<!tpu.dma_semaphore, #tpu.memory_space<semaphore_mem>>) src(%dma_wait3A_6 : memref<10000x16xf32, #tpu.memory_space<hbm>>) dst(%arg6 : memref<5000x16xf32, #tpu.memory_space<vmem>>)
    "tpu.region"() ({
      %run_scoped3A = tpu.sem_alloc : memref<!tpu.dma_semaphore, #tpu.memory_space<semaphore_mem>>
      %dma_start3A_7 = arith.constant 0 : i32
      %dma_start3A_8 = tpu.memref_slice %arg4[%mul3A_2, %dma_start3A_7] : memref<160000x16xf32, #tpu.memory_space<hbm>> -> memref<5000x16xf32, #tpu.memory_space<hbm>>
      %dma_start3A_9 = arith.constant 0 : i32
      %dma_start3A_10 = tpu.memref_slice %arg4[%mul3A_2, %dma_start3A_9] : memref<160000x16xf32, #tpu.memory_space<hbm>> -> memref<5000x16xf32, #tpu.memory_space<hbm>>
      tpu.enqueue_dma source(%arg6 : memref<5000x16xf32, #tpu.memory_space<vmem>>) target(%dma_start3A_10 : memref<5000x16xf32, #tpu.memory_space<hbm>>) target_semaphore(%run_scoped3A : memref<!tpu.dma_semaphore, #tpu.memory_space<semaphore_mem>>)
      %dma_wait3A_11 = arith.constant 0 : i32
      %dma_wait3A_12 = tpu.memref_slice %arg4[%mul3A_2, %dma_wait3A_11] : memref<160000x16xf32, #tpu.memory_space<hbm>> -> memref<5000x16xf32, #tpu.memory_space<hbm>>
      %dma_wait3A_13 = arith.constant 0 : i32
      %dma_wait3A_14 = tpu.memref_slice %arg4[%mul3A_2, %dma_wait3A_13] : memref<160000x16xf32, #tpu.memory_space<hbm>> -> memref<5000x16xf32, #tpu.memory_space<hbm>>
      tpu.wait_dma2 semaphore(%run_scoped3A : memref<!tpu.dma_semaphore, #tpu.memory_space<semaphore_mem>>) src(%arg6 : memref<5000x16xf32, #tpu.memory_space<vmem>>) dst(%dma_wait3A_14 : memref<5000x16xf32, #tpu.memory_space<hbm>>)
      tpu.yield
    }) : () -> ()
    return
  }
}

#map = affine_map<(d0, d1) -> (0, 0)>
#map1 = affine_map<(d0, d1) -> (0)>
module attributes {stable_mosaic.version = 14 : i64} {
  func.func @k(%arg0: i32, %arg1: i32, %arg2: memref<10000x16xf32, #tpu.memory_space<hbm>>, %arg3: memref<160000xi32, #tpu.memory_space<hbm>>, %arg4: memref<160000x16xf32, #tpu.memory_space<hbm>>, %arg5: memref<5000xi32, #tpu.memory_space<vmem>>, %arg6: memref<5000x16xf32, #tpu.memory_space<vmem>>, %arg7: memref<!tpu.dma_semaphore, #tpu.memory_space<semaphore_mem>>) attributes {dimension_semantics = [#tpu.dimension_semantics<core_parallel>, #tpu.dimension_semantics<subcore_parallel>], iteration_bounds = array<i64: 2, 16>, scalar_prefetch = 0 : i64, scratch_operands = 3 : i64, tpu.core_type = #tpu.core_type<sc_vector_subcore>, window_params = [{transform_indices = #map}, {transform_indices = #map1}, {transform_indices = #map}]} {
    %mul3A = arith.constant 2 : i32
    %mul3A_0 = arith.muli %arg1, %mul3A : i32
    %add3A = arith.addi %mul3A_0, %arg0 : i32
    %mul3A_1 = arith.constant 5000 : i32
    %mul3A_2 = arith.muli %add3A, %mul3A_1 : i32
    "tpu.region"() ({
      %run_scoped3A = tpu.sem_alloc : memref<!tpu.dma_semaphore, #tpu.memory_space<semaphore_mem>>
      %dma_start3A_7 = tpu.memref_slice %arg3[%mul3A_2] : memref<160000xi32, #tpu.memory_space<hbm>> -> memref<5000xi32, #tpu.memory_space<hbm>>
      %dma_start3A_8 = tpu.memref_slice %arg3[%mul3A_2] : memref<160000xi32, #tpu.memory_space<hbm>> -> memref<5000xi32, #tpu.memory_space<hbm>>
      tpu.enqueue_dma source(%dma_start3A_8 : memref<5000xi32, #tpu.memory_space<hbm>>) target(%arg5 : memref<5000xi32, #tpu.memory_space<vmem>>) target_semaphore(%run_scoped3A : memref<!tpu.dma_semaphore, #tpu.memory_space<semaphore_mem>>)
      %dma_wait3A_9 = tpu.memref_slice %arg3[%mul3A_2] : memref<160000xi32, #tpu.memory_space<hbm>> -> memref<5000xi32, #tpu.memory_space<hbm>>
      %dma_wait3A_10 = tpu.memref_slice %arg3[%mul3A_2] : memref<160000xi32, #tpu.memory_space<hbm>> -> memref<5000xi32, #tpu.memory_space<hbm>>
      tpu.wait_dma2 semaphore(%run_scoped3A : memref<!tpu.dma_semaphore, #tpu.memory_space<semaphore_mem>>) src(%dma_wait3A_10 : memref<5000xi32, #tpu.memory_space<hbm>>) dst(%arg5 : memref<5000xi32, #tpu.memory_space<vmem>>)
      tpu.yield
    }) : () -> ()
    %dma_start3A = arith.constant 0 : i32
    %dma_start3A_3 = arith.constant 0 : i32
    %dma_start3A_4 = tpu.memref_slice %arg2[%dma_start3A, %dma_start3A_3] : memref<10000x16xf32, #tpu.memory_space<hbm>> -> memref<10000x16xf32, #tpu.memory_space<hbm>>
    tpu.enqueue_indirect_dma source(%dma_start3A_4 : memref<10000x16xf32, #tpu.memory_space<hbm>>) target(%arg6 : memref<5000x16xf32, #tpu.memory_space<vmem>>) offsets(%arg5 : memref<5000xi32, #tpu.memory_space<vmem>>) semaphore(%arg7 : memref<!tpu.dma_semaphore, #tpu.memory_space<semaphore_mem>>)
    %dma_wait3A = arith.constant 0 : i32
    %dma_wait3A_5 = arith.constant 0 : i32
    %dma_wait3A_6 = tpu.memref_slice %arg2[%dma_wait3A, %dma_wait3A_5] : memref<10000x16xf32, #tpu.memory_space<hbm>> -> memref<10000x16xf32, #tpu.memory_space<hbm>>
    tpu.wait_indirect_dma semaphore(%arg7 : memref<!tpu.dma_semaphore, #tpu.memory_space<semaphore_mem>>) src(%dma_wait3A_6 : memref<10000x16xf32, #tpu.memory_space<hbm>>) dst(%arg6 : memref<5000x16xf32, #tpu.memory_space<vmem>>)
    "tpu.region"() ({
      %run_scoped3A = tpu.sem_alloc : memref<!tpu.dma_semaphore, #tpu.memory_space<semaphore_mem>>
      %dma_start3A_7 = arith.constant 0 : i32
      %dma_start3A_8 = tpu.memref_slice %arg4[%mul3A_2, %dma_start3A_7] : memref<160000x16xf32, #tpu.memory_space<hbm>> -> memref<5000x16xf32, #tpu.memory_space<hbm>>
      %dma_start3A_9 = arith.constant 0 : i32
      %dma_start3A_10 = tpu.memref_slice %arg4[%mul3A_2, %dma_start3A_9] : memref<160000x16xf32, #tpu.memory_space<hbm>> -> memref<5000x16xf32, #tpu.memory_space<hbm>>
      tpu.enqueue_dma source(%arg6 : memref<5000x16xf32, #tpu.memory_space<vmem>>) target(%dma_start3A_10 : memref<5000x16xf32, #tpu.memory_space<hbm>>) target_semaphore(%run_scoped3A : memref<!tpu.dma_semaphore, #tpu.memory_space<semaphore_mem>>)
      %dma_wait3A_11 = arith.constant 0 : i32
      %dma_wait3A_12 = tpu.memref_slice %arg4[%mul3A_2, %dma_wait3A_11] : memref<160000x16xf32, #tpu.memory_space<hbm>> -> memref<5000x16xf32, #tpu.memory_space<hbm>>
      %dma_wait3A_13 = arith.constant 0 : i32
      %dma_wait3A_14 = tpu.memref_slice %arg4[%mul3A_2, %dma_wait3A_13] : memref<160000x16xf32, #tpu.memory_space<hbm>> -> memref<5000x16xf32, #tpu.memory_space<hbm>>
      tpu.wait_dma2 semaphore(%run_scoped3A : memref<!tpu.dma_semaphore, #tpu.memory_space<semaphore_mem>>) src(%arg6 : memref<5000x16xf32, #tpu.memory_space<vmem>>) dst(%dma_wait3A_14 : memref<5000x16xf32, #tpu.memory_space<hbm>>)
      tpu.yield
    }) : () -> ()
    return
  }
}

#map = affine_map<(d0, d1) -> (0, 0)>
#map1 = affine_map<(d0, d1) -> (0)>
module attributes {stable_mosaic.version = 14 : i64} {
  func.func @k(%arg0: i32, %arg1: i32, %arg2: memref<160000x16xf32, #tpu.memory_space<hbm>>, %arg3: memref<160000xi32, #tpu.memory_space<hbm>>, %arg4: memref<10000x16xf32, #tpu.memory_space<hbm>>, %arg5: memref<20000x16xf32, #tpu.memory_space<hbm>>, %arg6: memref<5000xi32, #tpu.memory_space<vmem>>, %arg7: memref<5000x16xf32, #tpu.memory_space<vmem>>, %arg8: memref<10000x16xf32, #tpu.memory_space<vmem_shared>>, %arg9: memref<!tpu.dma_semaphore, #tpu.memory_space<semaphore_mem>>) attributes {dimension_semantics = [#tpu.dimension_semantics<core_parallel>, #tpu.dimension_semantics<subcore_parallel>], iteration_bounds = array<i64: 2, 16>, scalar_prefetch = 0 : i64, scratch_operands = 4 : i64, tpu.core_type = #tpu.core_type<sc_vector_subcore>, window_params = [{transform_indices = #map}, {transform_indices = #map1}, {transform_indices = #map}, {transform_indices = #map}]} {
    %mul3A = arith.constant 16 : i32
    %mul3A_0 = arith.muli %arg0, %mul3A : i32
    %add3A = arith.addi %mul3A_0, %arg1 : i32
    %mul3A_1 = arith.constant 5000 : i32
    %mul3A_2 = arith.muli %add3A, %mul3A_1 : i32
    %eq3A = arith.constant 0 : i32
    %eq3A_3 = arith.cmpi eq, %arg1, %eq3A : i32
    %convert_element_type3A = arith.extui %eq3A_3 : i1 to i32
    %cond3A = arith.constant 0 : i32
    %cond3A_4 = arith.cmpi ne, %convert_element_type3A, %cond3A : i32
    scf.if %cond3A_4 {
      "tpu.region"() ({
        %run_scoped3A = tpu.sem_alloc : memref<!tpu.dma_semaphore, #tpu.memory_space<semaphore_mem>>
        tpu.enqueue_dma source(%arg4 : memref<10000x16xf32, #tpu.memory_space<hbm>>) target(%arg8 : memref<10000x16xf32, #tpu.memory_space<vmem_shared>>) target_semaphore(%run_scoped3A : memref<!tpu.dma_semaphore, #tpu.memory_space<semaphore_mem>>)
        tpu.wait_dma2 semaphore(%run_scoped3A : memref<!tpu.dma_semaphore, #tpu.memory_space<semaphore_mem>>) src(%arg4 : memref<10000x16xf32, #tpu.memory_space<hbm>>) dst(%arg8 : memref<10000x16xf32, #tpu.memory_space<vmem_shared>>)
        tpu.yield
      }) : () -> ()
    } else {
    }
    %barrier3A = arith.constant 0 : index
    tpu.barrier barrier_id(%barrier3A)
    "tpu.region"() ({
      %run_scoped3A = tpu.sem_alloc : memref<!tpu.dma_semaphore, #tpu.memory_space<semaphore_mem>>
      %dma_start3A = tpu.memref_slice %arg3[%mul3A_2] : memref<160000xi32, #tpu.memory_space<hbm>> -> memref<5000xi32, #tpu.memory_space<hbm>>
      %dma_start3A_13 = tpu.memref_slice %arg3[%mul3A_2] : memref<160000xi32, #tpu.memory_space<hbm>> -> memref<5000xi32, #tpu.memory_space<hbm>>
      tpu.enqueue_dma source(%dma_start3A_13 : memref<5000xi32, #tpu.memory_space<hbm>>) target(%arg6 : memref<5000xi32, #tpu.memory_space<vmem>>) target_semaphore(%run_scoped3A : memref<!tpu.dma_semaphore, #tpu.memory_space<semaphore_mem>>)
      %dma_wait3A = tpu.memref_slice %arg3[%mul3A_2] : memref<160000xi32, #tpu.memory_space<hbm>> -> memref<5000xi32, #tpu.memory_space<hbm>>
      %dma_wait3A_14 = tpu.memref_slice %arg3[%mul3A_2] : memref<160000xi32, #tpu.memory_space<hbm>> -> memref<5000xi32, #tpu.memory_space<hbm>>
      tpu.wait_dma2 semaphore(%run_scoped3A : memref<!tpu.dma_semaphore, #tpu.memory_space<semaphore_mem>>) src(%dma_wait3A_14 : memref<5000xi32, #tpu.memory_space<hbm>>) dst(%arg6 : memref<5000xi32, #tpu.memory_space<vmem>>)
      tpu.yield
    }) : () -> ()
    "tpu.region"() ({
      %run_scoped3A = tpu.sem_alloc : memref<!tpu.dma_semaphore, #tpu.memory_space<semaphore_mem>>
      %dma_start3A = arith.constant 0 : i32
      %dma_start3A_13 = tpu.memref_slice %arg2[%mul3A_2, %dma_start3A] : memref<160000x16xf32, #tpu.memory_space<hbm>> -> memref<5000x16xf32, #tpu.memory_space<hbm>>
      %dma_start3A_14 = arith.constant 0 : i32
      %dma_start3A_15 = tpu.memref_slice %arg2[%mul3A_2, %dma_start3A_14] : memref<160000x16xf32, #tpu.memory_space<hbm>> -> memref<5000x16xf32, #tpu.memory_space<hbm>>
      tpu.enqueue_dma source(%dma_start3A_15 : memref<5000x16xf32, #tpu.memory_space<hbm>>) target(%arg7 : memref<5000x16xf32, #tpu.memory_space<vmem>>) target_semaphore(%run_scoped3A : memref<!tpu.dma_semaphore, #tpu.memory_space<semaphore_mem>>)
      %dma_wait3A = arith.constant 0 : i32
      %dma_wait3A_16 = tpu.memref_slice %arg2[%mul3A_2, %dma_wait3A] : memref<160000x16xf32, #tpu.memory_space<hbm>> -> memref<5000x16xf32, #tpu.memory_space<hbm>>
      %dma_wait3A_17 = arith.constant 0 : i32
      %dma_wait3A_18 = tpu.memref_slice %arg2[%mul3A_2, %dma_wait3A_17] : memref<160000x16xf32, #tpu.memory_space<hbm>> -> memref<5000x16xf32, #tpu.memory_space<hbm>>
      tpu.wait_dma2 semaphore(%run_scoped3A : memref<!tpu.dma_semaphore, #tpu.memory_space<semaphore_mem>>) src(%dma_wait3A_18 : memref<5000x16xf32, #tpu.memory_space<hbm>>) dst(%arg7 : memref<5000x16xf32, #tpu.memory_space<vmem>>)
      tpu.yield
    }) : () -> ()
    "tpu.region"() ({
      %run_scoped3A = tpu.sem_alloc : memref<!tpu.dma_semaphore, #tpu.memory_space<semaphore_mem>>
      %dma_start3A = arith.constant 0 : i32
      %dma_start3A_13 = arith.constant 0 : i32
      %dma_start3A_14 = tpu.memref_slice %arg8[%dma_start3A, %dma_start3A_13] : memref<10000x16xf32, #tpu.memory_space<vmem_shared>> -> memref<10000x16xf32, #tpu.memory_space<vmem_shared>>
      tpu.enqueue_indirect_dma source(%arg7 : memref<5000x16xf32, #tpu.memory_space<vmem>>) target(%dma_start3A_14 : memref<10000x16xf32, #tpu.memory_space<vmem_shared>>) offsets(%arg6 : memref<5000xi32, #tpu.memory_space<vmem>>) semaphore(%run_scoped3A : memref<!tpu.dma_semaphore, #tpu.memory_space<semaphore_mem>>) {add = true}
      %dma_wait3A = arith.constant 0 : i32
      %dma_wait3A_15 = arith.constant 0 : i32
      %dma_wait3A_16 = tpu.memref_slice %arg8[%dma_wait3A, %dma_wait3A_15] : memref<10000x16xf32, #tpu.memory_space<vmem_shared>> -> memref<10000x16xf32, #tpu.memory_space<vmem_shared>>
      tpu.wait_indirect_dma semaphore(%run_scoped3A : memref<!tpu.dma_semaphore, #tpu.memory_space<semaphore_mem>>) src(%arg7 : memref<5000x16xf32, #tpu.memory_space<vmem>>) dst(%dma_wait3A_16 : memref<10000x16xf32, #tpu.memory_space<vmem_shared>>)
      tpu.yield
    }) : () -> ()
    %barrier3A_5 = arith.constant 0 : index
    tpu.barrier barrier_id(%barrier3A_5)
    %mul3A_6 = arith.constant 625 : i32
    %mul3A_7 = arith.muli %arg1, %mul3A_6 : i32
    %mul3A_8 = arith.constant 10000 : i32
    %mul3A_9 = arith.muli %arg0, %mul3A_8 : i32
    %mul3A_10 = arith.constant 625 : i32
    %mul3A_11 = arith.muli %arg1, %mul3A_10 : i32
    %add3A_12 = arith.addi %mul3A_9, %mul3A_11 : i32
    "tpu.region"() ({
      %run_scoped3A = tpu.sem_alloc : memref<!tpu.dma_semaphore, #tpu.memory_space<semaphore_mem>>
      %dma_start3A = arith.constant 0 : i32
      %dma_start3A_13 = tpu.memref_slice %arg5[%add3A_12, %dma_start3A] : memref<20000x16xf32, #tpu.memory_space<hbm>> -> memref<625x16xf32, #tpu.memory_space<hbm>>
      %dma_start3A_14 = arith.constant 0 : i32
      %dma_start3A_15 = tpu.memref_slice %arg8[%mul3A_7, %dma_start3A_14] : memref<10000x16xf32, #tpu.memory_space<vmem_shared>> -> memref<625x16xf32, #tpu.memory_space<vmem_shared>>
      tpu.enqueue_dma source(%dma_start3A_15 : memref<625x16xf32, #tpu.memory_space<vmem_shared>>) target(%dma_start3A_13 : memref<625x16xf32, #tpu.memory_space<hbm>>) target_semaphore(%run_scoped3A : memref<!tpu.dma_semaphore, #tpu.memory_space<semaphore_mem>>)
      %dma_wait3A = arith.constant 0 : i32
      %dma_wait3A_16 = tpu.memref_slice %arg5[%add3A_12, %dma_wait3A] : memref<20000x16xf32, #tpu.memory_space<hbm>> -> memref<625x16xf32, #tpu.memory_space<hbm>>
      %dma_wait3A_17 = arith.constant 0 : i32
      %dma_wait3A_18 = tpu.memref_slice %arg8[%mul3A_7, %dma_wait3A_17] : memref<10000x16xf32, #tpu.memory_space<vmem_shared>> -> memref<625x16xf32, #tpu.memory_space<vmem_shared>>
      tpu.wait_dma2 semaphore(%run_scoped3A : memref<!tpu.dma_semaphore, #tpu.memory_space<semaphore_mem>>) src(%dma_wait3A_18 : memref<625x16xf32, #tpu.memory_space<vmem_shared>>) dst(%dma_wait3A_16 : memref<625x16xf32, #tpu.memory_space<hbm>>)
      tpu.yield
    }) : () -> ()
    return
  }
}

#map = affine_map<(d0, d1) -> (0, 0)>
#map1 = affine_map<(d0, d1) -> (0)>
module attributes {stable_mosaic.version = 14 : i64} {
  func.func @k(%arg0: i32, %arg1: i32, %arg2: memref<160000x16xf32, #tpu.memory_space<hbm>>, %arg3: memref<160000xi32, #tpu.memory_space<hbm>>, %arg4: memref<10000x16xf32, #tpu.memory_space<hbm>>, %arg5: memref<20000x16xf32, #tpu.memory_space<hbm>>, %arg6: memref<5000xi32, #tpu.memory_space<vmem>>, %arg7: memref<5000x16xf32, #tpu.memory_space<vmem>>, %arg8: memref<10000x16xf32, #tpu.memory_space<vmem_shared>>, %arg9: memref<!tpu.dma_semaphore, #tpu.memory_space<semaphore_mem>>) attributes {dimension_semantics = [#tpu.dimension_semantics<core_parallel>, #tpu.dimension_semantics<subcore_parallel>], iteration_bounds = array<i64: 2, 16>, scalar_prefetch = 0 : i64, scratch_operands = 4 : i64, tpu.core_type = #tpu.core_type<sc_vector_subcore>, window_params = [{transform_indices = #map}, {transform_indices = #map1}, {transform_indices = #map}, {transform_indices = #map}]} {
    %mul3A = arith.constant 16 : i32
    %mul3A_0 = arith.muli %arg0, %mul3A : i32
    %add3A = arith.addi %mul3A_0, %arg1 : i32
    %mul3A_1 = arith.constant 5000 : i32
    %mul3A_2 = arith.muli %add3A, %mul3A_1 : i32
    %eq3A = arith.constant 0 : i32
    %eq3A_3 = arith.cmpi eq, %arg1, %eq3A : i32
    %convert_element_type3A = arith.extui %eq3A_3 : i1 to i32
    %cond3A = arith.constant 0 : i32
    %cond3A_4 = arith.cmpi ne, %convert_element_type3A, %cond3A : i32
    scf.if %cond3A_4 {
      "tpu.region"() ({
        %run_scoped3A = tpu.sem_alloc : memref<!tpu.dma_semaphore, #tpu.memory_space<semaphore_mem>>
        tpu.enqueue_dma source(%arg4 : memref<10000x16xf32, #tpu.memory_space<hbm>>) target(%arg8 : memref<10000x16xf32, #tpu.memory_space<vmem_shared>>) target_semaphore(%run_scoped3A : memref<!tpu.dma_semaphore, #tpu.memory_space<semaphore_mem>>)
        tpu.wait_dma2 semaphore(%run_scoped3A : memref<!tpu.dma_semaphore, #tpu.memory_space<semaphore_mem>>) src(%arg4 : memref<10000x16xf32, #tpu.memory_space<hbm>>) dst(%arg8 : memref<10000x16xf32, #tpu.memory_space<vmem_shared>>)
        tpu.yield
      }) : () -> ()
    } else {
    }
    %barrier3A = arith.constant 0 : index
    tpu.barrier barrier_id(%barrier3A)
    "tpu.region"() ({
      %run_scoped3A = tpu.sem_alloc : memref<!tpu.dma_semaphore, #tpu.memory_space<semaphore_mem>>
      %dma_start3A = tpu.memref_slice %arg3[%mul3A_2] : memref<160000xi32, #tpu.memory_space<hbm>> -> memref<5000xi32, #tpu.memory_space<hbm>>
      %dma_start3A_13 = tpu.memref_slice %arg3[%mul3A_2] : memref<160000xi32, #tpu.memory_space<hbm>> -> memref<5000xi32, #tpu.memory_space<hbm>>
      tpu.enqueue_dma source(%dma_start3A_13 : memref<5000xi32, #tpu.memory_space<hbm>>) target(%arg6 : memref<5000xi32, #tpu.memory_space<vmem>>) target_semaphore(%run_scoped3A : memref<!tpu.dma_semaphore, #tpu.memory_space<semaphore_mem>>)
      %dma_wait3A = tpu.memref_slice %arg3[%mul3A_2] : memref<160000xi32, #tpu.memory_space<hbm>> -> memref<5000xi32, #tpu.memory_space<hbm>>
      %dma_wait3A_14 = tpu.memref_slice %arg3[%mul3A_2] : memref<160000xi32, #tpu.memory_space<hbm>> -> memref<5000xi32, #tpu.memory_space<hbm>>
      tpu.wait_dma2 semaphore(%run_scoped3A : memref<!tpu.dma_semaphore, #tpu.memory_space<semaphore_mem>>) src(%dma_wait3A_14 : memref<5000xi32, #tpu.memory_space<hbm>>) dst(%arg6 : memref<5000xi32, #tpu.memory_space<vmem>>)
      tpu.yield
    }) : () -> ()
    "tpu.region"() ({
      %run_scoped3A = tpu.sem_alloc : memref<!tpu.dma_semaphore, #tpu.memory_space<semaphore_mem>>
      %dma_start3A = arith.constant 0 : i32
      %dma_start3A_13 = tpu.memref_slice %arg2[%mul3A_2, %dma_start3A] : memref<160000x16xf32, #tpu.memory_space<hbm>> -> memref<5000x16xf32, #tpu.memory_space<hbm>>
      %dma_start3A_14 = arith.constant 0 : i32
      %dma_start3A_15 = tpu.memref_slice %arg2[%mul3A_2, %dma_start3A_14] : memref<160000x16xf32, #tpu.memory_space<hbm>> -> memref<5000x16xf32, #tpu.memory_space<hbm>>
      tpu.enqueue_dma source(%dma_start3A_15 : memref<5000x16xf32, #tpu.memory_space<hbm>>) target(%arg7 : memref<5000x16xf32, #tpu.memory_space<vmem>>) target_semaphore(%run_scoped3A : memref<!tpu.dma_semaphore, #tpu.memory_space<semaphore_mem>>)
      %dma_wait3A = arith.constant 0 : i32
      %dma_wait3A_16 = tpu.memref_slice %arg2[%mul3A_2, %dma_wait3A] : memref<160000x16xf32, #tpu.memory_space<hbm>> -> memref<5000x16xf32, #tpu.memory_space<hbm>>
      %dma_wait3A_17 = arith.constant 0 : i32
      %dma_wait3A_18 = tpu.memref_slice %arg2[%mul3A_2, %dma_wait3A_17] : memref<160000x16xf32, #tpu.memory_space<hbm>> -> memref<5000x16xf32, #tpu.memory_space<hbm>>
      tpu.wait_dma2 semaphore(%run_scoped3A : memref<!tpu.dma_semaphore, #tpu.memory_space<semaphore_mem>>) src(%dma_wait3A_18 : memref<5000x16xf32, #tpu.memory_space<hbm>>) dst(%arg7 : memref<5000x16xf32, #tpu.memory_space<vmem>>)
      tpu.yield
    }) : () -> ()
    "tpu.region"() ({
      %run_scoped3A = tpu.sem_alloc : memref<!tpu.dma_semaphore, #tpu.memory_space<semaphore_mem>>
      %dma_start3A = arith.constant 0 : i32
      %dma_start3A_13 = arith.constant 0 : i32
      %dma_start3A_14 = tpu.memref_slice %arg8[%dma_start3A, %dma_start3A_13] : memref<10000x16xf32, #tpu.memory_space<vmem_shared>> -> memref<10000x16xf32, #tpu.memory_space<vmem_shared>>
      tpu.enqueue_indirect_dma source(%arg7 : memref<5000x16xf32, #tpu.memory_space<vmem>>) target(%dma_start3A_14 : memref<10000x16xf32, #tpu.memory_space<vmem_shared>>) offsets(%arg6 : memref<5000xi32, #tpu.memory_space<vmem>>) semaphore(%run_scoped3A : memref<!tpu.dma_semaphore, #tpu.memory_space<semaphore_mem>>) {add = true}
      %dma_wait3A = arith.constant 0 : i32
      %dma_wait3A_15 = arith.constant 0 : i32
      %dma_wait3A_16 = tpu.memref_slice %arg8[%dma_wait3A, %dma_wait3A_15] : memref<10000x16xf32, #tpu.memory_space<vmem_shared>> -> memref<10000x16xf32, #tpu.memory_space<vmem_shared>>
      tpu.wait_indirect_dma semaphore(%run_scoped3A : memref<!tpu.dma_semaphore, #tpu.memory_space<semaphore_mem>>) src(%arg7 : memref<5000x16xf32, #tpu.memory_space<vmem>>) dst(%dma_wait3A_16 : memref<10000x16xf32, #tpu.memory_space<vmem_shared>>)
      tpu.yield
    }) : () -> ()
    %barrier3A_5 = arith.constant 0 : index
    tpu.barrier barrier_id(%barrier3A_5)
    %mul3A_6 = arith.constant 625 : i32
    %mul3A_7 = arith.muli %arg1, %mul3A_6 : i32
    %mul3A_8 = arith.constant 10000 : i32
    %mul3A_9 = arith.muli %arg0, %mul3A_8 : i32
    %mul3A_10 = arith.constant 625 : i32
    %mul3A_11 = arith.muli %arg1, %mul3A_10 : i32
    %add3A_12 = arith.addi %mul3A_9, %mul3A_11 : i32
    "tpu.region"() ({
      %run_scoped3A = tpu.sem_alloc : memref<!tpu.dma_semaphore, #tpu.memory_space<semaphore_mem>>
      %dma_start3A = arith.constant 0 : i32
      %dma_start3A_13 = tpu.memref_slice %arg5[%add3A_12, %dma_start3A] : memref<20000x16xf32, #tpu.memory_space<hbm>> -> memref<625x16xf32, #tpu.memory_space<hbm>>
      %dma_start3A_14 = arith.constant 0 : i32
      %dma_start3A_15 = tpu.memref_slice %arg8[%mul3A_7, %dma_start3A_14] : memref<10000x16xf32, #tpu.memory_space<vmem_shared>> -> memref<625x16xf32, #tpu.memory_space<vmem_shared>>
      tpu.enqueue_dma source(%dma_start3A_15 : memref<625x16xf32, #tpu.memory_space<vmem_shared>>) target(%dma_start3A_13 : memref<625x16xf32, #tpu.memory_space<hbm>>) target_semaphore(%run_scoped3A : memref<!tpu.dma_semaphore, #tpu.memory_space<semaphore_mem>>)
      %dma_wait3A = arith.constant 0 : i32
      %dma_wait3A_16 = tpu.memref_slice %arg5[%add3A_12, %dma_wait3A] : memref<20000x16xf32, #tpu.memory_space<hbm>> -> memref<625x16xf32, #tpu.memory_space<hbm>>
      %dma_wait3A_17 = arith.constant 0 : i32
      %dma_wait3A_18 = tpu.memref_slice %arg8[%mul3A_7, %dma_wait3A_17] : memref<10000x16xf32, #tpu.memory_space<vmem_shared>> -> memref<625x16xf32, #tpu.memory_space<vmem_shared>>
      tpu.wait_dma2 semaphore(%run_scoped3A : memref<!tpu.dma_semaphore, #tpu.memory_space<semaphore_mem>>) src(%dma_wait3A_18 : memref<625x16xf32, #tpu.memory_space<vmem_shared>>) dst(%dma_wait3A_16 : memref<625x16xf32, #tpu.memory_space<hbm>>)
      tpu.yield
    }) : () -> ()
    return
  }
}

#map = affine_map<(d0, d1) -> (0, 0)>
#map1 = affine_map<(d0, d1) -> (0)>
module attributes {stable_mosaic.version = 14 : i64} {
  func.func @k(%arg0: i32, %arg1: i32, %arg2: memref<10000x16xf32, #tpu.memory_space<hbm>>, %arg3: memref<160000xi32, #tpu.memory_space<hbm>>, %arg4: memref<160000x16xf32, #tpu.memory_space<hbm>>, %arg5: memref<5000xi32, #tpu.memory_space<vmem>>, %arg6: memref<5000x16xf32, #tpu.memory_space<vmem>>, %arg7: memref<!tpu.dma_semaphore, #tpu.memory_space<semaphore_mem>>) attributes {dimension_semantics = [#tpu.dimension_semantics<core_parallel>, #tpu.dimension_semantics<subcore_parallel>], iteration_bounds = array<i64: 2, 16>, scalar_prefetch = 0 : i64, scratch_operands = 3 : i64, tpu.core_type = #tpu.core_type<sc_vector_subcore>, window_params = [{transform_indices = #map}, {transform_indices = #map1}, {transform_indices = #map}]} {
    %mul3A = arith.constant 2 : i32
    %mul3A_0 = arith.muli %arg1, %mul3A : i32
    %add3A = arith.addi %mul3A_0, %arg0 : i32
    %mul3A_1 = arith.constant 5000 : i32
    %mul3A_2 = arith.muli %add3A, %mul3A_1 : i32
    "tpu.region"() ({
      %run_scoped3A = tpu.sem_alloc : memref<!tpu.dma_semaphore, #tpu.memory_space<semaphore_mem>>
      %dma_start3A_7 = tpu.memref_slice %arg3[%mul3A_2] : memref<160000xi32, #tpu.memory_space<hbm>> -> memref<5000xi32, #tpu.memory_space<hbm>>
      %dma_start3A_8 = tpu.memref_slice %arg3[%mul3A_2] : memref<160000xi32, #tpu.memory_space<hbm>> -> memref<5000xi32, #tpu.memory_space<hbm>>
      tpu.enqueue_dma source(%dma_start3A_8 : memref<5000xi32, #tpu.memory_space<hbm>>) target(%arg5 : memref<5000xi32, #tpu.memory_space<vmem>>) target_semaphore(%run_scoped3A : memref<!tpu.dma_semaphore, #tpu.memory_space<semaphore_mem>>)
      %dma_wait3A_9 = tpu.memref_slice %arg3[%mul3A_2] : memref<160000xi32, #tpu.memory_space<hbm>> -> memref<5000xi32, #tpu.memory_space<hbm>>
      %dma_wait3A_10 = tpu.memref_slice %arg3[%mul3A_2] : memref<160000xi32, #tpu.memory_space<hbm>> -> memref<5000xi32, #tpu.memory_space<hbm>>
      tpu.wait_dma2 semaphore(%run_scoped3A : memref<!tpu.dma_semaphore, #tpu.memory_space<semaphore_mem>>) src(%dma_wait3A_10 : memref<5000xi32, #tpu.memory_space<hbm>>) dst(%arg5 : memref<5000xi32, #tpu.memory_space<vmem>>)
      tpu.yield
    }) : () -> ()
    %dma_start3A = arith.constant 0 : i32
    %dma_start3A_3 = arith.constant 0 : i32
    %dma_start3A_4 = tpu.memref_slice %arg2[%dma_start3A, %dma_start3A_3] : memref<10000x16xf32, #tpu.memory_space<hbm>> -> memref<10000x16xf32, #tpu.memory_space<hbm>>
    tpu.enqueue_indirect_dma source(%dma_start3A_4 : memref<10000x16xf32, #tpu.memory_space<hbm>>) target(%arg6 : memref<5000x16xf32, #tpu.memory_space<vmem>>) offsets(%arg5 : memref<5000xi32, #tpu.memory_space<vmem>>) semaphore(%arg7 : memref<!tpu.dma_semaphore, #tpu.memory_space<semaphore_mem>>)
    %dma_wait3A = arith.constant 0 : i32
    %dma_wait3A_5 = arith.constant 0 : i32
    %dma_wait3A_6 = tpu.memref_slice %arg2[%dma_wait3A, %dma_wait3A_5] : memref<10000x16xf32, #tpu.memory_space<hbm>> -> memref<10000x16xf32, #tpu.memory_space<hbm>>
    tpu.wait_indirect_dma semaphore(%arg7 : memref<!tpu.dma_semaphore, #tpu.memory_space<semaphore_mem>>) src(%dma_wait3A_6 : memref<10000x16xf32, #tpu.memory_space<hbm>>) dst(%arg6 : memref<5000x16xf32, #tpu.memory_space<vmem>>)
    "tpu.region"() ({
      %run_scoped3A = tpu.sem_alloc : memref<!tpu.dma_semaphore, #tpu.memory_space<semaphore_mem>>
      %dma_start3A_7 = arith.constant 0 : i32
      %dma_start3A_8 = tpu.memref_slice %arg4[%mul3A_2, %dma_start3A_7] : memref<160000x16xf32, #tpu.memory_space<hbm>> -> memref<5000x16xf32, #tpu.memory_space<hbm>>
      %dma_start3A_9 = arith.constant 0 : i32
      %dma_start3A_10 = tpu.memref_slice %arg4[%mul3A_2, %dma_start3A_9] : memref<160000x16xf32, #tpu.memory_space<hbm>> -> memref<5000x16xf32, #tpu.memory_space<hbm>>
      tpu.enqueue_dma source(%arg6 : memref<5000x16xf32, #tpu.memory_space<vmem>>) target(%dma_start3A_10 : memref<5000x16xf32, #tpu.memory_space<hbm>>) target_semaphore(%run_scoped3A : memref<!tpu.dma_semaphore, #tpu.memory_space<semaphore_mem>>)
      %dma_wait3A_11 = arith.constant 0 : i32
      %dma_wait3A_12 = tpu.memref_slice %arg4[%mul3A_2, %dma_wait3A_11] : memref<160000x16xf32, #tpu.memory_space<hbm>> -> memref<5000x16xf32, #tpu.memory_space<hbm>>
      %dma_wait3A_13 = arith.constant 0 : i32
      %dma_wait3A_14 = tpu.memref_slice %arg4[%mul3A_2, %dma_wait3A_13] : memref<160000x16xf32, #tpu.memory_space<hbm>> -> memref<5000x16xf32, #tpu.memory_space<hbm>>
      tpu.wait_dma2 semaphore(%run_scoped3A : memref<!tpu.dma_semaphore, #tpu.memory_space<semaphore_mem>>) src(%arg6 : memref<5000x16xf32, #tpu.memory_space<vmem>>) dst(%dma_wait3A_14 : memref<5000x16xf32, #tpu.memory_space<hbm>>)
      tpu.yield
    }) : () -> ()
    return
  }
}

#map = affine_map<(d0, d1) -> (0, 0)>
#map1 = affine_map<(d0, d1) -> (0)>
module attributes {stable_mosaic.version = 14 : i64} {
  func.func @k(%arg0: i32, %arg1: i32, %arg2: memref<160000x16xf32, #tpu.memory_space<hbm>>, %arg3: memref<160000xi32, #tpu.memory_space<hbm>>, %arg4: memref<10000x16xf32, #tpu.memory_space<hbm>>, %arg5: memref<20000x16xf32, #tpu.memory_space<hbm>>, %arg6: memref<5000xi32, #tpu.memory_space<vmem>>, %arg7: memref<5000x16xf32, #tpu.memory_space<vmem>>, %arg8: memref<10000x16xf32, #tpu.memory_space<vmem_shared>>, %arg9: memref<!tpu.dma_semaphore, #tpu.memory_space<semaphore_mem>>) attributes {dimension_semantics = [#tpu.dimension_semantics<core_parallel>, #tpu.dimension_semantics<subcore_parallel>], iteration_bounds = array<i64: 2, 16>, scalar_prefetch = 0 : i64, scratch_operands = 4 : i64, tpu.core_type = #tpu.core_type<sc_vector_subcore>, window_params = [{transform_indices = #map}, {transform_indices = #map1}, {transform_indices = #map}, {transform_indices = #map}]} {
    %mul3A = arith.constant 16 : i32
    %mul3A_0 = arith.muli %arg0, %mul3A : i32
    %add3A = arith.addi %mul3A_0, %arg1 : i32
    %mul3A_1 = arith.constant 5000 : i32
    %mul3A_2 = arith.muli %add3A, %mul3A_1 : i32
    %eq3A = arith.constant 0 : i32
    %eq3A_3 = arith.cmpi eq, %arg1, %eq3A : i32
    %convert_element_type3A = arith.extui %eq3A_3 : i1 to i32
    %cond3A = arith.constant 0 : i32
    %cond3A_4 = arith.cmpi ne, %convert_element_type3A, %cond3A : i32
    scf.if %cond3A_4 {
      "tpu.region"() ({
        %run_scoped3A = tpu.sem_alloc : memref<!tpu.dma_semaphore, #tpu.memory_space<semaphore_mem>>
        tpu.enqueue_dma source(%arg4 : memref<10000x16xf32, #tpu.memory_space<hbm>>) target(%arg8 : memref<10000x16xf32, #tpu.memory_space<vmem_shared>>) target_semaphore(%run_scoped3A : memref<!tpu.dma_semaphore, #tpu.memory_space<semaphore_mem>>)
        tpu.wait_dma2 semaphore(%run_scoped3A : memref<!tpu.dma_semaphore, #tpu.memory_space<semaphore_mem>>) src(%arg4 : memref<10000x16xf32, #tpu.memory_space<hbm>>) dst(%arg8 : memref<10000x16xf32, #tpu.memory_space<vmem_shared>>)
        tpu.yield
      }) : () -> ()
    } else {
    }
    %barrier3A = arith.constant 0 : index
    tpu.barrier barrier_id(%barrier3A)
    "tpu.region"() ({
      %run_scoped3A = tpu.sem_alloc : memref<!tpu.dma_semaphore, #tpu.memory_space<semaphore_mem>>
      %dma_start3A = tpu.memref_slice %arg3[%mul3A_2] : memref<160000xi32, #tpu.memory_space<hbm>> -> memref<5000xi32, #tpu.memory_space<hbm>>
      %dma_start3A_13 = tpu.memref_slice %arg3[%mul3A_2] : memref<160000xi32, #tpu.memory_space<hbm>> -> memref<5000xi32, #tpu.memory_space<hbm>>
      tpu.enqueue_dma source(%dma_start3A_13 : memref<5000xi32, #tpu.memory_space<hbm>>) target(%arg6 : memref<5000xi32, #tpu.memory_space<vmem>>) target_semaphore(%run_scoped3A : memref<!tpu.dma_semaphore, #tpu.memory_space<semaphore_mem>>)
      %dma_wait3A = tpu.memref_slice %arg3[%mul3A_2] : memref<160000xi32, #tpu.memory_space<hbm>> -> memref<5000xi32, #tpu.memory_space<hbm>>
      %dma_wait3A_14 = tpu.memref_slice %arg3[%mul3A_2] : memref<160000xi32, #tpu.memory_space<hbm>> -> memref<5000xi32, #tpu.memory_space<hbm>>
      tpu.wait_dma2 semaphore(%run_scoped3A : memref<!tpu.dma_semaphore, #tpu.memory_space<semaphore_mem>>) src(%dma_wait3A_14 : memref<5000xi32, #tpu.memory_space<hbm>>) dst(%arg6 : memref<5000xi32, #tpu.memory_space<vmem>>)
      tpu.yield
    }) : () -> ()
    "tpu.region"() ({
      %run_scoped3A = tpu.sem_alloc : memref<!tpu.dma_semaphore, #tpu.memory_space<semaphore_mem>>
      %dma_start3A = arith.constant 0 : i32
      %dma_start3A_13 = tpu.memref_slice %arg2[%mul3A_2, %dma_start3A] : memref<160000x16xf32, #tpu.memory_space<hbm>> -> memref<5000x16xf32, #tpu.memory_space<hbm>>
      %dma_start3A_14 = arith.constant 0 : i32
      %dma_start3A_15 = tpu.memref_slice %arg2[%mul3A_2, %dma_start3A_14] : memref<160000x16xf32, #tpu.memory_space<hbm>> -> memref<5000x16xf32, #tpu.memory_space<hbm>>
      tpu.enqueue_dma source(%dma_start3A_15 : memref<5000x16xf32, #tpu.memory_space<hbm>>) target(%arg7 : memref<5000x16xf32, #tpu.memory_space<vmem>>) target_semaphore(%run_scoped3A : memref<!tpu.dma_semaphore, #tpu.memory_space<semaphore_mem>>)
      %dma_wait3A = arith.constant 0 : i32
      %dma_wait3A_16 = tpu.memref_slice %arg2[%mul3A_2, %dma_wait3A] : memref<160000x16xf32, #tpu.memory_space<hbm>> -> memref<5000x16xf32, #tpu.memory_space<hbm>>
      %dma_wait3A_17 = arith.constant 0 : i32
      %dma_wait3A_18 = tpu.memref_slice %arg2[%mul3A_2, %dma_wait3A_17] : memref<160000x16xf32, #tpu.memory_space<hbm>> -> memref<5000x16xf32, #tpu.memory_space<hbm>>
      tpu.wait_dma2 semaphore(%run_scoped3A : memref<!tpu.dma_semaphore, #tpu.memory_space<semaphore_mem>>) src(%dma_wait3A_18 : memref<5000x16xf32, #tpu.memory_space<hbm>>) dst(%arg7 : memref<5000x16xf32, #tpu.memory_space<vmem>>)
      tpu.yield
    }) : () -> ()
    "tpu.region"() ({
      %run_scoped3A = tpu.sem_alloc : memref<!tpu.dma_semaphore, #tpu.memory_space<semaphore_mem>>
      %dma_start3A = arith.constant 0 : i32
      %dma_start3A_13 = arith.constant 0 : i32
      %dma_start3A_14 = tpu.memref_slice %arg8[%dma_start3A, %dma_start3A_13] : memref<10000x16xf32, #tpu.memory_space<vmem_shared>> -> memref<10000x16xf32, #tpu.memory_space<vmem_shared>>
      tpu.enqueue_indirect_dma source(%arg7 : memref<5000x16xf32, #tpu.memory_space<vmem>>) target(%dma_start3A_14 : memref<10000x16xf32, #tpu.memory_space<vmem_shared>>) offsets(%arg6 : memref<5000xi32, #tpu.memory_space<vmem>>) semaphore(%run_scoped3A : memref<!tpu.dma_semaphore, #tpu.memory_space<semaphore_mem>>) {add = true}
      %dma_wait3A = arith.constant 0 : i32
      %dma_wait3A_15 = arith.constant 0 : i32
      %dma_wait3A_16 = tpu.memref_slice %arg8[%dma_wait3A, %dma_wait3A_15] : memref<10000x16xf32, #tpu.memory_space<vmem_shared>> -> memref<10000x16xf32, #tpu.memory_space<vmem_shared>>
      tpu.wait_indirect_dma semaphore(%run_scoped3A : memref<!tpu.dma_semaphore, #tpu.memory_space<semaphore_mem>>) src(%arg7 : memref<5000x16xf32, #tpu.memory_space<vmem>>) dst(%dma_wait3A_16 : memref<10000x16xf32, #tpu.memory_space<vmem_shared>>)
      tpu.yield
    }) : () -> ()
    %barrier3A_5 = arith.constant 0 : index
    tpu.barrier barrier_id(%barrier3A_5)
    %mul3A_6 = arith.constant 625 : i32
    %mul3A_7 = arith.muli %arg1, %mul3A_6 : i32
    %mul3A_8 = arith.constant 10000 : i32
    %mul3A_9 = arith.muli %arg0, %mul3A_8 : i32
    %mul3A_10 = arith.constant 625 : i32
    %mul3A_11 = arith.muli %arg1, %mul3A_10 : i32
    %add3A_12 = arith.addi %mul3A_9, %mul3A_11 : i32
    "tpu.region"() ({
      %run_scoped3A = tpu.sem_alloc : memref<!tpu.dma_semaphore, #tpu.memory_space<semaphore_mem>>
      %dma_start3A = arith.constant 0 : i32
      %dma_start3A_13 = tpu.memref_slice %arg5[%add3A_12, %dma_start3A] : memref<20000x16xf32, #tpu.memory_space<hbm>> -> memref<625x16xf32, #tpu.memory_space<hbm>>
      %dma_start3A_14 = arith.constant 0 : i32
      %dma_start3A_15 = tpu.memref_slice %arg8[%mul3A_7, %dma_start3A_14] : memref<10000x16xf32, #tpu.memory_space<vmem_shared>> -> memref<625x16xf32, #tpu.memory_space<vmem_shared>>
      tpu.enqueue_dma source(%dma_start3A_15 : memref<625x16xf32, #tpu.memory_space<vmem_shared>>) target(%dma_start3A_13 : memref<625x16xf32, #tpu.memory_space<hbm>>) target_semaphore(%run_scoped3A : memref<!tpu.dma_semaphore, #tpu.memory_space<semaphore_mem>>)
      %dma_wait3A = arith.constant 0 : i32
      %dma_wait3A_16 = tpu.memref_slice %arg5[%add3A_12, %dma_wait3A] : memref<20000x16xf32, #tpu.memory_space<hbm>> -> memref<625x16xf32, #tpu.memory_space<hbm>>
      %dma_wait3A_17 = arith.constant 0 : i32
      %dma_wait3A_18 = tpu.memref_slice %arg8[%mul3A_7, %dma_wait3A_17] : memref<10000x16xf32, #tpu.memory_space<vmem_shared>> -> memref<625x16xf32, #tpu.memory_space<vmem_shared>>
      tpu.wait_dma2 semaphore(%run_scoped3A : memref<!tpu.dma_semaphore, #tpu.memory_space<semaphore_mem>>) src(%dma_wait3A_18 : memref<625x16xf32, #tpu.memory_space<vmem_shared>>) dst(%dma_wait3A_16 : memref<625x16xf32, #tpu.memory_space<hbm>>)
      tpu.yield
    }) : () -> ()
    return
  }
}

module attributes {stable_mosaic.version = 14 : i64} {
  func.func @body(%arg0: memref<1250x1024xf32, #tpu.memory_space<vmem>>, %arg1: memref<1024x128xf32, #tpu.memory_space<vmem>>, %arg2: memref<1x128xf32, #tpu.memory_space<vmem>>, %arg3: memref<1250x128xf32, #tpu.memory_space<vmem>>) attributes {dimension_semantics = [], scalar_prefetch = 0 : i64, scratch_operands = 0 : i64, tpu.core_type = #tpu.core_type<tc>} {
    %get3A = arith.constant 0 : index
    %get3A_0 = arith.constant 0 : index
    %get3A_1 = vector.load %arg0[%get3A, %get3A_0] : memref<1250x1024xf32, #tpu.memory_space<vmem>>, vector<1250x1024xf32>
    %get3A_2 = arith.constant 0 : index
    %get3A_3 = arith.constant 0 : index
    %get3A_4 = vector.load %arg1[%get3A_2, %get3A_3] : memref<1024x128xf32, #tpu.memory_space<vmem>>, vector<1024x128xf32>
    %dot_general3A = arith.constant dense<0.000000e+00> : vector<1250x128xf32>
    %dot_general3A_5 = tpu.matmul %get3A_1, %get3A_4, %dot_general3A {dimension_numbers = #tpu.dot_dimension_numbers<[1], [0], [0], [1], [0, 0, 1, 1], [], []>, transpose_lhs_hint = false} : vector<1250x1024xf32>, vector<1024x128xf32>, vector<1250x128xf32> -> vector<1250x128xf32>
    %get3A_6 = arith.constant 0 : index
    %get3A_7 = arith.constant 0 : index
    %get3A_8 = vector.load %arg2[%get3A_6, %get3A_7] : memref<1x128xf32, #tpu.memory_space<vmem>>, vector<1x128xf32>
    %add3A = vector.broadcast %get3A_8 : vector<1x128xf32> to vector<1250x128xf32>
    %add3A_9 = arith.addf %dot_general3A_5, %add3A : vector<1250x128xf32>
    %logistic3A = arith.negf %add3A_9 : vector<1250x128xf32>
    %logistic3A_10 = math.exp %logistic3A : vector<1250x128xf32>
    %logistic3A_11 = arith.constant 1.000000e+00 : f32
    %logistic3A_12 = vector.broadcast %logistic3A_11 : f32 to vector<1250x128xf32>
    %logistic3A_13 = arith.addf %logistic3A_12, %logistic3A_10 : vector<1250x128xf32>
    %logistic3A_14 = arith.divf %logistic3A_12, %logistic3A_13 : vector<1250x128xf32>
    %mul3A = arith.mulf %add3A_9, %logistic3A_14 : vector<1250x128xf32>
    %swap3A = arith.constant 0 : index
    %swap3A_15 = arith.constant 0 : index
    %swap3A_16 = vector.load %arg3[%swap3A, %swap3A_15] : memref<1250x128xf32, #tpu.memory_space<vmem>>, vector<1250x128xf32>
    tpu.vector_store %arg3[%swap3A, %swap3A_15], %mul3A {strides = array<i32>} : memref<1250x128xf32, #tpu.memory_space<vmem>>, vector<1250x128xf32>,
    return
  }
}

module attributes {stable_mosaic.version = 14 : i64} {
  func.func @body(%arg0: i32, %arg1: memref<2000x128xf32, #tpu.memory_space<vmem>>, %arg2: memref<2000x128xf32, #tpu.memory_space<vmem>>, %arg3: memref<2000x32xf32, #tpu.memory_space<vmem>>, %arg4: memref<128x8xf32, #tpu.memory_space<vmem>>, %arg5: memref<32x256xf32, #tpu.memory_space<vmem>>, %arg6: memref<8x256xf32, #tpu.memory_space<vmem>>, %arg7: memref<1x256xf32, #tpu.memory_space<vmem>>, %arg8: memref<2000x256xf32, #tpu.memory_space<vmem>>) attributes {dimension_semantics = [#tpu.dimension_semantics<arbitrary>], iteration_bounds = array<i64: 10>, scalar_prefetch = 0 : i64, scratch_operands = 0 : i64, tpu.core_type = #tpu.core_type<tc>, window_params = [{transform_indices = @transform_0, window_bounds = array<i64: 2000, 128>}, {transform_indices = @transform_1, window_bounds = array<i64: 2000, 128>}, {transform_indices = @transform_2, window_bounds = array<i64: 2000, 32>}, {pipeline_mode = #tpu.pipeline_mode<synchronous>, transform_indices = @transform_3, window_bounds = array<i64: 128, 8>}, {pipeline_mode = #tpu.pipeline_mode<synchronous>, transform_indices = @transform_4, window_bounds = array<i64: 32, 256>}, {pipeline_mode = #tpu.pipeline_mode<synchronous>, transform_indices = @transform_5, window_bounds = array<i64: 8, 256>}, {pipeline_mode = #tpu.pipeline_mode<synchronous>, transform_indices = @transform_6, window_bounds = array<i64: 1, 256>}, {transform_indices = @transform_7, window_bounds = array<i64: 2000, 256>}]} {
    %get3A = arith.constant 0 : index
    %get3A_0 = arith.constant 0 : index
    %get3A_1 = vector.load %arg1[%get3A, %get3A_0] : memref<2000x128xf32, #tpu.memory_space<vmem>>, vector<2000x128xf32>
    %get3A_2 = arith.constant 0 : index
    %get3A_3 = arith.constant 0 : index
    %get3A_4 = vector.load %arg2[%get3A_2, %get3A_3] : memref<2000x128xf32, #tpu.memory_space<vmem>>, vector<2000x128xf32>
    %sub3A = arith.subf %get3A_1, %get3A_4 : vector<2000x128xf32>
    %mul3A = arith.mulf %sub3A, %sub3A : vector<2000x128xf32>
    %get3A_5 = arith.constant 0 : index
    %get3A_6 = arith.constant 0 : index
    %get3A_7 = vector.load %arg4[%get3A_5, %get3A_6] : memref<128x8xf32, #tpu.memory_space<vmem>>, vector<128x8xf32>
    %dot_general3A = arith.constant dense<0.000000e+00> : vector<2000x8xf32>
    %dot_general3A_8 = tpu.matmul %mul3A, %get3A_7, %dot_general3A {dimension_numbers = #tpu.dot_dimension_numbers<[1], [0], [0], [1], [0, 0, 1, 1], [], []>, transpose_lhs_hint = false} : vector<2000x128xf32>, vector<128x8xf32>, vector<2000x8xf32> -> vector<2000x8xf32>
    %add3A = arith.constant 9.99999996E-13 : f32
    %add3A_9 = vector.broadcast %add3A : f32 to vector<2000x8xf32>
    %add3A_10 = arith.addf %dot_general3A_8, %add3A_9 : vector<2000x8xf32>
    %sqrt3A = math.sqrt %add3A_10 : vector<2000x8xf32>
    %get3A_11 = arith.constant 0 : index
    %get3A_12 = arith.constant 0 : index
    %get3A_13 = vector.load %arg3[%get3A_11, %get3A_12] : memref<2000x32xf32, #tpu.memory_space<vmem>>, vector<2000x32xf32>
    %get3A_14 = arith.constant 0 : index
    %get3A_15 = arith.constant 0 : index
    %get3A_16 = vector.load %arg5[%get3A_14, %get3A_15] : memref<32x256xf32, #tpu.memory_space<vmem>>, vector<32x256xf32>
    %dot_general3A_17 = arith.constant dense<0.000000e+00> : vector<2000x256xf32>
    %dot_general3A_18 = tpu.matmul %get3A_13, %get3A_16, %dot_general3A_17 {dimension_numbers = #tpu.dot_dimension_numbers<[1], [0], [0], [1], [0, 0, 1, 1], [], []>, transpose_lhs_hint = false} : vector<2000x32xf32>, vector<32x256xf32>, vector<2000x256xf32> -> vector<2000x256xf32>
    %get3A_19 = arith.constant 0 : index
    %get3A_20 = arith.constant 0 : index
    %get3A_21 = vector.load %arg6[%get3A_19, %get3A_20] : memref<8x256xf32, #tpu.memory_space<vmem>>, vector<8x256xf32>
    %dot_general3A_22 = arith.constant dense<0.000000e+00> : vector<2000x256xf32>
    %dot_general3A_23 = tpu.matmul %sqrt3A, %get3A_21, %dot_general3A_22 {dimension_numbers = #tpu.dot_dimension_numbers<[1], [0], [0], [1], [0, 0, 1, 1], [], []>, transpose_lhs_hint = false} : vector<2000x8xf32>, vector<8x256xf32>, vector<2000x256xf32> -> vector<2000x256xf32>
    %add3A_24 = arith.addf %dot_general3A_18, %dot_general3A_23 : vector<2000x256xf32>
    %get3A_25 = arith.constant 0 : index
    %get3A_26 = arith.constant 0 : index
    %get3A_27 = vector.load %arg7[%get3A_25, %get3A_26] : memref<1x256xf32, #tpu.memory_space<vmem>>, vector<1x256xf32>
    %add3A_28 = vector.broadcast %get3A_27 : vector<1x256xf32> to vector<2000x256xf32>
    %add3A_29 = arith.addf %add3A_24, %add3A_28 : vector<2000x256xf32>
    %logistic3A = arith.negf %add3A_29 : vector<2000x256xf32>
    %logistic3A_30 = math.exp %logistic3A : vector<2000x256xf32>
    %logistic3A_31 = arith.constant 1.000000e+00 : f32
    %logistic3A_32 = vector.broadcast %logistic3A_31 : f32 to vector<2000x256xf32>
    %logistic3A_33 = arith.addf %logistic3A_32, %logistic3A_30 : vector<2000x256xf32>
    %logistic3A_34 = arith.divf %logistic3A_32, %logistic3A_33 : vector<2000x256xf32>
    %mul3A_35 = arith.mulf %add3A_29, %logistic3A_34 : vector<2000x256xf32>
    %swap3A = arith.constant 0 : index
    %swap3A_36 = arith.constant 0 : index
    %swap3A_37 = vector.load %arg8[%swap3A, %swap3A_36] : memref<2000x256xf32, #tpu.memory_space<vmem>>, vector<2000x256xf32>
    tpu.vector_store %arg8[%swap3A, %swap3A_36], %mul3A_35 {strides = array<i32>} : memref<2000x256xf32, #tpu.memory_space<vmem>>, vector<2000x256xf32>,
    return
  }
  func.func @transform_0(%arg0: i32) -> (i32, i32) {
    %c0_i32 = arith.constant 0 : i32
    %c0_i32_0 = arith.constant 0 : i32
    return %arg0, %c0_i32 : i32, i32
  }
  func.func @transform_1(%arg0: i32) -> (i32, i32) {
    %c0_i32 = arith.constant 0 : i32
    %c0_i32_0 = arith.constant 0 : i32
    return %arg0, %c0_i32 : i32, i32
  }
  func.func @transform_2(%arg0: i32) -> (i32, i32) {
    %c0_i32 = arith.constant 0 : i32
    %c0_i32_0 = arith.constant 0 : i32
    return %arg0, %c0_i32 : i32, i32
  }
  func.func @transform_3(%arg0: i32) -> (i32, i32) {
    %c0_i32 = arith.constant 0 : i32
    %c0_i32_0 = arith.constant 0 : i32
    %c0_i32_1 = arith.constant 0 : i32
    return %c0_i32, %c0_i32_0 : i32, i32
  }
  func.func @transform_4(%arg0: i32) -> (i32, i32) {
    %c0_i32 = arith.constant 0 : i32
    %c0_i32_0 = arith.constant 0 : i32
    %c0_i32_1 = arith.constant 0 : i32
    return %c0_i32, %c0_i32_0 : i32, i32
  }
  func.func @transform_5(%arg0: i32) -> (i32, i32) {
    %c0_i32 = arith.constant 0 : i32
    %c0_i32_0 = arith.constant 0 : i32
    %c0_i32_1 = arith.constant 0 : i32
    return %c0_i32, %c0_i32_0 : i32, i32
  }
  func.func @transform_6(%arg0: i32) -> (i32, i32) {
    %c0_i32 = arith.constant 0 : i32
    %c0_i32_0 = arith.constant 0 : i32
    %c0_i32_1 = arith.constant 0 : i32
    return %c0_i32, %c0_i32_0 : i32, i32
  }
  func.func @transform_7(%arg0: i32) -> (i32, i32) {
    %c0_i32 = arith.constant 0 : i32
    %c0_i32_0 = arith.constant 0 : i32
    return %arg0, %c0_i32 : i32, i32
  }
}

module attributes {stable_mosaic.version = 14 : i64} {
  func.func @body(%arg0: i32, %arg1: memref<400x256xf32, #tpu.memory_space<vmem>>, %arg2: memref<400x128xf32, #tpu.memory_space<vmem>>, %arg3: memref<128x1024xf32, #tpu.memory_space<vmem>>, %arg4: memref<1x2048xf32, #tpu.memory_space<vmem>>, %arg5: memref<128x2048xf32, #tpu.memory_space<vmem>>, %arg6: memref<2048x128xf32, #tpu.memory_space<vmem>>, %arg7: memref<400x128xf32, #tpu.memory_space<vmem>>) attributes {dimension_semantics = [#tpu.dimension_semantics<arbitrary>], iteration_bounds = array<i64: 50>, scalar_prefetch = 0 : i64, scratch_operands = 0 : i64, tpu.core_type = #tpu.core_type<tc>, window_params = [{transform_indices = @transform_0, window_bounds = array<i64: 400, 256>}, {transform_indices = @transform_1, window_bounds = array<i64: 400, 128>}, {pipeline_mode = #tpu.pipeline_mode<synchronous>, transform_indices = @transform_2, window_bounds = array<i64: 128, 1024>}, {pipeline_mode = #tpu.pipeline_mode<synchronous>, transform_indices = @transform_3, window_bounds = array<i64: 1, 2048>}, {pipeline_mode = #tpu.pipeline_mode<synchronous>, transform_indices = @transform_4, window_bounds = array<i64: 128, 2048>}, {pipeline_mode = #tpu.pipeline_mode<synchronous>, transform_indices = @transform_5, window_bounds = array<i64: 2048, 128>}, {transform_indices = @transform_6, window_bounds = array<i64: 400, 128>}]} {
    %get3A = arith.constant 0 : index
    %get3A_0 = arith.constant 0 : index
    %get3A_1 = vector.load %arg1[%get3A, %get3A_0] : memref<400x256xf32, #tpu.memory_space<vmem>>, vector<400x256xf32>
    %slice3A = vector.extract_strided_slice %get3A_1 {offsets = [0, 0], sizes = [400, 128], strides = [1, 1]} : vector<400x256xf32> to vector<400x128xf32>
    %get3A_2 = arith.constant 0 : index
    %get3A_3 = arith.constant 0 : index
    %get3A_4 = vector.load %arg3[%get3A_2, %get3A_3] : memref<128x1024xf32, #tpu.memory_space<vmem>>, vector<128x1024xf32>
    %dot_general3A = arith.constant dense<0.000000e+00> : vector<400x1024xf32>
    %dot_general3A_5 = tpu.matmul %slice3A, %get3A_4, %dot_general3A {dimension_numbers = #tpu.dot_dimension_numbers<[1], [0], [0], [1], [0, 0, 1, 1], [], []>, transpose_lhs_hint = false} : vector<400x128xf32>, vector<128x1024xf32>, vector<400x1024xf32> -> vector<400x1024xf32>
    %slice3A_6 = vector.extract_strided_slice %get3A_1 {offsets = [0, 128], sizes = [400, 128], strides = [1, 1]} : vector<400x256xf32> to vector<400x128xf32>
    %get3A_7 = arith.constant 0 : index
    %get3A_8 = arith.constant 0 : index
    %get3A_9 = vector.load %arg3[%get3A_7, %get3A_8] : memref<128x1024xf32, #tpu.memory_space<vmem>>, vector<128x1024xf32>
    %dot_general3A_10 = arith.constant dense<0.000000e+00> : vector<400x1024xf32>
    %dot_general3A_11 = tpu.matmul %slice3A_6, %get3A_9, %dot_general3A_10 {dimension_numbers = #tpu.dot_dimension_numbers<[1], [0], [0], [1], [0, 0, 1, 1], [], []>, transpose_lhs_hint = false} : vector<400x128xf32>, vector<128x1024xf32>, vector<400x1024xf32> -> vector<400x1024xf32>
    %concatenate3A = tpu.concatenate %dot_general3A_5, %dot_general3A_11 in 1 : vector<400x1024xf32>, vector<400x1024xf32> -> vector<400x2048xf32>
    %get3A_12 = arith.constant 0 : index
    %get3A_13 = arith.constant 0 : index
    %get3A_14 = vector.load %arg4[%get3A_12, %get3A_13] : memref<1x2048xf32, #tpu.memory_space<vmem>>, vector<1x2048xf32>
    %add3A = vector.broadcast %get3A_14 : vector<1x2048xf32> to vector<400x2048xf32>
    %add3A_15 = arith.addf %concatenate3A, %add3A : vector<400x2048xf32>
    %get3A_16 = arith.constant 0 : index
    %get3A_17 = arith.constant 0 : index
    %get3A_18 = vector.load %arg2[%get3A_16, %get3A_17] : memref<400x128xf32, #tpu.memory_space<vmem>>, vector<400x128xf32>
    %slice3A_19 = vector.extract_strided_slice %get3A_18 {offsets = [0, 0], sizes = [400, 16], strides = [1, 1]} : vector<400x128xf32> to vector<400x16xf32>
    %tile3A = tpu.concatenate %slice3A_19, %slice3A_19, %slice3A_19, %slice3A_19, %slice3A_19, %slice3A_19, %slice3A_19, %slice3A_19, %slice3A_19, %slice3A_19, %slice3A_19, %slice3A_19, %slice3A_19, %slice3A_19, %slice3A_19, %slice3A_19 in 1 : vector<400x16xf32>, vector<400x16xf32>, vector<400x16xf32>, vector<400x16xf32>, vector<400x16xf32>, vector<400x16xf32>, vector<400x16xf32>, vector<400x16xf32>, vector<400x16xf32>, vector<400x16xf32>, vector<400x16xf32>, vector<400x16xf32>, vector<400x16xf32>, vector<400x16xf32>, vector<400x16xf32>, vector<400x16xf32> -> vector<400x256xf32>
    %slice3A_20 = vector.extract_strided_slice %get3A_18 {offsets = [0, 16], sizes = [400, 16], strides = [1, 1]} : vector<400x128xf32> to vector<400x16xf32>
    %tile3A_21 = tpu.concatenate %slice3A_20, %slice3A_20, %slice3A_20, %slice3A_20, %slice3A_20, %slice3A_20, %slice3A_20, %slice3A_20, %slice3A_20, %slice3A_20, %slice3A_20, %slice3A_20, %slice3A_20, %slice3A_20, %slice3A_20, %slice3A_20 in 1 : vector<400x16xf32>, vector<400x16xf32>, vector<400x16xf32>, vector<400x16xf32>, vector<400x16xf32>, vector<400x16xf32>, vector<400x16xf32>, vector<400x16xf32>, vector<400x16xf32>, vector<400x16xf32>, vector<400x16xf32>, vector<400x16xf32>, vector<400x16xf32>, vector<400x16xf32>, vector<400x16xf32>, vector<400x16xf32> -> vector<400x256xf32>
    %slice3A_22 = vector.extract_strided_slice %get3A_18 {offsets = [0, 32], sizes = [400, 16], strides = [1, 1]} : vector<400x128xf32> to vector<400x16xf32>
    %tile3A_23 = tpu.concatenate %slice3A_22, %slice3A_22, %slice3A_22, %slice3A_22, %slice3A_22, %slice3A_22, %slice3A_22, %slice3A_22, %slice3A_22, %slice3A_22, %slice3A_22, %slice3A_22, %slice3A_22, %slice3A_22, %slice3A_22, %slice3A_22 in 1 : vector<400x16xf32>, vector<400x16xf32>, vector<400x16xf32>, vector<400x16xf32>, vector<400x16xf32>, vector<400x16xf32>, vector<400x16xf32>, vector<400x16xf32>, vector<400x16xf32>, vector<400x16xf32>, vector<400x16xf32>, vector<400x16xf32>, vector<400x16xf32>, vector<400x16xf32>, vector<400x16xf32>, vector<400x16xf32> -> vector<400x256xf32>
    %slice3A_24 = vector.extract_strided_slice %get3A_18 {offsets = [0, 48], sizes = [400, 16], strides = [1, 1]} : vector<400x128xf32> to vector<400x16xf32>
    %tile3A_25 = tpu.concatenate %slice3A_24, %slice3A_24, %slice3A_24, %slice3A_24, %slice3A_24, %slice3A_24, %slice3A_24, %slice3A_24, %slice3A_24, %slice3A_24, %slice3A_24, %slice3A_24, %slice3A_24, %slice3A_24, %slice3A_24, %slice3A_24 in 1 : vector<400x16xf32>, vector<400x16xf32>, vector<400x16xf32>, vector<400x16xf32>, vector<400x16xf32>, vector<400x16xf32>, vector<400x16xf32>, vector<400x16xf32>, vector<400x16xf32>, vector<400x16xf32>, vector<400x16xf32>, vector<400x16xf32>, vector<400x16xf32>, vector<400x16xf32>, vector<400x16xf32>, vector<400x16xf32> -> vector<400x256xf32>
    %slice3A_26 = vector.extract_strided_slice %get3A_18 {offsets = [0, 64], sizes = [400, 16], strides = [1, 1]} : vector<400x128xf32> to vector<400x16xf32>
    %tile3A_27 = tpu.concatenate %slice3A_26, %slice3A_26, %slice3A_26, %slice3A_26, %slice3A_26, %slice3A_26, %slice3A_26, %slice3A_26, %slice3A_26, %slice3A_26, %slice3A_26, %slice3A_26, %slice3A_26, %slice3A_26, %slice3A_26, %slice3A_26 in 1 : vector<400x16xf32>, vector<400x16xf32>, vector<400x16xf32>, vector<400x16xf32>, vector<400x16xf32>, vector<400x16xf32>, vector<400x16xf32>, vector<400x16xf32>, vector<400x16xf32>, vector<400x16xf32>, vector<400x16xf32>, vector<400x16xf32>, vector<400x16xf32>, vector<400x16xf32>, vector<400x16xf32>, vector<400x16xf32> -> vector<400x256xf32>
    %slice3A_28 = vector.extract_strided_slice %get3A_18 {offsets = [0, 80], sizes = [400, 16], strides = [1, 1]} : vector<400x128xf32> to vector<400x16xf32>
    %tile3A_29 = tpu.concatenate %slice3A_28, %slice3A_28, %slice3A_28, %slice3A_28, %slice3A_28, %slice3A_28, %slice3A_28, %slice3A_28, %slice3A_28, %slice3A_28, %slice3A_28, %slice3A_28, %slice3A_28, %slice3A_28, %slice3A_28, %slice3A_28 in 1 : vector<400x16xf32>, vector<400x16xf32>, vector<400x16xf32>, vector<400x16xf32>, vector<400x16xf32>, vector<400x16xf32>, vector<400x16xf32>, vector<400x16xf32>, vector<400x16xf32>, vector<400x16xf32>, vector<400x16xf32>, vector<400x16xf32>, vector<400x16xf32>, vector<400x16xf32>, vector<400x16xf32>, vector<400x16xf32> -> vector<400x256xf32>
    %slice3A_30 = vector.extract_strided_slice %get3A_18 {offsets = [0, 96], sizes = [400, 16], strides = [1, 1]} : vector<400x128xf32> to vector<400x16xf32>
    %tile3A_31 = tpu.concatenate %slice3A_30, %slice3A_30, %slice3A_30, %slice3A_30, %slice3A_30, %slice3A_30, %slice3A_30, %slice3A_30, %slice3A_30, %slice3A_30, %slice3A_30, %slice3A_30, %slice3A_30, %slice3A_30, %slice3A_30, %slice3A_30 in 1 : vector<400x16xf32>, vector<400x16xf32>, vector<400x16xf32>, vector<400x16xf32>, vector<400x16xf32>, vector<400x16xf32>, vector<400x16xf32>, vector<400x16xf32>, vector<400x16xf32>, vector<400x16xf32>, vector<400x16xf32>, vector<400x16xf32>, vector<400x16xf32>, vector<400x16xf32>, vector<400x16xf32>, vector<400x16xf32> -> vector<400x256xf32>
    %slice3A_32 = vector.extract_strided_slice %get3A_18 {offsets = [0, 112], sizes = [400, 16], strides = [1, 1]} : vector<400x128xf32> to vector<400x16xf32>
    %tile3A_33 = tpu.concatenate %slice3A_32, %slice3A_32, %slice3A_32, %slice3A_32, %slice3A_32, %slice3A_32, %slice3A_32, %slice3A_32, %slice3A_32, %slice3A_32, %slice3A_32, %slice3A_32, %slice3A_32, %slice3A_32, %slice3A_32, %slice3A_32 in 1 : vector<400x16xf32>, vector<400x16xf32>, vector<400x16xf32>, vector<400x16xf32>, vector<400x16xf32>, vector<400x16xf32>, vector<400x16xf32>, vector<400x16xf32>, vector<400x16xf32>, vector<400x16xf32>, vector<400x16xf32>, vector<400x16xf32>, vector<400x16xf32>, vector<400x16xf32>, vector<400x16xf32>, vector<400x16xf32> -> vector<400x256xf32>
    %concatenate3A_34 = tpu.concatenate %tile3A, %tile3A_21, %tile3A_23, %tile3A_25, %tile3A_27, %tile3A_29, %tile3A_31, %tile3A_33 in 1 : vector<400x256xf32>, vector<400x256xf32>, vector<400x256xf32>, vector<400x256xf32>, vector<400x256xf32>, vector<400x256xf32>, vector<400x256xf32>, vector<400x256xf32> -> vector<400x2048xf32>
    %mul3A = arith.mulf %add3A_15, %concatenate3A_34 : vector<400x2048xf32>
    %get3A_35 = arith.constant 0 : index
    %get3A_36 = arith.constant 0 : index
    %get3A_37 = vector.load %arg6[%get3A_35, %get3A_36] : memref<2048x128xf32, #tpu.memory_space<vmem>>, vector<2048x128xf32>
    %dot_general3A_38 = arith.constant dense<0.000000e+00> : vector<400x128xf32>
    %dot_general3A_39 = tpu.matmul %mul3A, %get3A_37, %dot_general3A_38 {dimension_numbers = #tpu.dot_dimension_numbers<[1], [0], [0], [1], [0, 0, 1, 1], [], []>, transpose_lhs_hint = false} : vector<400x2048xf32>, vector<2048x128xf32>, vector<400x128xf32> -> vector<400x128xf32>
    %swap3A = arith.constant 0 : index
    %swap3A_40 = arith.constant 0 : index
    %swap3A_41 = vector.load %arg7[%swap3A, %swap3A_40] : memref<400x128xf32, #tpu.memory_space<vmem>>, vector<400x128xf32>
    tpu.vector_store %arg7[%swap3A, %swap3A_40], %dot_general3A_39 {strides = array<i32>} : memref<400x128xf32, #tpu.memory_space<vmem>>, vector<400x128xf32>,
    return
  }
  func.func @transform_0(%arg0: i32) -> (i32, i32) {
    %c0_i32 = arith.constant 0 : i32
    %c0_i32_0 = arith.constant 0 : i32
    return %arg0, %c0_i32 : i32, i32
  }
  func.func @transform_1(%arg0: i32) -> (i32, i32) {
    %c0_i32 = arith.constant 0 : i32
    %c0_i32_0 = arith.constant 0 : i32
    return %arg0, %c0_i32 : i32, i32
  }
  func.func @transform_2(%arg0: i32) -> (i32, i32) {
    %c0_i32 = arith.constant 0 : i32
    %c0_i32_0 = arith.constant 0 : i32
    %c0_i32_1 = arith.constant 0 : i32
    return %c0_i32, %c0_i32_0 : i32, i32
  }
  func.func @transform_3(%arg0: i32) -> (i32, i32) {
    %c0_i32 = arith.constant 0 : i32
    %c0_i32_0 = arith.constant 0 : i32
    %c0_i32_1 = arith.constant 0 : i32
    return %c0_i32, %c0_i32_0 : i32, i32
  }
  func.func @transform_4(%arg0: i32) -> (i32, i32) {
    %c0_i32 = arith.constant 0 : i32
    %c0_i32_0 = arith.constant 0 : i32
    %c0_i32_1 = arith.constant 0 : i32
    return %c0_i32, %c0_i32_0 : i32, i32
  }
  func.func @transform_5(%arg0: i32) -> (i32, i32) {
    %c0_i32 = arith.constant 0 : i32
    %c0_i32_0 = arith.constant 0 : i32
    %c0_i32_1 = arith.constant 0 : i32
    return %c0_i32, %c0_i32_0 : i32, i32
  }
  func.func @transform_6(%arg0: i32) -> (i32, i32) {
    %c0_i32 = arith.constant 0 : i32
    %c0_i32_0 = arith.constant 0 : i32
    return %arg0, %c0_i32 : i32, i32
  }
}

module attributes {stable_mosaic.version = 14 : i64} {
  func.func @body(%arg0: memref<1250x128xf32, #tpu.memory_space<vmem>>, %arg1: memref<2500x128xf32, #tpu.memory_space<vmem>>, %arg2: memref<128x128xf32, #tpu.memory_space<vmem>>, %arg3: memref<1x128xf32, #tpu.memory_space<vmem>>, %arg4: memref<128x384xf32, #tpu.memory_space<vmem>>, %arg5: memref<128x384xf32, #tpu.memory_space<vmem>>, %arg6: memref<1x384xf32, #tpu.memory_space<vmem>>, %arg7: memref<1x384xf32, #tpu.memory_space<vmem>>, %arg8: memref<1250x128xf32, #tpu.memory_space<vmem>>) attributes {dimension_semantics = [], scalar_prefetch = 0 : i64, scratch_operands = 0 : i64, tpu.core_type = #tpu.core_type<tc>} {
    %get3A = arith.constant 0 : index
    %get3A_0 = arith.constant 0 : index
    %get3A_1 = vector.load %arg0[%get3A, %get3A_0] : memref<1250x128xf32, #tpu.memory_space<vmem>>, vector<1250x128xf32>
    %get3A_2 = arith.constant 0 : index
    %get3A_3 = arith.constant 0 : index
    %get3A_4 = vector.load %arg1[%get3A_2, %get3A_3] : memref<2500x128xf32, #tpu.memory_space<vmem>>, vector<1250x128xf32>
    %get3A_5 = arith.constant 1250 : index
    %get3A_6 = arith.constant 0 : index
    %get3A_7 = vector.load %arg1[%get3A_5, %get3A_6] : memref<2500x128xf32, #tpu.memory_space<vmem>>, vector<1250x128xf32>
    %add3A = arith.addf %get3A_4, %get3A_7 : vector<1250x128xf32>
    %get3A_8 = arith.constant 0 : index
    %get3A_9 = arith.constant 0 : index
    %get3A_10 = vector.load %arg2[%get3A_8, %get3A_9] : memref<128x128xf32, #tpu.memory_space<vmem>>, vector<128x128xf32>
    %dot_general3A = arith.constant dense<0.000000e+00> : vector<1250x128xf32>
    %dot_general3A_11 = tpu.matmul %get3A_1, %get3A_10, %dot_general3A {dimension_numbers = #tpu.dot_dimension_numbers<[1], [0], [0], [1], [0, 0, 1, 1], [], []>, transpose_lhs_hint = false} : vector<1250x128xf32>, vector<128x128xf32>, vector<1250x128xf32> -> vector<1250x128xf32>
    %get3A_12 = arith.constant 0 : index
    %get3A_13 = arith.constant 0 : index
    %get3A_14 = vector.load %arg3[%get3A_12, %get3A_13] : memref<1x128xf32, #tpu.memory_space<vmem>>, vector<1x128xf32>
    %add3A_15 = vector.broadcast %get3A_14 : vector<1x128xf32> to vector<1250x128xf32>
    %add3A_16 = arith.addf %dot_general3A_11, %add3A_15 : vector<1250x128xf32>
    %add3A_17 = arith.addf %add3A_16, %add3A : vector<1250x128xf32>
    %logistic3A = arith.negf %add3A_17 : vector<1250x128xf32>
    %logistic3A_18 = math.exp %logistic3A : vector<1250x128xf32>
    %logistic3A_19 = arith.constant 1.000000e+00 : f32
    %logistic3A_20 = vector.broadcast %logistic3A_19 : f32 to vector<1250x128xf32>
    %logistic3A_21 = arith.addf %logistic3A_20, %logistic3A_18 : vector<1250x128xf32>
    %logistic3A_22 = arith.divf %logistic3A_20, %logistic3A_21 : vector<1250x128xf32>
    %mul3A = arith.mulf %add3A_17, %logistic3A_22 : vector<1250x128xf32>
    %get3A_23 = arith.constant 0 : index
    %get3A_24 = arith.constant 0 : index
    %get3A_25 = vector.load %arg4[%get3A_23, %get3A_24] : memref<128x384xf32, #tpu.memory_space<vmem>>, vector<128x384xf32>
    %dot_general3A_26 = arith.constant dense<0.000000e+00> : vector<1250x384xf32>
    %dot_general3A_27 = tpu.matmul %mul3A, %get3A_25, %dot_general3A_26 {dimension_numbers = #tpu.dot_dimension_numbers<[1], [0], [0], [1], [0, 0, 1, 1], [], []>, transpose_lhs_hint = false} : vector<1250x128xf32>, vector<128x384xf32>, vector<1250x384xf32> -> vector<1250x384xf32>
    %get3A_28 = arith.constant 0 : index
    %get3A_29 = arith.constant 0 : index
    %get3A_30 = vector.load %arg6[%get3A_28, %get3A_29] : memref<1x384xf32, #tpu.memory_space<vmem>>, vector<1x384xf32>
    %add3A_31 = vector.broadcast %get3A_30 : vector<1x384xf32> to vector<1250x384xf32>
    %add3A_32 = arith.addf %dot_general3A_27, %add3A_31 : vector<1250x384xf32>
    %get3A_33 = arith.constant 0 : index
    %get3A_34 = arith.constant 0 : index
    %get3A_35 = vector.load %arg5[%get3A_33, %get3A_34] : memref<128x384xf32, #tpu.memory_space<vmem>>, vector<128x384xf32>
    %dot_general3A_36 = arith.constant dense<0.000000e+00> : vector<1250x384xf32>
    %dot_general3A_37 = tpu.matmul %get3A_1, %get3A_35, %dot_general3A_36 {dimension_numbers = #tpu.dot_dimension_numbers<[1], [0], [0], [1], [0, 0, 1, 1], [], []>, transpose_lhs_hint = false} : vector<1250x128xf32>, vector<128x384xf32>, vector<1250x384xf32> -> vector<1250x384xf32>
    %get3A_38 = arith.constant 0 : index
    %get3A_39 = arith.constant 0 : index
    %get3A_40 = vector.load %arg7[%get3A_38, %get3A_39] : memref<1x384xf32, #tpu.memory_space<vmem>>, vector<1x384xf32>
    %add3A_41 = vector.broadcast %get3A_40 : vector<1x384xf32> to vector<1250x384xf32>
    %add3A_42 = arith.addf %dot_general3A_37, %add3A_41 : vector<1250x384xf32>
    %slice3A = vector.extract_strided_slice %add3A_32 {offsets = [0, 0], sizes = [1250, 128], strides = [1, 1]} : vector<1250x384xf32> to vector<1250x128xf32>
    %slice3A_43 = vector.extract_strided_slice %add3A_42 {offsets = [0, 0], sizes = [1250, 128], strides = [1, 1]} : vector<1250x384xf32> to vector<1250x128xf32>
    %add3A_44 = arith.addf %slice3A, %slice3A_43 : vector<1250x128xf32>
    %logistic3A_45 = arith.negf %add3A_44 : vector<1250x128xf32>
    %logistic3A_46 = math.exp %logistic3A_45 : vector<1250x128xf32>
    %logistic3A_47 = arith.constant 1.000000e+00 : f32
    %logistic3A_48 = vector.broadcast %logistic3A_47 : f32 to vector<1250x128xf32>
    %logistic3A_49 = arith.addf %logistic3A_48, %logistic3A_46 : vector<1250x128xf32>
    %logistic3A_50 = arith.divf %logistic3A_48, %logistic3A_49 : vector<1250x128xf32>
    %slice3A_51 = vector.extract_strided_slice %add3A_32 {offsets = [0, 128], sizes = [1250, 128], strides = [1, 1]} : vector<1250x384xf32> to vector<1250x128xf32>
    %slice3A_52 = vector.extract_strided_slice %add3A_42 {offsets = [0, 128], sizes = [1250, 128], strides = [1, 1]} : vector<1250x384xf32> to vector<1250x128xf32>
    %add3A_53 = arith.addf %slice3A_51, %slice3A_52 : vector<1250x128xf32>
    %logistic3A_54 = arith.negf %add3A_53 : vector<1250x128xf32>
    %logistic3A_55 = math.exp %logistic3A_54 : vector<1250x128xf32>
    %logistic3A_56 = arith.constant 1.000000e+00 : f32
    %logistic3A_57 = vector.broadcast %logistic3A_56 : f32 to vector<1250x128xf32>
    %logistic3A_58 = arith.addf %logistic3A_57, %logistic3A_55 : vector<1250x128xf32>
    %logistic3A_59 = arith.divf %logistic3A_57, %logistic3A_58 : vector<1250x128xf32>
    %slice3A_60 = vector.extract_strided_slice %add3A_32 {offsets = [0, 256], sizes = [1250, 128], strides = [1, 1]} : vector<1250x384xf32> to vector<1250x128xf32>
    %slice3A_61 = vector.extract_strided_slice %add3A_42 {offsets = [0, 256], sizes = [1250, 128], strides = [1, 1]} : vector<1250x384xf32> to vector<1250x128xf32>
    %mul3A_62 = arith.mulf %logistic3A_50, %slice3A_61 : vector<1250x128xf32>
    %add3A_63 = arith.addf %slice3A_60, %mul3A_62 : vector<1250x128xf32>
    %tanh3A = math.tanh %add3A_63 : vector<1250x128xf32>
    %sub3A = arith.constant 1.000000e+00 : f32
    %sub3A_64 = vector.broadcast %sub3A : f32 to vector<1250x128xf32>
    %sub3A_65 = arith.subf %sub3A_64, %logistic3A_59 : vector<1250x128xf32>
    %mul3A_66 = arith.mulf %sub3A_65, %tanh3A : vector<1250x128xf32>
    %mul3A_67 = arith.mulf %logistic3A_59, %get3A_1 : vector<1250x128xf32>
    %add3A_68 = arith.addf %mul3A_66, %mul3A_67 : vector<1250x128xf32>
    %swap3A = arith.constant 0 : index
    %swap3A_69 = arith.constant 0 : index
    %swap3A_70 = vector.load %arg8[%swap3A, %swap3A_69] : memref<1250x128xf32, #tpu.memory_space<vmem>>, vector<1250x128xf32>
    tpu.vector_store %arg8[%swap3A, %swap3A_69], %add3A_68 {strides = array<i32>} : memref<1250x128xf32, #tpu.memory_space<vmem>>, vector<1250x128xf32>,
    return
  }
}

module attributes {stable_mosaic.version = 14 : i64} {
  func.func @body(%arg0: memref<10000x16xf32, #tpu.memory_space<vmem>>, %arg1: memref<10000x1xi32, #tpu.memory_space<vmem>>, %arg2: memref<32x64xf32, #tpu.memory_space<vmem>>, %arg3: memref<16x64xf32, #tpu.memory_space<vmem>>, %arg4: memref<1x64xf32, #tpu.memory_space<vmem>>, %arg5: memref<1x64xf32, #tpu.memory_space<vmem>>, %arg6: memref<32x16xf32, #tpu.memory_space<vmem>>, %arg7: memref<1x16xf32, #tpu.memory_space<vmem>>, %arg8: memref<16x1xf32, #tpu.memory_space<vmem>>, %arg9: memref<1x1xf32, #tpu.memory_space<vmem>>, %arg10: memref<16x1xf32, #tpu.memory_space<vmem>>) attributes {dimension_semantics = [], scalar_prefetch = 0 : i64, scratch_operands = 0 : i64, tpu.core_type = #tpu.core_type<tc>} {
    %get3A = arith.constant 0 : index
    %get3A_0 = arith.constant 0 : index
    %get3A_1 = vector.load %arg0[%get3A, %get3A_0] : memref<10000x16xf32, #tpu.memory_space<vmem>>, vector<10000x16xf32>
    %get3A_2 = arith.constant 0 : index
    %get3A_3 = arith.constant 0 : index
    %get3A_4 = vector.load %arg1[%get3A_2, %get3A_3] : memref<10000x1xi32, #tpu.memory_space<vmem>>, vector<10000x1xi32>
    %iota3A = tpu.iota {dimensions = array<i32: 1>} : vector<10000x16xi32>
    %eq3A = vector.broadcast %get3A_4 : vector<10000x1xi32> to vector<10000x16xi32>
    %eq3A_5 = arith.cmpi eq, %eq3A, %iota3A : vector<10000x16xi32>
    %convert_element_type3A = arith.extui %eq3A_5 : vector<10000x16xi1> to vector<10000x16xi32>
    %convert_element_type3A_6 = arith.sitofp %convert_element_type3A : vector<10000x16xi32> to vector<10000x16xf32>
    %broadcast_in_dim3A = arith.constant 0.000000e+00 : f32
    %broadcast_in_dim3A_7 = vector.broadcast %broadcast_in_dim3A : f32 to vector<16x32xf32>
    %broadcast_in_dim3A_8 = arith.constant 0.000000e+00 : f32
    %broadcast_in_dim3A_9 = vector.broadcast %broadcast_in_dim3A_8 : f32 to vector<16x16xf32>
    %broadcast_in_dim3A_10 = arith.constant 0.000000e+00 : f32
    %broadcast_in_dim3A_11 = vector.broadcast %broadcast_in_dim3A_10 : f32 to vector<16x16xf32>
    %get3A_12 = arith.constant 0 : index
    %get3A_13 = arith.constant 0 : index
    %get3A_14 = vector.load %arg2[%get3A_12, %get3A_13] : memref<32x64xf32, #tpu.memory_space<vmem>>, vector<32x64xf32>
    %dot_general3A = arith.constant dense<0.000000e+00> : vector<16x64xf32>
    %dot_general3A_15 = tpu.matmul %broadcast_in_dim3A_7, %get3A_14, %dot_general3A {dimension_numbers = #tpu.dot_dimension_numbers<[1], [0], [0], [1], [0, 0, 1, 1], [], []>, transpose_lhs_hint = false} : vector<16x32xf32>, vector<32x64xf32>, vector<16x64xf32> -> vector<16x64xf32>
    %get3A_16 = arith.constant 0 : index
    %get3A_17 = arith.constant 0 : index
    %get3A_18 = vector.load %arg4[%get3A_16, %get3A_17] : memref<1x64xf32, #tpu.memory_space<vmem>>, vector<1x64xf32>
    %add3A = vector.broadcast %get3A_18 : vector<1x64xf32> to vector<16x64xf32>
    %add3A_19 = arith.addf %dot_general3A_15, %add3A : vector<16x64xf32>
    %get3A_20 = arith.constant 0 : index
    %get3A_21 = arith.constant 0 : index
    %get3A_22 = vector.load %arg3[%get3A_20, %get3A_21] : memref<16x64xf32, #tpu.memory_space<vmem>>, vector<16x64xf32>
    %dot_general3A_23 = arith.constant dense<0.000000e+00> : vector<16x64xf32>
    %dot_general3A_24 = tpu.matmul %broadcast_in_dim3A_9, %get3A_22, %dot_general3A_23 {dimension_numbers = #tpu.dot_dimension_numbers<[1], [0], [0], [1], [0, 0, 1, 1], [], []>, transpose_lhs_hint = false} : vector<16x16xf32>, vector<16x64xf32>, vector<16x64xf32> -> vector<16x64xf32>
    %add3A_25 = arith.addf %add3A_19, %dot_general3A_24 : vector<16x64xf32>
    %get3A_26 = arith.constant 0 : index
    %get3A_27 = arith.constant 0 : index
    %get3A_28 = vector.load %arg5[%get3A_26, %get3A_27] : memref<1x64xf32, #tpu.memory_space<vmem>>, vector<1x64xf32>
    %add3A_29 = vector.broadcast %get3A_28 : vector<1x64xf32> to vector<16x64xf32>
    %add3A_30 = arith.addf %add3A_25, %add3A_29 : vector<16x64xf32>
    %slice3A = vector.extract_strided_slice %add3A_30 {offsets = [0, 0], sizes = [16, 16], strides = [1, 1]} : vector<16x64xf32> to vector<16x16xf32>
    %logistic3A = arith.negf %slice3A : vector<16x16xf32>
    %logistic3A_31 = math.exp %logistic3A : vector<16x16xf32>
    %logistic3A_32 = arith.constant 1.000000e+00 : f32
    %logistic3A_33 = vector.broadcast %logistic3A_32 : f32 to vector<16x16xf32>
    %logistic3A_34 = arith.addf %logistic3A_33, %logistic3A_31 : vector<16x16xf32>
    %logistic3A_35 = arith.divf %logistic3A_33, %logistic3A_34 : vector<16x16xf32>
    %slice3A_36 = vector.extract_strided_slice %add3A_30 {offsets = [0, 16], sizes = [16, 16], strides = [1, 1]} : vector<16x64xf32> to vector<16x16xf32>
    %logistic3A_37 = arith.negf %slice3A_36 : vector<16x16xf32>
    %logistic3A_38 = math.exp %logistic3A_37 : vector<16x16xf32>
    %logistic3A_39 = arith.constant 1.000000e+00 : f32
    %logistic3A_40 = vector.broadcast %logistic3A_39 : f32 to vector<16x16xf32>
    %logistic3A_41 = arith.addf %logistic3A_40, %logistic3A_38 : vector<16x16xf32>
    %logistic3A_42 = arith.divf %logistic3A_40, %logistic3A_41 : vector<16x16xf32>
    %slice3A_43 = vector.extract_strided_slice %add3A_30 {offsets = [0, 32], sizes = [16, 16], strides = [1, 1]} : vector<16x64xf32> to vector<16x16xf32>
    %tanh3A = math.tanh %slice3A_43 : vector<16x16xf32>
    %slice3A_44 = vector.extract_strided_slice %add3A_30 {offsets = [0, 48], sizes = [16, 16], strides = [1, 1]} : vector<16x64xf32> to vector<16x16xf32>
    %logistic3A_45 = arith.negf %slice3A_44 : vector<16x16xf32>
    %logistic3A_46 = math.exp %logistic3A_45 : vector<16x16xf32>
    %logistic3A_47 = arith.constant 1.000000e+00 : f32
    %logistic3A_48 = vector.broadcast %logistic3A_47 : f32 to vector<16x16xf32>
    %logistic3A_49 = arith.addf %logistic3A_48, %logistic3A_46 : vector<16x16xf32>
    %logistic3A_50 = arith.divf %logistic3A_48, %logistic3A_49 : vector<16x16xf32>
    %mul3A = arith.mulf %logistic3A_42, %broadcast_in_dim3A_11 : vector<16x16xf32>
    %mul3A_51 = arith.mulf %logistic3A_35, %tanh3A : vector<16x16xf32>
    %add3A_52 = arith.addf %mul3A, %mul3A_51 : vector<16x16xf32>
    %tanh3A_53 = math.tanh %add3A_52 : vector<16x16xf32>
    %mul3A_54 = arith.mulf %logistic3A_50, %tanh3A_53 : vector<16x16xf32>
    %dot_general3A_55 = arith.constant dense<0.000000e+00> : vector<10000x16xf32>
    %dot_general3A_56 = tpu.matmul %convert_element_type3A_6, %mul3A_54, %dot_general3A_55 {dimension_numbers = #tpu.dot_dimension_numbers<[1], [0], [0], [1], [0, 0, 1, 1], [], []>, transpose_lhs_hint = false} : vector<10000x16xf32>, vector<16x16xf32>, vector<10000x16xf32> -> vector<10000x16xf32>
    %mul3A_57 = arith.mulf %get3A_1, %dot_general3A_56 : vector<10000x16xf32>
    %reduce_sum3A = arith.constant dense<0.000000e+00> : vector<10000xf32>
    %reduce_sum3A_58 = vector.multi_reduction <add>, %mul3A_57, %reduce_sum3A [1] : vector<10000x16xf32> to vector<10000xf32>
    %broadcast_in_dim3A_59 = vector.shape_cast %reduce_sum3A_58 : vector<10000xf32> to vector<10000x1xf32>
    %jit3A = arith.constant -3.000000e+38 : f32
    %broadcast_in_dim3A_60 = vector.shape_cast %broadcast_in_dim3A_59 : vector<10000x1xf32> to vector<10000x1xf32>
    %broadcast_in_dim3A_61 = vector.broadcast %broadcast_in_dim3A_60 : vector<10000x1xf32> to vector<10000x16xf32>
    %broadcast_in_dim3A_62 = vector.broadcast %jit3A : f32 to vector<10000x16xf32>
    %select_n3A = arith.select %eq3A_5, %broadcast_in_dim3A_61, %broadcast_in_dim3A_62 : vector<10000x16xi1>, vector<10000x16xf32>
    %reduce_max3A = arith.constant dense<0xFF800000> : vector<16xf32>
    %reduce_max3A_63 = vector.multi_reduction <maximumf>, %select_n3A, %reduce_max3A [0] : vector<10000x16xf32> to vector<16xf32>
    %broadcast_in_dim3A_64 = vector.shape_cast %reduce_max3A_63 : vector<16xf32> to vector<1x16xf32>
    %gt3A = arith.constant -9.99999968E+37 : f32
    %gt3A_65 = vector.broadcast %gt3A : f32 to vector<1x16xf32>
    %gt3A_66 = arith.cmpf ogt, %broadcast_in_dim3A_64, %gt3A_65 : vector<1x16xf32>
    %jit3A_67 = arith.constant 0.000000e+00 : f32
    %broadcast_in_dim3A_68 = vector.broadcast %jit3A_67 : f32 to vector<1x16xf32>
    %select_n3A_69 = arith.select %gt3A_66, %broadcast_in_dim3A_64, %broadcast_in_dim3A_68 : vector<1x16xi1>, vector<1x16xf32>
    %mul3A_70 = vector.broadcast %select_n3A_69 : vector<1x16xf32> to vector<10000x16xf32>
    %mul3A_71 = arith.mulf %convert_element_type3A_6, %mul3A_70 : vector<10000x16xf32>
    %reduce_sum3A_72 = arith.constant dense<0.000000e+00> : vector<10000xf32>
    %reduce_sum3A_73 = vector.multi_reduction <add>, %mul3A_71, %reduce_sum3A_72 [1] : vector<10000x16xf32> to vector<10000xf32>
    %broadcast_in_dim3A_74 = vector.shape_cast %reduce_sum3A_73 : vector<10000xf32> to vector<10000x1xf32>
    %sub3A = arith.subf %broadcast_in_dim3A_59, %broadcast_in_dim3A_74 : vector<10000x1xf32>
    %exp3A = math.exp %sub3A : vector<10000x1xf32>
    %mul3A_75 = vector.broadcast %exp3A : vector<10000x1xf32> to vector<10000x16xf32>
    %mul3A_76 = arith.mulf %convert_element_type3A_6, %mul3A_75 : vector<10000x16xf32>
    %reduce_sum3A_77 = arith.constant dense<0.000000e+00> : vector<16xf32>
    %reduce_sum3A_78 = vector.multi_reduction <add>, %mul3A_76, %reduce_sum3A_77 [0] : vector<10000x16xf32> to vector<16xf32>
    %broadcast_in_dim3A_79 = vector.shape_cast %reduce_sum3A_78 : vector<16xf32> to vector<1x16xf32>
    %mul3A_80 = vector.broadcast %broadcast_in_dim3A_79 : vector<1x16xf32> to vector<10000x16xf32>
    %mul3A_81 = arith.mulf %convert_element_type3A_6, %mul3A_80 : vector<10000x16xf32>
    %reduce_sum3A_82 = arith.constant dense<0.000000e+00> : vector<10000xf32>
    %reduce_sum3A_83 = vector.multi_reduction <add>, %mul3A_81, %reduce_sum3A_82 [1] : vector<10000x16xf32> to vector<10000xf32>
    %broadcast_in_dim3A_84 = vector.shape_cast %reduce_sum3A_83 : vector<10000xf32> to vector<10000x1xf32>
    %add3A_85 = arith.constant 1.000000e-16 : f32
    %add3A_86 = vector.broadcast %add3A_85 : f32 to vector<10000x1xf32>
    %add3A_87 = arith.addf %broadcast_in_dim3A_84, %add3A_86 : vector<10000x1xf32>
    %div3A = arith.divf %exp3A, %add3A_87 : vector<10000x1xf32>
    %mul3A_88 = vector.broadcast %div3A : vector<10000x1xf32> to vector<10000x16xf32>
    %mul3A_89 = arith.mulf %convert_element_type3A_6, %mul3A_88 : vector<10000x16xf32>
    %dot_general3A_90 = arith.constant dense<0.000000e+00> : vector<16x16xf32>
    %dot_general3A_91 = tpu.matmul %mul3A_89, %get3A_1, %dot_general3A_90 {dimension_numbers = #tpu.dot_dimension_numbers<[0], [0], [1], [1], [0, 1, 1, 1], [], []>, transpose_lhs_hint = false} : vector<10000x16xf32>, vector<10000x16xf32>, vector<16x16xf32> -> vector<16x16xf32>
    %concatenate3A = tpu.concatenate %mul3A_54, %dot_general3A_91 in 1 : vector<16x16xf32>, vector<16x16xf32> -> vector<16x32xf32>
    %get3A_92 = arith.constant 0 : index
    %get3A_93 = arith.constant 0 : index
    %get3A_94 = vector.load %arg2[%get3A_92, %get3A_93] : memref<32x64xf32, #tpu.memory_space<vmem>>, vector<32x64xf32>
    %dot_general3A_95 = arith.constant dense<0.000000e+00> : vector<16x64xf32>
    %dot_general3A_96 = tpu.matmul %concatenate3A, %get3A_94, %dot_general3A_95 {dimension_numbers = #tpu.dot_dimension_numbers<[1], [0], [0], [1], [0, 0, 1, 1], [], []>, transpose_lhs_hint = false} : vector<16x32xf32>, vector<32x64xf32>, vector<16x64xf32> -> vector<16x64xf32>
    %get3A_97 = arith.constant 0 : index
    %get3A_98 = arith.constant 0 : index
    %get3A_99 = vector.load %arg4[%get3A_97, %get3A_98] : memref<1x64xf32, #tpu.memory_space<vmem>>, vector<1x64xf32>
    %add3A_100 = vector.broadcast %get3A_99 : vector<1x64xf32> to vector<16x64xf32>
    %add3A_101 = arith.addf %dot_general3A_96, %add3A_100 : vector<16x64xf32>
    %get3A_102 = arith.constant 0 : index
    %get3A_103 = arith.constant 0 : index
    %get3A_104 = vector.load %arg3[%get3A_102, %get3A_103] : memref<16x64xf32, #tpu.memory_space<vmem>>, vector<16x64xf32>
    %dot_general3A_105 = arith.constant dense<0.000000e+00> : vector<16x64xf32>
    %dot_general3A_106 = tpu.matmul %mul3A_54, %get3A_104, %dot_general3A_105 {dimension_numbers = #tpu.dot_dimension_numbers<[1], [0], [0], [1], [0, 0, 1, 1], [], []>, transpose_lhs_hint = false} : vector<16x16xf32>, vector<16x64xf32>, vector<16x64xf32> -> vector<16x64xf32>
    %add3A_107 = arith.addf %add3A_101, %dot_general3A_106 : vector<16x64xf32>
    %get3A_108 = arith.constant 0 : index
    %get3A_109 = arith.constant 0 : index
    %get3A_110 = vector.load %arg5[%get3A_108, %get3A_109] : memref<1x64xf32, #tpu.memory_space<vmem>>, vector<1x64xf32>
    %add3A_111 = vector.broadcast %get3A_110 : vector<1x64xf32> to vector<16x64xf32>
    %add3A_112 = arith.addf %add3A_107, %add3A_111 : vector<16x64xf32>
    %slice3A_113 = vector.extract_strided_slice %add3A_112 {offsets = [0, 0], sizes = [16, 16], strides = [1, 1]} : vector<16x64xf32> to vector<16x16xf32>
    %logistic3A_114 = arith.negf %slice3A_113 : vector<16x16xf32>
    %logistic3A_115 = math.exp %logistic3A_114 : vector<16x16xf32>
    %logistic3A_116 = arith.constant 1.000000e+00 : f32
    %logistic3A_117 = vector.broadcast %logistic3A_116 : f32 to vector<16x16xf32>
    %logistic3A_118 = arith.addf %logistic3A_117, %logistic3A_115 : vector<16x16xf32>
    %logistic3A_119 = arith.divf %logistic3A_117, %logistic3A_118 : vector<16x16xf32>
    %slice3A_120 = vector.extract_strided_slice %add3A_112 {offsets = [0, 16], sizes = [16, 16], strides = [1, 1]} : vector<16x64xf32> to vector<16x16xf32>
    %logistic3A_121 = arith.negf %slice3A_120 : vector<16x16xf32>
    %logistic3A_122 = math.exp %logistic3A_121 : vector<16x16xf32>
    %logistic3A_123 = arith.constant 1.000000e+00 : f32
    %logistic3A_124 = vector.broadcast %logistic3A_123 : f32 to vector<16x16xf32>
    %logistic3A_125 = arith.addf %logistic3A_124, %logistic3A_122 : vector<16x16xf32>
    %logistic3A_126 = arith.divf %logistic3A_124, %logistic3A_125 : vector<16x16xf32>
    %slice3A_127 = vector.extract_strided_slice %add3A_112 {offsets = [0, 32], sizes = [16, 16], strides = [1, 1]} : vector<16x64xf32> to vector<16x16xf32>
    %tanh3A_128 = math.tanh %slice3A_127 : vector<16x16xf32>
    %slice3A_129 = vector.extract_strided_slice %add3A_112 {offsets = [0, 48], sizes = [16, 16], strides = [1, 1]} : vector<16x64xf32> to vector<16x16xf32>
    %logistic3A_130 = arith.negf %slice3A_129 : vector<16x16xf32>
    %logistic3A_131 = math.exp %logistic3A_130 : vector<16x16xf32>
    %logistic3A_132 = arith.constant 1.000000e+00 : f32
    %logistic3A_133 = vector.broadcast %logistic3A_132 : f32 to vector<16x16xf32>
    %logistic3A_134 = arith.addf %logistic3A_133, %logistic3A_131 : vector<16x16xf32>
    %logistic3A_135 = arith.divf %logistic3A_133, %logistic3A_134 : vector<16x16xf32>
    %mul3A_136 = arith.mulf %logistic3A_126, %add3A_52 : vector<16x16xf32>
    %mul3A_137 = arith.mulf %logistic3A_119, %tanh3A_128 : vector<16x16xf32>
    %add3A_138 = arith.addf %mul3A_136, %mul3A_137 : vector<16x16xf32>
    %tanh3A_139 = math.tanh %add3A_138 : vector<16x16xf32>
    %mul3A_140 = arith.mulf %logistic3A_135, %tanh3A_139 : vector<16x16xf32>
    %dot_general3A_141 = arith.constant dense<0.000000e+00> : vector<10000x16xf32>
    %dot_general3A_142 = tpu.matmul %convert_element_type3A_6, %mul3A_140, %dot_general3A_141 {dimension_numbers = #tpu.dot_dimension_numbers<[1], [0], [0], [1], [0, 0, 1, 1], [], []>, transpose_lhs_hint = false} : vector<10000x16xf32>, vector<16x16xf32>, vector<10000x16xf32> -> vector<10000x16xf32>
    %mul3A_143 = arith.mulf %get3A_1, %dot_general3A_142 : vector<10000x16xf32>
    %reduce_sum3A_144 = arith.constant dense<0.000000e+00> : vector<10000xf32>
    %reduce_sum3A_145 = vector.multi_reduction <add>, %mul3A_143, %reduce_sum3A_144 [1] : vector<10000x16xf32> to vector<10000xf32>
    %broadcast_in_dim3A_146 = vector.shape_cast %reduce_sum3A_145 : vector<10000xf32> to vector<10000x1xf32>
    %jit3A_147 = arith.constant -3.000000e+38 : f32
    %broadcast_in_dim3A_148 = vector.shape_cast %broadcast_in_dim3A_146 : vector<10000x1xf32> to vector<10000x1xf32>
    %broadcast_in_dim3A_149 = vector.broadcast %broadcast_in_dim3A_148 : vector<10000x1xf32> to vector<10000x16xf32>
    %broadcast_in_dim3A_150 = vector.broadcast %jit3A_147 : f32 to vector<10000x16xf32>
    %select_n3A_151 = arith.select %eq3A_5, %broadcast_in_dim3A_149, %broadcast_in_dim3A_150 : vector<10000x16xi1>, vector<10000x16xf32>
    %reduce_max3A_152 = arith.constant dense<0xFF800000> : vector<16xf32>
    %reduce_max3A_153 = vector.multi_reduction <maximumf>, %select_n3A_151, %reduce_max3A_152 [0] : vector<10000x16xf32> to vector<16xf32>
    %broadcast_in_dim3A_154 = vector.shape_cast %reduce_max3A_153 : vector<16xf32> to vector<1x16xf32>
    %gt3A_155 = arith.constant -9.99999968E+37 : f32
    %gt3A_156 = vector.broadcast %gt3A_155 : f32 to vector<1x16xf32>
    %gt3A_157 = arith.cmpf ogt, %broadcast_in_dim3A_154, %gt3A_156 : vector<1x16xf32>
    %jit3A_158 = arith.constant 0.000000e+00 : f32
    %broadcast_in_dim3A_159 = vector.broadcast %jit3A_158 : f32 to vector<1x16xf32>
    %select_n3A_160 = arith.select %gt3A_157, %broadcast_in_dim3A_154, %broadcast_in_dim3A_159 : vector<1x16xi1>, vector<1x16xf32>
    %mul3A_161 = vector.broadcast %select_n3A_160 : vector<1x16xf32> to vector<10000x16xf32>
    %mul3A_162 = arith.mulf %convert_element_type3A_6, %mul3A_161 : vector<10000x16xf32>
    %reduce_sum3A_163 = arith.constant dense<0.000000e+00> : vector<10000xf32>
    %reduce_sum3A_164 = vector.multi_reduction <add>, %mul3A_162, %reduce_sum3A_163 [1] : vector<10000x16xf32> to vector<10000xf32>
    %broadcast_in_dim3A_165 = vector.shape_cast %reduce_sum3A_164 : vector<10000xf32> to vector<10000x1xf32>
    %sub3A_166 = arith.subf %broadcast_in_dim3A_146, %broadcast_in_dim3A_165 : vector<10000x1xf32>
    %exp3A_167 = math.exp %sub3A_166 : vector<10000x1xf32>
    %mul3A_168 = vector.broadcast %exp3A_167 : vector<10000x1xf32> to vector<10000x16xf32>
    %mul3A_169 = arith.mulf %convert_element_type3A_6, %mul3A_168 : vector<10000x16xf32>
    %reduce_sum3A_170 = arith.constant dense<0.000000e+00> : vector<16xf32>
    %reduce_sum3A_171 = vector.multi_reduction <add>, %mul3A_169, %reduce_sum3A_170 [0] : vector<10000x16xf32> to vector<16xf32>
    %broadcast_in_dim3A_172 = vector.shape_cast %reduce_sum3A_171 : vector<16xf32> to vector<1x16xf32>
    %mul3A_173 = vector.broadcast %broadcast_in_dim3A_172 : vector<1x16xf32> to vector<10000x16xf32>
    %mul3A_174 = arith.mulf %convert_element_type3A_6, %mul3A_173 : vector<10000x16xf32>
    %reduce_sum3A_175 = arith.constant dense<0.000000e+00> : vector<10000xf32>
    %reduce_sum3A_176 = vector.multi_reduction <add>, %mul3A_174, %reduce_sum3A_175 [1] : vector<10000x16xf32> to vector<10000xf32>
    %broadcast_in_dim3A_177 = vector.shape_cast %reduce_sum3A_176 : vector<10000xf32> to vector<10000x1xf32>
    %add3A_178 = arith.constant 1.000000e-16 : f32
    %add3A_179 = vector.broadcast %add3A_178 : f32 to vector<10000x1xf32>
    %add3A_180 = arith.addf %broadcast_in_dim3A_177, %add3A_179 : vector<10000x1xf32>
    %div3A_181 = arith.divf %exp3A_167, %add3A_180 : vector<10000x1xf32>
    %mul3A_182 = vector.broadcast %div3A_181 : vector<10000x1xf32> to vector<10000x16xf32>
    %mul3A_183 = arith.mulf %convert_element_type3A_6, %mul3A_182 : vector<10000x16xf32>
    %dot_general3A_184 = arith.constant dense<0.000000e+00> : vector<16x16xf32>
    %dot_general3A_185 = tpu.matmul %mul3A_183, %get3A_1, %dot_general3A_184 {dimension_numbers = #tpu.dot_dimension_numbers<[0], [0], [1], [1], [0, 1, 1, 1], [], []>, transpose_lhs_hint = false} : vector<10000x16xf32>, vector<10000x16xf32>, vector<16x16xf32> -> vector<16x16xf32>
    %concatenate3A_186 = tpu.concatenate %mul3A_140, %dot_general3A_185 in 1 : vector<16x16xf32>, vector<16x16xf32> -> vector<16x32xf32>
    %get3A_187 = arith.constant 0 : index
    %get3A_188 = arith.constant 0 : index
    %get3A_189 = vector.load %arg2[%get3A_187, %get3A_188] : memref<32x64xf32, #tpu.memory_space<vmem>>, vector<32x64xf32>
    %dot_general3A_190 = arith.constant dense<0.000000e+00> : vector<16x64xf32>
    %dot_general3A_191 = tpu.matmul %concatenate3A_186, %get3A_189, %dot_general3A_190 {dimension_numbers = #tpu.dot_dimension_numbers<[1], [0], [0], [1], [0, 0, 1, 1], [], []>, transpose_lhs_hint = false} : vector<16x32xf32>, vector<32x64xf32>, vector<16x64xf32> -> vector<16x64xf32>
    %get3A_192 = arith.constant 0 : index
    %get3A_193 = arith.constant 0 : index
    %get3A_194 = vector.load %arg4[%get3A_192, %get3A_193] : memref<1x64xf32, #tpu.memory_space<vmem>>, vector<1x64xf32>
    %add3A_195 = vector.broadcast %get3A_194 : vector<1x64xf32> to vector<16x64xf32>
    %add3A_196 = arith.addf %dot_general3A_191, %add3A_195 : vector<16x64xf32>
    %get3A_197 = arith.constant 0 : index
    %get3A_198 = arith.constant 0 : index
    %get3A_199 = vector.load %arg3[%get3A_197, %get3A_198] : memref<16x64xf32, #tpu.memory_space<vmem>>, vector<16x64xf32>
    %dot_general3A_200 = arith.constant dense<0.000000e+00> : vector<16x64xf32>
    %dot_general3A_201 = tpu.matmul %mul3A_140, %get3A_199, %dot_general3A_200 {dimension_numbers = #tpu.dot_dimension_numbers<[1], [0], [0], [1], [0, 0, 1, 1], [], []>, transpose_lhs_hint = false} : vector<16x16xf32>, vector<16x64xf32>, vector<16x64xf32> -> vector<16x64xf32>
    %add3A_202 = arith.addf %add3A_196, %dot_general3A_201 : vector<16x64xf32>
    %get3A_203 = arith.constant 0 : index
    %get3A_204 = arith.constant 0 : index
    %get3A_205 = vector.load %arg5[%get3A_203, %get3A_204] : memref<1x64xf32, #tpu.memory_space<vmem>>, vector<1x64xf32>
    %add3A_206 = vector.broadcast %get3A_205 : vector<1x64xf32> to vector<16x64xf32>
    %add3A_207 = arith.addf %add3A_202, %add3A_206 : vector<16x64xf32>
    %slice3A_208 = vector.extract_strided_slice %add3A_207 {offsets = [0, 0], sizes = [16, 16], strides = [1, 1]} : vector<16x64xf32> to vector<16x16xf32>
    %logistic3A_209 = arith.negf %slice3A_208 : vector<16x16xf32>
    %logistic3A_210 = math.exp %logistic3A_209 : vector<16x16xf32>
    %logistic3A_211 = arith.constant 1.000000e+00 : f32
    %logistic3A_212 = vector.broadcast %logistic3A_211 : f32 to vector<16x16xf32>
    %logistic3A_213 = arith.addf %logistic3A_212, %logistic3A_210 : vector<16x16xf32>
    %logistic3A_214 = arith.divf %logistic3A_212, %logistic3A_213 : vector<16x16xf32>
    %slice3A_215 = vector.extract_strided_slice %add3A_207 {offsets = [0, 16], sizes = [16, 16], strides = [1, 1]} : vector<16x64xf32> to vector<16x16xf32>
    %logistic3A_216 = arith.negf %slice3A_215 : vector<16x16xf32>
    %logistic3A_217 = math.exp %logistic3A_216 : vector<16x16xf32>
    %logistic3A_218 = arith.constant 1.000000e+00 : f32
    %logistic3A_219 = vector.broadcast %logistic3A_218 : f32 to vector<16x16xf32>
    %logistic3A_220 = arith.addf %logistic3A_219, %logistic3A_217 : vector<16x16xf32>
    %logistic3A_221 = arith.divf %logistic3A_219, %logistic3A_220 : vector<16x16xf32>
    %slice3A_222 = vector.extract_strided_slice %add3A_207 {offsets = [0, 32], sizes = [16, 16], strides = [1, 1]} : vector<16x64xf32> to vector<16x16xf32>
    %tanh3A_223 = math.tanh %slice3A_222 : vector<16x16xf32>
    %slice3A_224 = vector.extract_strided_slice %add3A_207 {offsets = [0, 48], sizes = [16, 16], strides = [1, 1]} : vector<16x64xf32> to vector<16x16xf32>
    %logistic3A_225 = arith.negf %slice3A_224 : vector<16x16xf32>
    %logistic3A_226 = math.exp %logistic3A_225 : vector<16x16xf32>
    %logistic3A_227 = arith.constant 1.000000e+00 : f32
    %logistic3A_228 = vector.broadcast %logistic3A_227 : f32 to vector<16x16xf32>
    %logistic3A_229 = arith.addf %logistic3A_228, %logistic3A_226 : vector<16x16xf32>
    %logistic3A_230 = arith.divf %logistic3A_228, %logistic3A_229 : vector<16x16xf32>
    %mul3A_231 = arith.mulf %logistic3A_221, %add3A_138 : vector<16x16xf32>
    %mul3A_232 = arith.mulf %logistic3A_214, %tanh3A_223 : vector<16x16xf32>
    %add3A_233 = arith.addf %mul3A_231, %mul3A_232 : vector<16x16xf32>
    %tanh3A_234 = math.tanh %add3A_233 : vector<16x16xf32>
    %mul3A_235 = arith.mulf %logistic3A_230, %tanh3A_234 : vector<16x16xf32>
    %dot_general3A_236 = arith.constant dense<0.000000e+00> : vector<10000x16xf32>
    %dot_general3A_237 = tpu.matmul %convert_element_type3A_6, %mul3A_235, %dot_general3A_236 {dimension_numbers = #tpu.dot_dimension_numbers<[1], [0], [0], [1], [0, 0, 1, 1], [], []>, transpose_lhs_hint = false} : vector<10000x16xf32>, vector<16x16xf32>, vector<10000x16xf32> -> vector<10000x16xf32>
    %mul3A_238 = arith.mulf %get3A_1, %dot_general3A_237 : vector<10000x16xf32>
    %reduce_sum3A_239 = arith.constant dense<0.000000e+00> : vector<10000xf32>
    %reduce_sum3A_240 = vector.multi_reduction <add>, %mul3A_238, %reduce_sum3A_239 [1] : vector<10000x16xf32> to vector<10000xf32>
    %broadcast_in_dim3A_241 = vector.shape_cast %reduce_sum3A_240 : vector<10000xf32> to vector<10000x1xf32>
    %jit3A_242 = arith.constant -3.000000e+38 : f32
    %broadcast_in_dim3A_243 = vector.shape_cast %broadcast_in_dim3A_241 : vector<10000x1xf32> to vector<10000x1xf32>
    %broadcast_in_dim3A_244 = vector.broadcast %broadcast_in_dim3A_243 : vector<10000x1xf32> to vector<10000x16xf32>
    %broadcast_in_dim3A_245 = vector.broadcast %jit3A_242 : f32 to vector<10000x16xf32>
    %select_n3A_246 = arith.select %eq3A_5, %broadcast_in_dim3A_244, %broadcast_in_dim3A_245 : vector<10000x16xi1>, vector<10000x16xf32>
    %reduce_max3A_247 = arith.constant dense<0xFF800000> : vector<16xf32>
    %reduce_max3A_248 = vector.multi_reduction <maximumf>, %select_n3A_246, %reduce_max3A_247 [0] : vector<10000x16xf32> to vector<16xf32>
    %broadcast_in_dim3A_249 = vector.shape_cast %reduce_max3A_248 : vector<16xf32> to vector<1x16xf32>
    %gt3A_250 = arith.constant -9.99999968E+37 : f32
    %gt3A_251 = vector.broadcast %gt3A_250 : f32 to vector<1x16xf32>
    %gt3A_252 = arith.cmpf ogt, %broadcast_in_dim3A_249, %gt3A_251 : vector<1x16xf32>
    %jit3A_253 = arith.constant 0.000000e+00 : f32
    %broadcast_in_dim3A_254 = vector.broadcast %jit3A_253 : f32 to vector<1x16xf32>
    %select_n3A_255 = arith.select %gt3A_252, %broadcast_in_dim3A_249, %broadcast_in_dim3A_254 : vector<1x16xi1>, vector<1x16xf32>
    %mul3A_256 = vector.broadcast %select_n3A_255 : vector<1x16xf32> to vector<10000x16xf32>
    %mul3A_257 = arith.mulf %convert_element_type3A_6, %mul3A_256 : vector<10000x16xf32>
    %reduce_sum3A_258 = arith.constant dense<0.000000e+00> : vector<10000xf32>
    %reduce_sum3A_259 = vector.multi_reduction <add>, %mul3A_257, %reduce_sum3A_258 [1] : vector<10000x16xf32> to vector<10000xf32>
    %broadcast_in_dim3A_260 = vector.shape_cast %reduce_sum3A_259 : vector<10000xf32> to vector<10000x1xf32>
    %sub3A_261 = arith.subf %broadcast_in_dim3A_241, %broadcast_in_dim3A_260 : vector<10000x1xf32>
    %exp3A_262 = math.exp %sub3A_261 : vector<10000x1xf32>
    %mul3A_263 = vector.broadcast %exp3A_262 : vector<10000x1xf32> to vector<10000x16xf32>
    %mul3A_264 = arith.mulf %convert_element_type3A_6, %mul3A_263 : vector<10000x16xf32>
    %reduce_sum3A_265 = arith.constant dense<0.000000e+00> : vector<16xf32>
    %reduce_sum3A_266 = vector.multi_reduction <add>, %mul3A_264, %reduce_sum3A_265 [0] : vector<10000x16xf32> to vector<16xf32>
    %broadcast_in_dim3A_267 = vector.shape_cast %reduce_sum3A_266 : vector<16xf32> to vector<1x16xf32>
    %mul3A_268 = vector.broadcast %broadcast_in_dim3A_267 : vector<1x16xf32> to vector<10000x16xf32>
    %mul3A_269 = arith.mulf %convert_element_type3A_6, %mul3A_268 : vector<10000x16xf32>
    %reduce_sum3A_270 = arith.constant dense<0.000000e+00> : vector<10000xf32>
    %reduce_sum3A_271 = vector.multi_reduction <add>, %mul3A_269, %reduce_sum3A_270 [1] : vector<10000x16xf32> to vector<10000xf32>
    %broadcast_in_dim3A_272 = vector.shape_cast %reduce_sum3A_271 : vector<10000xf32> to vector<10000x1xf32>
    %add3A_273 = arith.constant 1.000000e-16 : f32
    %add3A_274 = vector.broadcast %add3A_273 : f32 to vector<10000x1xf32>
    %add3A_275 = arith.addf %broadcast_in_dim3A_272, %add3A_274 : vector<10000x1xf32>
    %div3A_276 = arith.divf %exp3A_262, %add3A_275 : vector<10000x1xf32>
    %mul3A_277 = vector.broadcast %div3A_276 : vector<10000x1xf32> to vector<10000x16xf32>
    %mul3A_278 = arith.mulf %convert_element_type3A_6, %mul3A_277 : vector<10000x16xf32>
    %dot_general3A_279 = arith.constant dense<0.000000e+00> : vector<16x16xf32>
    %dot_general3A_280 = tpu.matmul %mul3A_278, %get3A_1, %dot_general3A_279 {dimension_numbers = #tpu.dot_dimension_numbers<[0], [0], [1], [1], [0, 1, 1, 1], [], []>, transpose_lhs_hint = false} : vector<10000x16xf32>, vector<10000x16xf32>, vector<16x16xf32> -> vector<16x16xf32>
    %concatenate3A_281 = tpu.concatenate %mul3A_235, %dot_general3A_280 in 1 : vector<16x16xf32>, vector<16x16xf32> -> vector<16x32xf32>
    %get3A_282 = arith.constant 0 : index
    %get3A_283 = arith.constant 0 : index
    %get3A_284 = vector.load %arg6[%get3A_282, %get3A_283] : memref<32x16xf32, #tpu.memory_space<vmem>>, vector<32x16xf32>
    %dot_general3A_285 = arith.constant dense<0.000000e+00> : vector<16x16xf32>
    %dot_general3A_286 = tpu.matmul %concatenate3A_281, %get3A_284, %dot_general3A_285 {dimension_numbers = #tpu.dot_dimension_numbers<[1], [0], [0], [1], [0, 0, 1, 1], [], []>, transpose_lhs_hint = false} : vector<16x32xf32>, vector<32x16xf32>, vector<16x16xf32> -> vector<16x16xf32>
    %get3A_287 = arith.constant 0 : index
    %get3A_288 = arith.constant 0 : index
    %get3A_289 = vector.load %arg7[%get3A_287, %get3A_288] : memref<1x16xf32, #tpu.memory_space<vmem>>, vector<1x16xf32>
    %add3A_290 = vector.broadcast %get3A_289 : vector<1x16xf32> to vector<16x16xf32>
    %add3A_291 = arith.addf %dot_general3A_286, %add3A_290 : vector<16x16xf32>
    %logistic3A_292 = arith.negf %add3A_291 : vector<16x16xf32>
    %logistic3A_293 = math.exp %logistic3A_292 : vector<16x16xf32>
    %logistic3A_294 = arith.constant 1.000000e+00 : f32
    %logistic3A_295 = vector.broadcast %logistic3A_294 : f32 to vector<16x16xf32>
    %logistic3A_296 = arith.addf %logistic3A_295, %logistic3A_293 : vector<16x16xf32>
    %logistic3A_297 = arith.divf %logistic3A_295, %logistic3A_296 : vector<16x16xf32>
    %mul3A_298 = arith.mulf %add3A_291, %logistic3A_297 : vector<16x16xf32>
    %get3A_299 = arith.constant 0 : index
    %get3A_300 = arith.constant 0 : index
    %get3A_301 = vector.load %arg8[%get3A_299, %get3A_300] : memref<16x1xf32, #tpu.memory_space<vmem>>, vector<16x1xf32>
    %dot_general3A_302 = arith.constant dense<0.000000e+00> : vector<16x1xf32>
    %dot_general3A_303 = tpu.matmul %mul3A_298, %get3A_301, %dot_general3A_302 {dimension_numbers = #tpu.dot_dimension_numbers<[1], [0], [0], [1], [0, 0, 1, 1], [], []>, transpose_lhs_hint = false} : vector<16x16xf32>, vector<16x1xf32>, vector<16x1xf32> -> vector<16x1xf32>
    %get3A_304 = arith.constant 0 : index
    %get3A_305 = arith.constant 0 : index
    %get3A_306 = vector.load %arg9[%get3A_304, %get3A_305] : memref<1x1xf32, #tpu.memory_space<vmem>>, vector<1x1xf32>
    %add3A_307 = vector.broadcast %get3A_306 : vector<1x1xf32> to vector<16x1xf32>
    %add3A_308 = arith.addf %dot_general3A_303, %add3A_307 : vector<16x1xf32>
    %swap3A = arith.constant 0 : index
    %swap3A_309 = arith.constant 0 : index
    %swap3A_310 = vector.load %arg10[%swap3A, %swap3A_309] : memref<16x1xf32, #tpu.memory_space<vmem>>, vector<16x1xf32>
    tpu.vector_store %arg10[%swap3A, %swap3A_309], %add3A_308 {strides = array<i32>} : memref<16x1xf32, #tpu.memory_space<vmem>>, vector<16x1xf32>,
    return
  }
}

</mosaic_0001>

<sc_bundles>
// kernel: kernel.22.cloned.1.call-start
scs
__scs_entry_jumppad:
0x0: {  	(pc) =	sbr.rel $0x88, $3  }
0x1: {  	(tag) =	ssettag $0x0;
	lr =	simm.s32 $0x1  }
0x2: {  	[smem:$0x3F88] =	sst lr;
	_ =	strace $0xD0000000  }
0x3: {  	_ = 	snop  }
0x4: {  	_ = 	snop  }
0x5: {  	_ = 	snop  }
0x6: {  	_ = 	snop  }
0x7: {  	_ = 	snop  }
__scs_overlays_trampoline_lowered:
0x8: {  	[smem:$0x3F97] =	sst s0  }
0x9: {  	[smem:$0x3F98] =	sst s1  }
0xa: {  	[smem:$0x3F99] =	sst s2  }
0xb: {  	[smem:$0x3F9A] =	sst s3  }
0xc: {  	[smem:$0x3F9B] =	sst s4  }
0xd: {  	[smem:$0x3F9C] =	sst s5  }
0xe: {  	[smem:$0x3F9D] =	sst s6  }
0xf: {  	[smem:$0x3F9E] =	sst s7  }
0x10: {  	[smem:$0x3F9F] =	sst s8  }
0x11: {  	[smem:$0x3FA0] =	sst s9;
	s0 =	simm.s32 @!p0 $0x0  }
0x12: {  	s1 =	sld [smem:$0x3F86];
	s0 =	simm.s32 @p0 $0x1  }
0x13: {  	[smem:$0x3FA1] =	sst s0;
	s0 =	simm.s32 @!p1 $0x0  }
0x14: {  	s2 =	sld [smem:$0x3F85];
	s0 =	simm.s32 @p1 $0x1  }
0x15: {  	[smem:$0x3FA2] =	sst s0;
	s0 =	simm.s32 @!p2 $0x0  }
0x16: {  	s3 =	sld [smem:$0x3FDB];
	s0 =	simm.s32 @p2 $0x1  }
0x17: {  	s4 =	simm.s32 $0x1BF5;
	[smem:$0x3FA4] =	sst s0  }
0x18: {  	s0 =	sld [smem:$0x3F87];
	_ =	swait.ge [sflag:s4], $0x0  }
0x19: {  	s7 =	sld [smem:$0x3F88]  }
0x1a: {  	s8 =	sadd.s32 $0xFFFFE003, lr  }
0x1b: {  	s9 =	sadd.s32 $0xFFFFFEF7, lr;
	s5 =	simm.s32 $0xFFFFFFFF;
	p2 =	slt.u32 s8, $0xFFFFF086  }
0x1c: {  	p1 =	slt.u32 s9, $0xF7A;
	s5 =	simm.s32 @!p2 $0x0  }
0x1d: {  	s5 =	simm.s32 @p1 $0x1;
	p0 =	seq.s32 s7, s2  }
0x1e: {  	s7 =	smul.u32 @!p0 $0xF7A, s2;
	p2 =	seq.s32 @!p0 s5, $0x0  }
0x1f: {  	s9 =	smul.u32 $0xF7A, s1;
	s8 =	simm.s32 @!p0 $0x1BF5;
	p2 =	por !p2, p0  }
0x20: {  	[sflag:s8] =	ssyncset.s32 @!p0 $0xFFFFF086;
	s6 =	sadd.s32 @!p0 s3, s7;
	s7 =	simm.s32 @!p0 $0x108  }
0x21: {  	s3 =	sadd.s32 s3, s9;
	s6 =	sadd.s32 @!p0 $0x88, s6;
	s7 =	simm.s32 @p2 $0x1082  }
0x22: {  	[simem:s7], [sflag:s8] =	dma.local @!p0 [hbm:s6], $0xF7A  }
0x23: {  	s9 =	sor.u32 $0xD0000000, s2;
	s6 =	simm.s32 $0x108;
	_ =	swait.ge @!p0 [sflag:s8], $0x0  }
0x24: {  	s3 =	sadd.s32 $0x88, s3;
	s6 =	simm.s32 @!p1 $0x1082;
	[sflag:s4] =	ssyncset.s32 $0xFFFFF086  }
0x25: {  	[simem:s6], [sflag:s4] =	dma.local [hbm:s3], $0xF7A  }
0x26: {  	[smem:$0x3F88] =	sst s1;
	(tag) =	ssettag s2;
	_ =	strace s9  }
0x27: {  	s1 =	sld [smem:$0x3F98]  }
0x28: {  	s2 =	sld [smem:$0x3F99]  }
0x29: {  	s4 =	sld [smem:$0x3F9B]  }
0x2a: {  	p0 =	seq.s32 s5, $0x0;
	s5 =	sld [smem:$0x3F9C]  }
0x2b: {  	s6 =	sld [smem:$0x3F9D]  }
0x2c: {  	s7 =	sld [smem:$0x3F9E]  }
0x2d: {  	s3 =	simm.s32 $0x108;
	s8 =	sld [smem:$0x3F9F]  }
0x2e: {  	s3 =	simm.s32 @!p0 $0x1082;
	s9 =	sld [smem:$0x3FA0]  }
0x2f: {  	lr =	sadd.s32 s0, s3;
	s0 =	sld [smem:$0x3F97]  }
0x30: {  	s3 =	sld [smem:$0x3F9A]  }
0x31: {  	[smem:$0x3FA3] =	sst s10  }
0x32: {  	s10 =	sld [smem:$0x3FA1];
	_ =	sdelay $0x3  }
0x33: {  	p0 =	seq.s32 s10, $0x1;
	s10 =	sld [smem:$0x3FA3];
	_ =	sdelay $0x3  }
0x34: {  	[smem:$0x3FA3] =	sst s10  }
0x35: {  	s10 =	sld [smem:$0x3FA2];
	_ =	sdelay $0x3  }
0x36: {  	p1 =	seq.s32 s10, $0x1;
	s10 =	sld [smem:$0x3FA3];
	_ =	sdelay $0x3  }
0x37: {  	[smem:$0x3FA3] =	sst s10  }
0x38: {  	s10 =	sld [smem:$0x3FA4]  }
0x39: {  	_ = 	snop;
	(pc) =	sbr.ind lr, $3  }
0x3a: {  	_ = 	snop  }
0x3b: {  	_ = 	snop  }
0x3c: {  	p2 =	seq.s32 s10, $0x1;
	s10 =	sld [smem:$0x3FA3]  }
0x3d: {  	_ =	shalt  }
0x3e: {  	_ =	shalt  }
0x3f: {  	_ =	shalt  }
0x40: {  	_ =	shalt  }
0x41: {  	_ =	shalt  }
0x42: {  	_ =	shalt  }
0x43: {  	_ =	shalt  }
0x44: {  	_ =	shalt  }
0x45: {  	_ =	shalt  }
0x46: {  	_ =	shalt  }
0x47: {  	_ =	shalt  }
0x48: {  	_ =	shalt  }
0x49: {  	_ =	shalt  }
0x4a: {  	_ =	shalt  }
0x4b: {  	_ =	shalt  }
0x4c: {  	_ =	shalt  }
0x4d: {  	_ =	shalt  }
0x4e: {  	_ =	shalt  }
0x4f: {  	_ =	shalt  }
0x50: {  	_ =	shalt  }
0x51: {  	_ =	shalt  }
0x52: {  	_ =	shalt  }
0x53: {  	_ =	shalt  }
0x54: {  	_ =	shalt  }
0x55: {  	_ =	shalt  }
0x56: {  	_ =	shalt  }
0x57: {  	_ =	shalt  }
0x58: {  	_ =	shalt  }
0x59: {  	_ =	shalt  }
0x5a: {  	_ =	shalt  }
0x5b: {  	_ =	shalt  }
0x5c: {  	_ =	shalt  }
0x5d: {  	_ =	shalt  }
0x5e: {  	_ =	shalt  }
0x5f: {  	_ =	shalt  }
0x60: {  	_ =	shalt  }
0x61: {  	_ =	shalt  }
0x62: {  	_ =	shalt  }
0x63: {  	_ =	shalt  }
0x64: {  	_ =	shalt  }
0x65: {  	_ =	shalt  }
0x66: {  	_ =	shalt  }
0x67: {  	_ =	shalt  }
0x68: {  	_ =	shalt  }
0x69: {  	_ =	shalt  }
0x6a: {  	_ =	shalt  }
0x6b: {  	_ =	shalt  }
0x6c: {  	_ =	shalt  }
0x6d: {  	_ =	shalt  }
0x6e: {  	_ =	shalt  }
0x6f: {  	_ =	shalt  }
0x70: {  	_ =	shalt  }
0x71: {  	_ =	shalt  }
0x72: {  	_ =	shalt  }
0x73: {  	_ =	shalt  }
0x74: {  	_ =	shalt  }
0x75: {  	_ =	shalt  }
0x76: {  	_ =	shalt  }
0x77: {  	_ =	shalt  }
0x78: {  	_ =	shalt  }
0x79: {  	_ =	shalt  }
0x7a: {  	_ =	shalt  }
0x7b: {  	_ =	shalt  }
0x7c: {  	_ =	shalt  }
0x7d: {  	_ =	shalt  }
0x7e: {  	_ =	shalt  }
0x7f: {  	_ =	shalt  }
0x80: {  	_ =	shalt  }
0x81: {  	_ =	shalt  }
0x82: {  	_ =	shalt  }
0x83: {  	_ =	shalt  }
0x84: {  	_ =	shalt  }
0x85: {  	_ =	shalt  }
0x86: {  	_ =	shalt  }
0x87: {  	_ =	shalt  }
.Lfunc_end0:
.L_simem_size_0:
called_computation_lowered:
.L_overlay_start_0:
0x88: {  	s2 =	sld [smem:$0x3FD9]  }
0x89: {  	s3 =	sld [smem:$0x3FFE];
	_ =	sdelay $0x1  }
0x8a: {  	s1 =	srdreg.scid  }
0x8b: {  	s0 =	sand.u32 $0x1, s1  }
0x8c: {  	s16 =	sshll.u32 s0, $0xA;
	s2 =	sadd.s32 s3, s2  }
0x8d: {  	s2 =	sadd.s32 s2, s16  }
0x8e: {  	[smem:$0x3FAF] =	sst s2  }
0x8f: {  	_ = 	snop  }
0x90: {  	(tm) =	ssettm $0x1  }
0x91: {  	s17 =	sld [smem:$0x3FFB];
	_ =	sdelay $0x3  }
0x92: {  	_ =	strace s17  }
0x93: {  	s2 =	sld [smem:$0x3FFC];
	_ =	sdelay $0x3  }
0x94: {  	_ =	strace s2  }
0x95: {  	s2 =	sld [smem:$0x3FFD];
	_ =	sdelay $0x3  }
0x96: {  	_ =	strace s2  }
0x97: {  	_ =	strace $0x8FFFFFFF  }
0x98: {  	s18 =	sld [smem:$0x3FDB];
	_ =	sdelay $0x1  }
0x99: {  	s19 =	simm.s32 $_scs_section_size  }
0x9a: {  	s4 =	simm.s32 $_size__tile_overlayer_lowered;
	s5 =	simm.s32 $_tile_overlayer_lowered  }
0x9b: {  	s22 =	simm.s32 $0x1BFF;
	s21 =	sshll.u32 s5, $0x1;
	s2 =	sadd.s32 s19, s18  }
0x9c: {  	s6 =	simm.s32 $0x0;
	s20 =	sshll.u32 s4, $0x1;
	s4 =	sadd.s32 s21, s2  }
0x9d: {  	[timem:s6], [sflag:s22] =	dma.local [hbm:s4], s20  }
0x9e: {  	_ =	swait.ge [sflag:s22], s20  }
0x9f: {  	s3 =	ssub.s32 $0x0, s20;
	[sflag:s22] =	ssyncset.done $0x0  }
0xa0: {  	[sflag:s22] =	ssyncadd.s32 s3;
	_ =	sdelay $0x1  }
0xa1: {  	s23 =	simm.s32 $0x1B8B  }
0xa2: {  	_ =	swait.ge [sflag:s23], $0x1  }
0xa3: {  	[sflag:s23] =	ssyncset.done $0x0  }
0xa4: {  	s25 =	simm.s32 $0x1B8E;
	s24 =	sld [smem:$0x3FFE];
	[sflag:s23] =	ssyncadd.s32 $0xFFFFFFFF  }
0xa5: {  	s26 =	simm.s32 $execute0_lowered;
	[smem:$0x3FD2] =	sst s25  }
0xa6: {  	s4 =	sshll.u32 s26, $0x1;
	_ =	strace $0x80000046;
	[dreg:$0x1] =	wrdreg $0xFFFFFFFF  }
0xa7: {  	s28 =	simm.s32 $_size_execute0_lowered;
	s2 =	sadd.s32 s2, s4;
	[dreg:$0x0] =	wrdreg $0x0  }
0xa8: {  	s4 =	sshll.u32 s28, $0x1;
	[dreg:$0x2] =	wrdreg s2  }
0xa9: {  	[dreg:$0x3] =	wrdreg s4  }
0xaa: {  	[dreg:$0x4] =	wrdreg $0xC0  }
0xab: {  	_ =	task [dreg:s6], $0x5FFFF  }
0xac: {  	[dreg:$0x1] =	wrdreg $0xFFFFFFFF  }
0xad: {  	[dreg:$0x0] =	wrdreg $0x60  }
0xae: {  	[dreg:$0x2] =	wrdreg s24  }
0xaf: {  	[dreg:$0x3] =	wrdreg $0x9  }
0xb0: {  	_ =	task.clear_ibuf [dreg:s6], $0x4FFFF;
	_ =	strace $0x90000046  }
0xb1: {  	s29 =	simm.s32 $0x9;
	_ =	strace $0x80000048  }
0xb2: {  	_ =	swait.ge [sflag:s29], $0x1  }
0xb3: {  	[sflag:s29] =	ssyncadd.s32 $0xFFFFFFFF  }
0xb4: {  	_ =	strace $0x90000048  }
0xb5: {  	_ =	sfence  }
0xb6: {  	s30 =	sld [smem:$0x0];
	_ =	sdelay $0x2  }
0xb7: {  	s31 =	sshll.u32 s1, $0xD;
	s1 =	sshrl.u32 s1, $0x2  }
0xb8: {  	s3 =	sand.u32 $0x4000, s31;
	s1 =	sadd.s32 s1, s30  }
0xb9: {  	s0 =	sor.u32 s3, s0;
	s1 =	sshll.u32 s1, $0x11  }
0xba: {  	s0 =	sor.u32 s1, s0  }
0xbb: {  	s0 =	sadd.s32 $0x8F2B, s0  }
0xbc: {  	[sflag:s0] =	ssyncadd.remote.s32 $0x1  }
0xbd: {  	_ =	sfence.sel $0xFFFF  }
0xbe: {  	[dreg:$0x0] =	wrdreg $0xFFFFFFFF;
	(pc) =	sbr.abs _section_cstart, $3  }
0xbf: {  	[dreg:$0x1] =	wrdreg $0xFFFFFFFF  }
0xc0: {  	_ =	task.clear_ibuf [dreg:s6], $0x2FFFF;
	_ =	strace $0x9FFFFFFF  }
0xc1: {  	(tm) =	ssettm $0x7FFFFFFF  }
tec
execute0_lowered:
.L_overlay_start_1:
0x0: {  	(tag) =	ssettag $0x1  }
0x1: {  	s1 =	srdreg.scid;
	s0 =	stileid.u32  }
0x2: {  	s10 =	sand.u32 $0x1, s1;
	s30 =	sshll.u32 s0, $0x1  }
0x3: {  	s6 =	sor.u32 s10, s30  }
0x4: {  	s8 =	rddreg [dreg:$0x0];
	s3 =	smul.u32 $0x271, s6  }
0x5: {  	s2 =	simm.s32 $0x0;
	s1 =	rddreg [dreg:$0x1]  }
0x6: {  	[smem:$0x7FF] =	sst s2;
	s9 =	sadd.s32 s3, s8  }
0x7: {  	_ =	strace $0x80000047;
	s3 =	simm.s32 $0x2;
	s4 =	sadd.s32 $0xD200, s9  }
0x8: {  	[tilespmem:s2], [sflag:$0x2] =	stream.linear.gather [hbm4b:s4+s2], $0x1388, $0x38;
	[tilespmem:$0x14C08] =	vst v63  }
0x9: {  	_ =	swait.ge [sflag:s3], $0x1388  }
0xa: {  	s7 =	simm.s32 $0x1;
	s5 =	sadd.s32 $0x8200, s8;
	[sflag:s3] =	ssyncset.done $0x0  }
0xb: {  	s11 =	smul.u32 $0x2710, s6;
	s6 =	simm.s32 $0x1388;
	[sflag:s3] =	ssyncadd.s32 $0xFFFFEC78  }
0xc: {  	[tilespmem:s6], [sflag:$0x1] =	stream.indirect.gather [hbm4b:s5+s6], $0x10, s2, s6, $0xb8;
	[tilespmem:$0x14C08] =	vst v63  }
0xd: {  	_ =	swait.ge [sflag:s7], $0x13880  }
0xe: {  	s11 =	sadd.s32 s11, s8;
	[sflag:s7] =	ssyncset.done $0x0  }
0xf: {  	s8 =	sadd.s32 $0x17200, s11;
	[sflag:s7] =	ssyncadd.s32 $0xFFFEC780  }
0x10: {  	[hbm4b:s8+s2] =	stream.linear.scatter [tilespmem:s6], [sflag:$0x2], $0x13880, $0x38;
	[tilespmem:$0x14C08] =	vst v63  }
0x11: {  	_ =	swait.ge [sflag:s3], $0x13880  }
0x12: {  	[sflag:s3] =	ssyncset.done $0x0  }
0x13: {  	s10 =	ssub.s32 $0x2, s10;
	s9 =	sadd.s32 $0x12200, s9;
	[sflag:s3] =	ssyncadd.s32 $0xFFFEC780  }
0x14: {  	[tilespmem:s2], [sflag:$0x2] =	stream.linear.gather [hbm4b:s9+s2], $0x1388, $0x38;
	[tilespmem:$0x14C08] =	vst v63  }
0x15: {  	s12 =	sshrl.u32 s10, $0x1;
	_ =	swait.ge [sflag:s3], $0x1388  }
0x16: {  	s12 =	ssub.s32 s10, s12;
	[sflag:s3] =	ssyncset.done $0x0  }
0x17: {  	s31 =	smax.u32 s12, $0x1;
	[sflag:s3] =	ssyncadd.s32 $0xFFFFEC78  }
0x18: {  	[tilespmem:s6], [sflag:$0x1] =	stream.indirect.gather [hbm4b:s5+s6], $0x10, s2, s6, $0xb8;
	[tilespmem:$0x14C08] =	vst v63  }
0x19: {  	p0 =	sne.s32 s31, $0x1;
	_ =	swait.ge [sflag:s7], $0x13880  }
.Ltmp0:
0x1a: {  	[sflag:s7] =	ssyncset.done $0x0;
	(pc) =	sbr.rel @!p0 .LBB2_2-.Ltmp0, $4  }
0x1b: {  	s10 =	sadd.s32 $0x65400, s11;
	[sflag:s7] =	ssyncadd.s32 $0xFFFEC780  }
0x1c: {  	[hbm4b:s10+s2] =	stream.linear.scatter [tilespmem:s6], [sflag:$0x2], $0x13880, $0x38;
	[tilespmem:$0x14C08] =	vst v63  }
0x1d: {  	_ =	swait.ge [sflag:s3], $0x13880  }
0x1e: {  	s11 =	sadd.s32 $0xFFFFFFFF, s31;
	[sflag:s3] =	ssyncset.done $0x0  }
.LBB2_1:
0x1f: {  	p0 =	sne.s32 s11, $0x1;
	s11 =	sadd.s32 $0xFFFFFFFF, s11;
	[sflag:s3] =	ssyncadd.s32 $0xFFFEC780  }
0x20: {  	[tilespmem:s2], [sflag:$0x2] =	stream.linear.gather [hbm4b:s4+s2], $0x1388, $0x38;
	[tilespmem:$0x14C08] =	vst v63  }
0x21: {  	_ =	swait.ge [sflag:s3], $0x1388  }
0x22: {  	[sflag:s3] =	ssyncset.done $0x0  }
0x23: {  	[sflag:s3] =	ssyncadd.s32 $0xFFFFEC78  }
0x24: {  	[tilespmem:s6], [sflag:$0x1] =	stream.indirect.gather [hbm4b:s5+s6], $0x10, s2, s6, $0xb8;
	[tilespmem:$0x14C08] =	vst v63  }
0x25: {  	_ =	swait.ge [sflag:s7], $0x13880  }
0x26: {  	[sflag:s7] =	ssyncset.done $0x0  }
0x27: {  	[sflag:s7] =	ssyncadd.s32 $0xFFFEC780  }
0x28: {  	[hbm4b:s8+s2] =	stream.linear.scatter [tilespmem:s6], [sflag:$0x2], $0x13880, $0x38;
	[tilespmem:$0x14C08] =	vst v63  }
0x29: {  	_ =	swait.ge [sflag:s3], $0x13880  }
0x2a: {  	[sflag:s3] =	ssyncset.done $0x0  }
0x2b: {  	[sflag:s3] =	ssyncadd.s32 $0xFFFEC780  }
0x2c: {  	[tilespmem:s2], [sflag:$0x2] =	stream.linear.gather [hbm4b:s9+s2], $0x1388, $0x38;
	[tilespmem:$0x14C08] =	vst v63  }
0x2d: {  	_ =	swait.ge [sflag:s3], $0x1388  }
0x2e: {  	[sflag:s3] =	ssyncset.done $0x0  }
0x2f: {  	[sflag:s3] =	ssyncadd.s32 $0xFFFFEC78  }
0x30: {  	[tilespmem:s6], [sflag:$0x1] =	stream.indirect.gather [hbm4b:s5+s6], $0x10, s2, s6, $0xb8;
	[tilespmem:$0x14C08] =	vst v63  }
0x31: {  	_ =	swait.ge [sflag:s7], $0x13880  }
.Ltmp1:
0x32: {  	[sflag:s7] =	ssyncset.done $0x0;
	(pc) =	sbr.rel @p0 .LBB2_1-.Ltmp1, $4  }
0x33: {  	[sflag:s7] =	ssyncadd.s32 $0xFFFEC780  }
0x34: {  	[hbm4b:s10+s2] =	stream.linear.scatter [tilespmem:s6], [sflag:$0x2], $0x13880, $0x38;
	[tilespmem:$0x14C08] =	vst v63  }
0x35: {  	_ =	swait.ge [sflag:s3], $0x13880  }
0x36: {  	[sflag:s3] =	ssyncset.done $0x0  }
.LBB2_2:
0x37: {  	[sflag:s3] =	ssyncadd.s32 $0xFFFEC780  }
0x38: {  	_ =	sfence.sel $0x180000  }
0x39: {  	[bflag:$0x0] =	sbarrier.arrive $0xFFFF  }
0x3a: {  	p0 =	sne.s32 s0, $0x0;
	_ =	strace $0x90000047  }
0x3b: {  	s0 =	sadd.s32 @!p0 $0x100000, s1;
	[bflag:$0x2] =	sbarrier.arrive $0xFFFF  }
0x3c: {  	[sflag:s0] =	ssyncadd.tile.s32 @!p0 $0x1;
	_ =	shalt  }
.Lfunc_end2:
_tile_overlayer_lowered:
.L_overlay_start_2:
0x3d: {  	(tag) =	ssettag $0x2  }
0x3e: {  	s0 =	rddreg [dreg:$0x0];
	s2 =	stileid.u32  }
0x3f: {  	s1 =	rddreg [dreg:$0x1];
	p0 =	sne.s32 s2, $0x0  }
0x40: {  	s3 =	rddreg [dreg:$0x2];
	[bflag:$0x3] =	sbarrier.arrive $0xFFFF;
	s2 =	simm.s32 @!p0 $0x1C02  }
0x41: {  	[timem:s3], [sflag:s2] =	dma.local @!p0 [hbm:s0], s1  }
0x42: {  	s0 =	simm.s32 @!p0 $0x2  }
0x43: {  	_ =	swait.ge @!p0 [sflag:s0], s1  }
0x44: {  	s1 =	ssub.s32 @!p0 $0x0, s1;
	[sflag:s0] =	ssyncset.done @!p0 $0x0  }
0x45: {  	[sflag:s0] =	ssyncadd.s32 @!p0 s1  }
0x46: {  	[bflag:$0x3] =	sbarrier.arrive $0xFFFF  }
0x47: {  	_ =	shalt  }

// kernel: kernel.25.cloned.1.call-start
scs
__scs_entry_jumppad:
0x0: {  	(pc) =	sbr.rel $0x88, $3  }
0x1: {  	(tag) =	ssettag $0x0;
	lr =	simm.s32 $0x1  }
0x2: {  	[smem:$0x3F88] =	sst lr;
	_ =	strace $0xD0000000  }
0x3: {  	_ = 	snop  }
0x4: {  	_ = 	snop  }
0x5: {  	_ = 	snop  }
0x6: {  	_ = 	snop  }
0x7: {  	_ = 	snop  }
__scs_overlays_trampoline_lowered:
0x8: {  	[smem:$0x3F97] =	sst s0  }
0x9: {  	[smem:$0x3F98] =	sst s1  }
0xa: {  	[smem:$0x3F99] =	sst s2  }
0xb: {  	[smem:$0x3F9A] =	sst s3  }
0xc: {  	[smem:$0x3F9B] =	sst s4  }
0xd: {  	[smem:$0x3F9C] =	sst s5  }
0xe: {  	[smem:$0x3F9D] =	sst s6  }
0xf: {  	[smem:$0x3F9E] =	sst s7  }
0x10: {  	[smem:$0x3F9F] =	sst s8  }
0x11: {  	[smem:$0x3FA0] =	sst s9;
	s0 =	simm.s32 @!p0 $0x0  }
0x12: {  	s1 =	sld [smem:$0x3F86];
	s0 =	simm.s32 @p0 $0x1  }
0x13: {  	[smem:$0x3FA1] =	sst s0;
	s0 =	simm.s32 @!p1 $0x0  }
0x14: {  	s2 =	sld [smem:$0x3F85];
	s0 =	simm.s32 @p1 $0x1  }
0x15: {  	[smem:$0x3FA2] =	sst s0;
	s0 =	simm.s32 @!p2 $0x0  }
0x16: {  	s3 =	sld [smem:$0x3FDB];
	s0 =	simm.s32 @p2 $0x1  }
0x17: {  	s4 =	simm.s32 $0x1BF5;
	[smem:$0x3FA4] =	sst s0  }
0x18: {  	s0 =	sld [smem:$0x3F87];
	_ =	swait.ge [sflag:s4], $0x0  }
0x19: {  	s7 =	sld [smem:$0x3F88]  }
0x1a: {  	s8 =	sadd.s32 $0xFFFFE003, lr  }
0x1b: {  	s9 =	sadd.s32 $0xFFFFFEF7, lr;
	s5 =	simm.s32 $0xFFFFFFFF;
	p2 =	slt.u32 s8, $0xFFFFF086  }
0x1c: {  	p1 =	slt.u32 s9, $0xF7A;
	s5 =	simm.s32 @!p2 $0x0  }
0x1d: {  	s5 =	simm.s32 @p1 $0x1;
	p0 =	seq.s32 s7, s2  }
0x1e: {  	s7 =	smul.u32 @!p0 $0xF7A, s2;
	p2 =	seq.s32 @!p0 s5, $0x0  }
0x1f: {  	s9 =	smul.u32 $0xF7A, s1;
	s8 =	simm.s32 @!p0 $0x1BF5;
	p2 =	por !p2, p0  }
0x20: {  	[sflag:s8] =	ssyncset.s32 @!p0 $0xFFFFF086;
	s6 =	sadd.s32 @!p0 s3, s7;
	s7 =	simm.s32 @!p0 $0x108  }
0x21: {  	s3 =	sadd.s32 s3, s9;
	s6 =	sadd.s32 @!p0 $0x88, s6;
	s7 =	simm.s32 @p2 $0x1082  }
0x22: {  	[simem:s7], [sflag:s8] =	dma.local @!p0 [hbm:s6], $0xF7A  }
0x23: {  	s9 =	sor.u32 $0xD0000000, s2;
	s6 =	simm.s32 $0x108;
	_ =	swait.ge @!p0 [sflag:s8], $0x0  }
0x24: {  	s3 =	sadd.s32 $0x88, s3;
	s6 =	simm.s32 @!p1 $0x1082;
	[sflag:s4] =	ssyncset.s32 $0xFFFFF086  }
0x25: {  	[simem:s6], [sflag:s4] =	dma.local [hbm:s3], $0xF7A  }
0x26: {  	[smem:$0x3F88] =	sst s1;
	(tag) =	ssettag s2;
	_ =	strace s9  }
0x27: {  	s1 =	sld [smem:$0x3F98]  }
0x28: {  	s2 =	sld [smem:$0x3F99]  }
0x29: {  	s4 =	sld [smem:$0x3F9B]  }
0x2a: {  	p0 =	seq.s32 s5, $0x0;
	s5 =	sld [smem:$0x3F9C]  }
0x2b: {  	s6 =	sld [smem:$0x3F9D]  }
0x2c: {  	s7 =	sld [smem:$0x3F9E]  }
0x2d: {  	s3 =	simm.s32 $0x108;
	s8 =	sld [smem:$0x3F9F]  }
0x2e: {  	s3 =	simm.s32 @!p0 $0x1082;
	s9 =	sld [smem:$0x3FA0]  }
0x2f: {  	lr =	sadd.s32 s0, s3;
	s0 =	sld [smem:$0x3F97]  }
0x30: {  	s3 =	sld [smem:$0x3F9A]  }
0x31: {  	[smem:$0x3FA3] =	sst s10  }
0x32: {  	s10 =	sld [smem:$0x3FA1];
	_ =	sdelay $0x3  }
0x33: {  	p0 =	seq.s32 s10, $0x1;
	s10 =	sld [smem:$0x3FA3];
	_ =	sdelay $0x3  }
0x34: {  	[smem:$0x3FA3] =	sst s10  }
0x35: {  	s10 =	sld [smem:$0x3FA2];
	_ =	sdelay $0x3  }
0x36: {  	p1 =	seq.s32 s10, $0x1;
	s10 =	sld [smem:$0x3FA3];
	_ =	sdelay $0x3  }
0x37: {  	[smem:$0x3FA3] =	sst s10  }
0x38: {  	s10 =	sld [smem:$0x3FA4]  }
0x39: {  	_ = 	snop;
	(pc) =	sbr.ind lr, $3  }
0x3a: {  	_ = 	snop  }
0x3b: {  	_ = 	snop  }
0x3c: {  	p2 =	seq.s32 s10, $0x1;
	s10 =	sld [smem:$0x3FA3]  }
0x3d: {  	_ =	shalt  }
0x3e: {  	_ =	shalt  }
0x3f: {  	_ =	shalt  }
0x40: {  	_ =	shalt  }
0x41: {  	_ =	shalt  }
0x42: {  	_ =	shalt  }
0x43: {  	_ =	shalt  }
0x44: {  	_ =	shalt  }
0x45: {  	_ =	shalt  }
0x46: {  	_ =	shalt  }
0x47: {  	_ =	shalt  }
0x48: {  	_ =	shalt  }
0x49: {  	_ =	shalt  }
0x4a: {  	_ =	shalt  }
0x4b: {  	_ =	shalt  }
0x4c: {  	_ =	shalt  }
0x4d: {  	_ =	shalt  }
0x4e: {  	_ =	shalt  }
0x4f: {  	_ =	shalt  }
0x50: {  	_ =	shalt  }
0x51: {  	_ =	shalt  }
0x52: {  	_ =	shalt  }
0x53: {  	_ =	shalt  }
0x54: {  	_ =	shalt  }
0x55: {  	_ =	shalt  }
0x56: {  	_ =	shalt  }
0x57: {  	_ =	shalt  }
0x58: {  	_ =	shalt  }
0x59: {  	_ =	shalt  }
0x5a: {  	_ =	shalt  }
0x5b: {  	_ =	shalt  }
0x5c: {  	_ =	shalt  }
0x5d: {  	_ =	shalt  }
0x5e: {  	_ =	shalt  }
0x5f: {  	_ =	shalt  }
0x60: {  	_ =	shalt  }
0x61: {  	_ =	shalt  }
0x62: {  	_ =	shalt  }
0x63: {  	_ =	shalt  }
0x64: {  	_ =	shalt  }
0x65: {  	_ =	shalt  }
0x66: {  	_ =	shalt  }
0x67: {  	_ =	shalt  }
0x68: {  	_ =	shalt  }
0x69: {  	_ =	shalt  }
0x6a: {  	_ =	shalt  }
0x6b: {  	_ =	shalt  }
0x6c: {  	_ =	shalt  }
0x6d: {  	_ =	shalt  }
0x6e: {  	_ =	shalt  }
0x6f: {  	_ =	shalt  }
0x70: {  	_ =	shalt  }
0x71: {  	_ =	shalt  }
0x72: {  	_ =	shalt  }
0x73: {  	_ =	shalt  }
0x74: {  	_ =	shalt  }
0x75: {  	_ =	shalt  }
0x76: {  	_ =	shalt  }
0x77: {  	_ =	shalt  }
0x78: {  	_ =	shalt  }
0x79: {  	_ =	shalt  }
0x7a: {  	_ =	shalt  }
0x7b: {  	_ =	shalt  }
0x7c: {  	_ =	shalt  }
0x7d: {  	_ =	shalt  }
0x7e: {  	_ =	shalt  }
0x7f: {  	_ =	shalt  }
0x80: {  	_ =	shalt  }
0x81: {  	_ =	shalt  }
0x82: {  	_ =	shalt  }
0x83: {  	_ =	shalt  }
0x84: {  	_ =	shalt  }
0x85: {  	_ =	shalt  }
0x86: {  	_ =	shalt  }
0x87: {  	_ =	shalt  }
.Lfunc_end0:
.L_simem_size_0:
called_computation.1_lowered:
.L_overlay_start_0:
0x88: {  	s2 =	sld [smem:$0x3FD9]  }
0x89: {  	s3 =	sld [smem:$0x3FFE];
	_ =	sdelay $0x1  }
0x8a: {  	s1 =	srdreg.scid  }
0x8b: {  	s0 =	sand.u32 $0x1, s1  }
0x8c: {  	s17 =	sshll.u32 s0, $0xA;
	s2 =	sadd.s32 s3, s2  }
0x8d: {  	s2 =	sadd.s32 s2, s17  }
0x8e: {  	[smem:$0x3FAF] =	sst s2  }
0x8f: {  	_ = 	snop  }
0x90: {  	(tm) =	ssettm $0x1  }
0x91: {  	s18 =	sld [smem:$0x3FFB];
	_ =	sdelay $0x3  }
0x92: {  	_ =	strace s18  }
0x93: {  	s2 =	sld [smem:$0x3FFC];
	_ =	sdelay $0x3  }
0x94: {  	_ =	strace s2  }
0x95: {  	s2 =	sld [smem:$0x3FFD];
	_ =	sdelay $0x3  }
0x96: {  	_ =	strace s2  }
0x97: {  	_ =	strace $0x8FFFFFFF  }
0x98: {  	s19 =	sld [smem:$0x3FDB];
	_ =	sdelay $0x1  }
0x99: {  	s20 =	simm.s32 $_scs_section_size  }
0x9a: {  	s4 =	simm.s32 $_size__tile_overlayer_lowered;
	s5 =	simm.s32 $_tile_overlayer_lowered  }
0x9b: {  	s6 =	simm.s32 $0x1BFF;
	s21 =	sshll.u32 s5, $0x1;
	s3 =	sadd.s32 s20, s19  }
0x9c: {  	s22 =	simm.s32 $0x0;
	s4 =	sshll.u32 s4, $0x1;
	s5 =	sadd.s32 s21, s3  }
0x9d: {  	[timem:s22], [sflag:s6] =	dma.local [hbm:s5], s4  }
0x9e: {  	_ =	swait.ge [sflag:s6], s4  }
0x9f: {  	s4 =	ssub.s32 $0x0, s4;
	[sflag:s6] =	ssyncset.done $0x0  }
0xa0: {  	[sflag:s6] =	ssyncadd.s32 s4;
	_ =	sdelay $0x1  }
0xa1: {  	s23 =	simm.s32 $0x1B8B  }
0xa2: {  	_ =	swait.ge [sflag:s23], $0x1  }
0xa3: {  	[sflag:s23] =	ssyncset.done $0x0  }
0xa4: {  	[sflag:s23] =	ssyncadd.s32 $0xFFFFFFFF  }
0xa5: {  	s4 =	sld [smem:$0x0]  }
0xa6: {  	s5 =	sand.u32 $0xFFFFFFFE, s1  }
0xa7: {  	p0 =	sne.s32 s1, s5  }
0xa8: {  	s5 =	sshll.u32 @p0 s5, $0xE  }
0xa9: {  	s5 =	sadd.s32 @p0 $0x11B8D, s5;
	s6 =	sshll.u32 @p0 s4, $0x11  }
0xaa: {  	s5 =	sor.u32 @p0 s6, s5  }
0xab: {  	[sflag:s5] =	ssyncadd.remote.s32 @p0 $0x1;
	_ =	sdelay $0x1  }
0xac: {  	s5 =	simm.s32 @p0 $0x1B8D  }
0xad: {  	_ =	swait.eq @p0 [sflag:s5], $0x1  }
0xae: {  	[sflag:s5] =	ssyncadd.s32 @p0 $0xFFFFFFFF  }
0xaf: {  	s6 =	sshll.u32 @!p0 s1, $0xE  }
0xb0: {  	s6 =	sor.u32 @!p0 $0x4000, s6;
	s5 =	simm.s32 @!p0 $0x1B8D  }
0xb1: {  	s4 =	sshll.u32 @!p0 s4, $0x11;
	s6 =	sadd.s32 @!p0 $0x11B8D, s6;
	_ =	swait.eq @!p0 [sflag:s5], $0x1  }
0xb2: {  	s4 =	sor.u32 @!p0 s4, s6;
	[sflag:s5] =	ssyncadd.s32 @!p0 $0xFFFFFFFF  }
0xb3: {  	s25 =	simm.s32 $0x1B8E;
	s24 =	sld [smem:$0x3FFE];
	[sflag:s4] =	ssyncadd.remote.s32 @!p0 $0x1  }
0xb4: {  	s26 =	simm.s32 $execute0_lowered;
	[smem:$0x3FD2] =	sst s25  }
0xb5: {  	s5 =	sshll.u32 s26, $0x1;
	_ =	strace $0x80000049;
	[dreg:$0x1] =	wrdreg $0xFFFFFFFF  }
0xb6: {  	s28 =	simm.s32 $_size_execute0_lowered;
	s3 =	sadd.s32 s3, s5;
	[dreg:$0x0] =	wrdreg $0x0  }
0xb7: {  	s5 =	sshll.u32 s28, $0x1;
	[dreg:$0x2] =	wrdreg s3  }
0xb8: {  	[dreg:$0x3] =	wrdreg s5  }
0xb9: {  	[dreg:$0x4] =	wrdreg $0xC0  }
0xba: {  	_ =	task [dreg:s22], $0x5FFFF  }
0xbb: {  	[dreg:$0x1] =	wrdreg $0xFFFFFFFF  }
0xbc: {  	[dreg:$0x0] =	wrdreg $0x60  }
0xbd: {  	[dreg:$0x2] =	wrdreg s24  }
0xbe: {  	[dreg:$0x3] =	wrdreg $0xA  }
0xbf: {  	_ =	task.clear_ibuf [dreg:s22], $0x4FFFF;
	_ =	strace $0x90000049  }
0xc0: {  	s29 =	simm.s32 $0xA;
	_ =	strace $0x8000004B  }
0xc1: {  	_ =	swait.ge [sflag:s29], $0x1  }
0xc2: {  	[sflag:s29] =	ssyncadd.s32 $0xFFFFFFFF  }
0xc3: {  	_ =	strace $0x9000004B  }
0xc4: {  	_ =	sfence  }
0xc5: {  	s30 =	sld [smem:$0x0];
	_ =	sdelay $0x2  }
0xc6: {  	s31 =	sshll.u32 s1, $0xD;
	s1 =	sshrl.u32 s1, $0x2  }
0xc7: {  	s4 =	sand.u32 $0x4000, s31;
	s1 =	sadd.s32 s1, s30  }
0xc8: {  	s0 =	sor.u32 s4, s0;
	s1 =	sshll.u32 s1, $0x11  }
0xc9: {  	s0 =	sor.u32 s1, s0  }
0xca: {  	s0 =	sadd.s32 $0x8F2B, s0  }
0xcb: {  	[sflag:s0] =	ssyncadd.remote.s32 $0x1  }
0xcc: {  	_ =	sfence.sel $0xFFFF  }
0xcd: {  	[dreg:$0x0] =	wrdreg $0xFFFFFFFF;
	(pc) =	sbr.abs _section_cstart, $3  }
0xce: {  	[dreg:$0x1] =	wrdreg $0xFFFFFFFF  }
0xcf: {  	_ =	task.clear_ibuf [dreg:s22], $0x2FFFF;
	_ =	strace $0x9FFFFFFF  }
0xd0: {  	(tm) =	ssettm $0x7FFFFFFF  }
0xd1: {  	_ =	shalt  }
tec
execute0_lowered:
.L_overlay_start_1:
0x0: {  	(tag) =	ssettag $0x1  }
0x1: {  	s1 =	srdreg.scid;
	s0 =	stileid.u32  }
0x2: {  	s6 =	sand.u32 $0x1, s1;
	s30 =	sshll.u32 s0, $0x1  }
0x3: {  	s8 =	rddreg [dreg:$0x0];
	s7 =	sor.u32 s6, s30  }
0x4: {  	s2 =	simm.s32 $0x0;
	s1 =	rddreg [dreg:$0x1];
	s3 =	smul.u32 $0x271, s7  }
0x5: {  	[smem:$0x7FF] =	sst s2;
	s5 =	sadd.s32 $0xB3600, s8  }
0x6: {  	_ =	strace $0x8000004A;
	s10 =	ssub.s32 $0x2, s6;
	s3 =	sadd.s32 s3, s8  }
0x7: {  	s6 =	simm.s32 $0x1388;
	s4 =	sadd.s32 $0xD200, s3;
	s3 =	simm.s32 $0x2  }
0x8: {  	[tilespmem:s2], [sflag:$0x2] =	stream.linear.gather [hbm4b:s4+s2], $0x1388, $0x38;
	[tilespmem:$0x14C08] =	vst v63  }
0x9: {  	s9 =	smul.u32 $0x2710, s7;
	s11 =	sshrl.u32 s10, $0x1;
	_ =	swait.ge [sflag:s3], $0x1388  }
0xa: {  	s7 =	simm.s32 $0x1;
	s31 =	ssub.s32 s10, s11;
	[sflag:s3] =	ssyncset.done $0x0  }
0xb: {  	s8 =	sadd.s32 s9, s8;
	s9 =	smax.u32 s31, $0x1;
	[sflag:s3] =	ssyncadd.s32 $0xFFFFEC78  }
0xc: {  	[tilespmem:s6], [sflag:$0x1] =	stream.indirect.gather [hbm4b:s5+s6], $0x10, s2, s6, $0xb8;
	[tilespmem:$0x14C08] =	vst v63  }
0xd: {  	p0 =	sne.s32 s9, $0x1;
	_ =	swait.ge [sflag:s7], $0x13880  }
.Ltmp0:
0xe: {  	[sflag:s7] =	ssyncset.done $0x0;
	(pc) =	sbr.rel @!p0 .LBB2_2-.Ltmp0, $4  }
0xf: {  	s8 =	sadd.s32 $0xB8600, s8;
	[sflag:s7] =	ssyncadd.s32 $0xFFFEC780  }
0x10: {  	[hbm4b:s8+s2] =	stream.linear.scatter [tilespmem:s6], [sflag:$0x2], $0x13880, $0x38;
	[tilespmem:$0x14C08] =	vst v63  }
0x11: {  	_ =	swait.ge [sflag:s3], $0x13880  }
0x12: {  	s9 =	sadd.s32 $0xFFFFFFFF, s9;
	[sflag:s3] =	ssyncset.done $0x0  }
.LBB2_1:
0x13: {  	p0 =	sne.s32 s9, $0x1;
	s9 =	sadd.s32 $0xFFFFFFFF, s9;
	[sflag:s3] =	ssyncadd.s32 $0xFFFEC780  }
0x14: {  	[tilespmem:s2], [sflag:$0x2] =	stream.linear.gather [hbm4b:s4+s2], $0x1388, $0x38;
	[tilespmem:$0x14C08] =	vst v63  }
0x15: {  	_ =	swait.ge [sflag:s3], $0x1388  }
0x16: {  	[sflag:s3] =	ssyncset.done $0x0  }
0x17: {  	[sflag:s3] =	ssyncadd.s32 $0xFFFFEC78  }
0x18: {  	[tilespmem:s6], [sflag:$0x1] =	stream.indirect.gather [hbm4b:s5+s6], $0x10, s2, s6, $0xb8;
	[tilespmem:$0x14C08] =	vst v63  }
0x19: {  	_ =	swait.ge [sflag:s7], $0x13880  }
.Ltmp1:
0x1a: {  	[sflag:s7] =	ssyncset.done $0x0;
	(pc) =	sbr.rel @p0 .LBB2_1-.Ltmp1, $4  }
0x1b: {  	[sflag:s7] =	ssyncadd.s32 $0xFFFEC780  }
0x1c: {  	[hbm4b:s8+s2] =	stream.linear.scatter [tilespmem:s6], [sflag:$0x2], $0x13880, $0x38;
	[tilespmem:$0x14C08] =	vst v63  }
0x1d: {  	_ =	swait.ge [sflag:s3], $0x13880  }
0x1e: {  	[sflag:s3] =	ssyncset.done $0x0  }
.LBB2_2:
0x1f: {  	[sflag:s3] =	ssyncadd.s32 $0xFFFEC780  }
0x20: {  	_ =	sfence.sel $0x180000  }
0x21: {  	[bflag:$0x0] =	sbarrier.arrive $0xFFFF  }
0x22: {  	p0 =	sne.s32 s0, $0x0;
	_ =	strace $0x9000004A  }
0x23: {  	s0 =	sadd.s32 @!p0 $0x100000, s1;
	[bflag:$0x2] =	sbarrier.arrive $0xFFFF  }
0x24: {  	[sflag:s0] =	ssyncadd.tile.s32 @!p0 $0x1;
	_ =	shalt  }
.Lfunc_end2:
_tile_overlayer_lowered:
.L_overlay_start_2:
0x25: {  	(tag) =	ssettag $0x2  }
0x26: {  	s0 =	rddreg [dreg:$0x0];
	s2 =	stileid.u32  }
0x27: {  	s1 =	rddreg [dreg:$0x1];
	p0 =	sne.s32 s2, $0x0  }
0x28: {  	s3 =	rddreg [dreg:$0x2];
	[bflag:$0x3] =	sbarrier.arrive $0xFFFF;
	s2 =	simm.s32 @!p0 $0x1C02  }
0x29: {  	[timem:s3], [sflag:s2] =	dma.local @!p0 [hbm:s0], s1  }
0x2a: {  	s0 =	simm.s32 @!p0 $0x2  }
0x2b: {  	_ =	swait.ge @!p0 [sflag:s0], s1  }
0x2c: {  	s1 =	ssub.s32 @!p0 $0x0, s1;
	[sflag:s0] =	ssyncset.done @!p0 $0x0  }
0x2d: {  	[sflag:s0] =	ssyncadd.s32 @!p0 s1  }
0x2e: {  	[bflag:$0x3] =	sbarrier.arrive $0xFFFF  }
0x2f: {  	_ =	shalt  }

// kernel: kernel.28.cloned.1.call-start
scs
__scs_entry_jumppad:
0x0: {  	(pc) =	sbr.rel $0x88, $3  }
0x1: {  	(tag) =	ssettag $0x0;
	lr =	simm.s32 $0x1  }
0x2: {  	[smem:$0x3F88] =	sst lr;
	_ =	strace $0xD0000000  }
0x3: {  	_ = 	snop  }
0x4: {  	_ = 	snop  }
0x5: {  	_ = 	snop  }
0x6: {  	_ = 	snop  }
0x7: {  	_ = 	snop  }
__scs_overlays_trampoline_lowered:
0x8: {  	[smem:$0x3F97] =	sst s0  }
0x9: {  	[smem:$0x3F98] =	sst s1  }
0xa: {  	[smem:$0x3F99] =	sst s2  }
0xb: {  	[smem:$0x3F9A] =	sst s3  }
0xc: {  	[smem:$0x3F9B] =	sst s4  }
0xd: {  	[smem:$0x3F9C] =	sst s5  }
0xe: {  	[smem:$0x3F9D] =	sst s6  }
0xf: {  	[smem:$0x3F9E] =	sst s7  }
0x10: {  	[smem:$0x3F9F] =	sst s8  }
0x11: {  	[smem:$0x3FA0] =	sst s9;
	s0 =	simm.s32 @!p0 $0x0  }
0x12: {  	s1 =	sld [smem:$0x3F86];
	s0 =	simm.s32 @p0 $0x1  }
0x13: {  	[smem:$0x3FA1] =	sst s0;
	s0 =	simm.s32 @!p1 $0x0  }
0x14: {  	s2 =	sld [smem:$0x3F85];
	s0 =	simm.s32 @p1 $0x1  }
0x15: {  	[smem:$0x3FA2] =	sst s0;
	s0 =	simm.s32 @!p2 $0x0  }
0x16: {  	s3 =	sld [smem:$0x3FDB];
	s0 =	simm.s32 @p2 $0x1  }
0x17: {  	s4 =	simm.s32 $0x1BF5;
	[smem:$0x3FA4] =	sst s0  }
0x18: {  	s0 =	sld [smem:$0x3F87];
	_ =	swait.ge [sflag:s4], $0x0  }
0x19: {  	s7 =	sld [smem:$0x3F88]  }
0x1a: {  	s8 =	sadd.s32 $0xFFFFE003, lr  }
0x1b: {  	s9 =	sadd.s32 $0xFFFFFEF7, lr;
	s5 =	simm.s32 $0xFFFFFFFF;
	p2 =	slt.u32 s8, $0xFFFFF086  }
0x1c: {  	p1 =	slt.u32 s9, $0xF7A;
	s5 =	simm.s32 @!p2 $0x0  }
0x1d: {  	s5 =	simm.s32 @p1 $0x1;
	p0 =	seq.s32 s7, s2  }
0x1e: {  	s7 =	smul.u32 @!p0 $0xF7A, s2;
	p2 =	seq.s32 @!p0 s5, $0x0  }
0x1f: {  	s9 =	smul.u32 $0xF7A, s1;
	s8 =	simm.s32 @!p0 $0x1BF5;
	p2 =	por !p2, p0  }
0x20: {  	[sflag:s8] =	ssyncset.s32 @!p0 $0xFFFFF086;
	s6 =	sadd.s32 @!p0 s3, s7;
	s7 =	simm.s32 @!p0 $0x108  }
0x21: {  	s3 =	sadd.s32 s3, s9;
	s6 =	sadd.s32 @!p0 $0x88, s6;
	s7 =	simm.s32 @p2 $0x1082  }
0x22: {  	[simem:s7], [sflag:s8] =	dma.local @!p0 [hbm:s6], $0xF7A  }
0x23: {  	s9 =	sor.u32 $0xD0000000, s2;
	s6 =	simm.s32 $0x108;
	_ =	swait.ge @!p0 [sflag:s8], $0x0  }
0x24: {  	s3 =	sadd.s32 $0x88, s3;
	s6 =	simm.s32 @!p1 $0x1082;
	[sflag:s4] =	ssyncset.s32 $0xFFFFF086  }
0x25: {  	[simem:s6], [sflag:s4] =	dma.local [hbm:s3], $0xF7A  }
0x26: {  	[smem:$0x3F88] =	sst s1;
	(tag) =	ssettag s2;
	_ =	strace s9  }
0x27: {  	s1 =	sld [smem:$0x3F98]  }
0x28: {  	s2 =	sld [smem:$0x3F99]  }
0x29: {  	s4 =	sld [smem:$0x3F9B]  }
0x2a: {  	p0 =	seq.s32 s5, $0x0;
	s5 =	sld [smem:$0x3F9C]  }
0x2b: {  	s6 =	sld [smem:$0x3F9D]  }
0x2c: {  	s7 =	sld [smem:$0x3F9E]  }
0x2d: {  	s3 =	simm.s32 $0x108;
	s8 =	sld [smem:$0x3F9F]  }
0x2e: {  	s3 =	simm.s32 @!p0 $0x1082;
	s9 =	sld [smem:$0x3FA0]  }
0x2f: {  	lr =	sadd.s32 s0, s3;
	s0 =	sld [smem:$0x3F97]  }
0x30: {  	s3 =	sld [smem:$0x3F9A]  }
0x31: {  	[smem:$0x3FA3] =	sst s10  }
0x32: {  	s10 =	sld [smem:$0x3FA1];
	_ =	sdelay $0x3  }
0x33: {  	p0 =	seq.s32 s10, $0x1;
	s10 =	sld [smem:$0x3FA3];
	_ =	sdelay $0x3  }
0x34: {  	[smem:$0x3FA3] =	sst s10  }
0x35: {  	s10 =	sld [smem:$0x3FA2];
	_ =	sdelay $0x3  }
0x36: {  	p1 =	seq.s32 s10, $0x1;
	s10 =	sld [smem:$0x3FA3];
	_ =	sdelay $0x3  }
0x37: {  	[smem:$0x3FA3] =	sst s10  }
0x38: {  	s10 =	sld [smem:$0x3FA4]  }
0x39: {  	_ = 	snop;
	(pc) =	sbr.ind lr, $3  }
0x3a: {  	_ = 	snop  }
0x3b: {  	_ = 	snop  }
0x3c: {  	p2 =	seq.s32 s10, $0x1;
	s10 =	sld [smem:$0x3FA3]  }
0x3d: {  	_ =	shalt  }
0x3e: {  	_ =	shalt  }
0x3f: {  	_ =	shalt  }
0x40: {  	_ =	shalt  }
0x41: {  	_ =	shalt  }
0x42: {  	_ =	shalt  }
0x43: {  	_ =	shalt  }
0x44: {  	_ =	shalt  }
0x45: {  	_ =	shalt  }
0x46: {  	_ =	shalt  }
0x47: {  	_ =	shalt  }
0x48: {  	_ =	shalt  }
0x49: {  	_ =	shalt  }
0x4a: {  	_ =	shalt  }
0x4b: {  	_ =	shalt  }
0x4c: {  	_ =	shalt  }
0x4d: {  	_ =	shalt  }
0x4e: {  	_ =	shalt  }
0x4f: {  	_ =	shalt  }
0x50: {  	_ =	shalt  }
0x51: {  	_ =	shalt  }
0x52: {  	_ =	shalt  }
0x53: {  	_ =	shalt  }
0x54: {  	_ =	shalt  }
0x55: {  	_ =	shalt  }
0x56: {  	_ =	shalt  }
0x57: {  	_ =	shalt  }
0x58: {  	_ =	shalt  }
0x59: {  	_ =	shalt  }
0x5a: {  	_ =	shalt  }
0x5b: {  	_ =	shalt  }
0x5c: {  	_ =	shalt  }
0x5d: {  	_ =	shalt  }
0x5e: {  	_ =	shalt  }
0x5f: {  	_ =	shalt  }
0x60: {  	_ =	shalt  }
0x61: {  	_ =	shalt  }
0x62: {  	_ =	shalt  }
0x63: {  	_ =	shalt  }
0x64: {  	_ =	shalt  }
0x65: {  	_ =	shalt  }
0x66: {  	_ =	shalt  }
0x67: {  	_ =	shalt  }
0x68: {  	_ =	shalt  }
0x69: {  	_ =	shalt  }
0x6a: {  	_ =	shalt  }
0x6b: {  	_ =	shalt  }
0x6c: {  	_ =	shalt  }
0x6d: {  	_ =	shalt  }
0x6e: {  	_ =	shalt  }
0x6f: {  	_ =	shalt  }
0x70: {  	_ =	shalt  }
0x71: {  	_ =	shalt  }
0x72: {  	_ =	shalt  }
0x73: {  	_ =	shalt  }
0x74: {  	_ =	shalt  }
0x75: {  	_ =	shalt  }
0x76: {  	_ =	shalt  }
0x77: {  	_ =	shalt  }
0x78: {  	_ =	shalt  }
0x79: {  	_ =	shalt  }
0x7a: {  	_ =	shalt  }
0x7b: {  	_ =	shalt  }
0x7c: {  	_ =	shalt  }
0x7d: {  	_ =	shalt  }
0x7e: {  	_ =	shalt  }
0x7f: {  	_ =	shalt  }
0x80: {  	_ =	shalt  }
0x81: {  	_ =	shalt  }
0x82: {  	_ =	shalt  }
0x83: {  	_ =	shalt  }
0x84: {  	_ =	shalt  }
0x85: {  	_ =	shalt  }
0x86: {  	_ =	shalt  }
0x87: {  	_ =	shalt  }
.Lfunc_end0:
.L_simem_size_0:
called_computation.2_lowered:
.L_overlay_start_0:
0x88: {  	s2 =	sld [smem:$0x3FD9]  }
0x89: {  	s3 =	sld [smem:$0x3FFE];
	_ =	sdelay $0x1  }
0x8a: {  	s1 =	srdreg.scid  }
0x8b: {  	s0 =	sand.u32 $0x1, s1  }
0x8c: {  	s16 =	sshll.u32 s0, $0xA;
	s2 =	sadd.s32 s3, s2  }
0x8d: {  	s2 =	sadd.s32 s2, s16  }
0x8e: {  	[smem:$0x3FAF] =	sst s2  }
0x8f: {  	_ = 	snop  }
0x90: {  	(tm) =	ssettm $0x1  }
0x91: {  	s17 =	sld [smem:$0x3FFB];
	_ =	sdelay $0x3  }
0x92: {  	_ =	strace s17  }
0x93: {  	s2 =	sld [smem:$0x3FFC];
	_ =	sdelay $0x3  }
0x94: {  	_ =	strace s2  }
0x95: {  	s2 =	sld [smem:$0x3FFD];
	_ =	sdelay $0x3  }
0x96: {  	_ =	strace s2  }
0x97: {  	_ =	strace $0x8FFFFFFF  }
0x98: {  	s18 =	sld [smem:$0x3FDB];
	_ =	sdelay $0x1  }
0x99: {  	s19 =	simm.s32 $_scs_section_size  }
0x9a: {  	s4 =	simm.s32 $_size__tile_overlayer_lowered;
	s5 =	simm.s32 $_tile_overlayer_lowered  }
0x9b: {  	s22 =	simm.s32 $0x1BFF;
	s21 =	sshll.u32 s5, $0x1;
	s2 =	sadd.s32 s19, s18  }
0x9c: {  	s6 =	simm.s32 $0x0;
	s20 =	sshll.u32 s4, $0x1;
	s4 =	sadd.s32 s21, s2  }
0x9d: {  	[timem:s6], [sflag:s22] =	dma.local [hbm:s4], s20  }
0x9e: {  	_ =	swait.ge [sflag:s22], s20  }
0x9f: {  	s3 =	ssub.s32 $0x0, s20;
	[sflag:s22] =	ssyncset.done $0x0  }
0xa0: {  	[sflag:s22] =	ssyncadd.s32 s3;
	_ =	sdelay $0x1  }
0xa1: {  	s23 =	simm.s32 $0x1B8B  }
0xa2: {  	_ =	swait.ge [sflag:s23], $0x1  }
0xa3: {  	[sflag:s23] =	ssyncset.done $0x0  }
0xa4: {  	s25 =	simm.s32 $0x1B8E;
	s24 =	sld [smem:$0x3FFE];
	[sflag:s23] =	ssyncadd.s32 $0xFFFFFFFF  }
0xa5: {  	s26 =	simm.s32 $execute0_lowered;
	[smem:$0x3FD2] =	sst s25  }
0xa6: {  	s4 =	sshll.u32 s26, $0x1;
	_ =	strace $0x8000004C;
	[dreg:$0x1] =	wrdreg $0xFFFFFFFF  }
0xa7: {  	s28 =	simm.s32 $_size_execute0_lowered;
	s2 =	sadd.s32 s2, s4;
	[dreg:$0x0] =	wrdreg $0x0  }
0xa8: {  	s4 =	sshll.u32 s28, $0x1;
	[dreg:$0x2] =	wrdreg s2  }
0xa9: {  	[dreg:$0x3] =	wrdreg s4  }
0xaa: {  	[dreg:$0x4] =	wrdreg $0xC0  }
0xab: {  	_ =	task [dreg:s6], $0x5FFFF  }
0xac: {  	[dreg:$0x1] =	wrdreg $0xFFFFFFFF  }
0xad: {  	[dreg:$0x0] =	wrdreg $0x60  }
0xae: {  	[dreg:$0x2] =	wrdreg s24  }
0xaf: {  	[dreg:$0x3] =	wrdreg $0x14C080  }
0xb0: {  	[dreg:$0x4] =	wrdreg $0x9  }
0xb1: {  	_ =	task.clear_ibuf [dreg:s6], $0x5FFFF;
	_ =	strace $0x9000004C  }
0xb2: {  	s29 =	simm.s32 $0x9;
	_ =	strace $0x8000004E  }
0xb3: {  	_ =	swait.ge [sflag:s29], $0x1  }
0xb4: {  	[sflag:s29] =	ssyncadd.s32 $0xFFFFFFFF  }
0xb5: {  	_ =	strace $0x9000004E  }
0xb6: {  	_ =	sfence  }
0xb7: {  	s30 =	sld [smem:$0x0];
	_ =	sdelay $0x2  }
0xb8: {  	s31 =	sshll.u32 s1, $0xD;
	s1 =	sshrl.u32 s1, $0x2  }
0xb9: {  	s3 =	sand.u32 $0x4000, s31;
	s1 =	sadd.s32 s1, s30  }
0xba: {  	s0 =	sor.u32 s3, s0;
	s1 =	sshll.u32 s1, $0x11  }
0xbb: {  	s0 =	sor.u32 s1, s0  }
0xbc: {  	s0 =	sadd.s32 $0x8F2B, s0  }
0xbd: {  	[sflag:s0] =	ssyncadd.remote.s32 $0x1  }
0xbe: {  	_ =	sfence.sel $0xFFFF  }
0xbf: {  	[dreg:$0x0] =	wrdreg $0xFFFFFFFF;
	(pc) =	sbr.abs _section_cstart, $3  }
0xc0: {  	[dreg:$0x1] =	wrdreg $0xFFFFFFFF  }
0xc1: {  	_ =	task.clear_ibuf [dreg:s6], $0x2FFFF;
	_ =	strace $0x9FFFFFFF  }
0xc2: {  	(tm) =	ssettm $0x7FFFFFFF  }
0xc3: {  	_ =	shalt  }
tec
execute0_lowered:
.L_overlay_start_1:
0x0: {  	(tag) =	ssettag $0x1  }
0x1: {  	s0 =	srdreg.scid;
	s4 =	rddreg [dreg:$0x0]  }
0x2: {  	s8 =	stileid.u32;
	s1 =	rddreg [dreg:$0x1];
	s2 =	simm.s32 $0x0  }
0x3: {  	p1 =	por $0x0, $0x0;
	s3 =	sand.u32 $0x1, s0;
	s10 =	smul.u32 $0x4E2, s8  }
0x4: {  	s0 =	sshll.u32 s3, $0x4;
	s7 =	smul.u32 $0x4E20, s3;
	s3 =	ssub.s32 $0x2, s3  }
0x5: {  	[smem:$0x7FF] =	sst s2;
	s11 =	smul.u32 $0x9C40, s8;
	s29 =	sshrl.u32 s3, $0x1  }
0x6: {  	p0 =	sne.s32 s8, $0x0;
	s7 =	sadd.s32 s10, s7;
	s10 =	ssub.s32 s3, s29  }
0x7: {  	s5 =	sor.u32 s8, s0;
	s0 =	rddreg [dreg:$0x2];
	s10 =	smax.u32 s10, $0x1  }
0x8: {  	_ =	strace $0x8000004D;
	s6 =	smul.u32 $0x2710, s5;
	s14 =	sadd.s32 $0xFFFFFFFF, s10  }
0x9: {  	s30 =	sshrl.u32 s11, $0x2;
	s5 =	smul.u32 $0x271, s5;
	p2 =	sne.s32 s14, $0x0  }
.Ltmp0:
0xa: {  	s11 =	sshrl.u32 @!p0 s1, $0x3;
	s8 =	sshll.u32 s8, $0x6;
	(pc) =	sbr.rel @!p2 .LBB2_3-.Ltmp0, $4  }
0xb: {  	s31 =	sadd.s32 s30, s1;
	s8 =	sor.u32 $0x1C01, s8;
	s9 =	sadd.s32 s6, s4  }
0xc: {  	s5 =	sadd.s32 s5, s4;
	s6 =	sadd.s32 $0x8200, s4;
	s4 =	sadd.s32 s7, s4  }
0xd: {  	s10 =	simm.s32 $0x1388;
	s7 =	sadd.s32 $0x12200, s5;
	s5 =	sadd.s32 $0xB8600, s9  }
0xe: {  	s3 =	sadd.s32 $0x106800, s4;
	s4 =	simm.s32 $0x1;
	s9 =	sshrl.u32 s31, $0x3  }
0xf: {  	s12 =	simm.s32 @!p0 $0x1C01;
	s13 =	simm.s32 @!p0 $0x1  }
0x10: {  	[spmem:s11], [sflag:s12] =	dma.local @!p0 [hbm:s6], $0x4E20  }
0x11: {  	_ =	swait.ge @!p0 [sflag:s13], $0x4E20  }
0x12: {  	[sflag:s13] =	ssyncset.done @!p0 $0x0  }
0x13: {  	[sflag:s13] =	ssyncadd.s32 @!p0 $0xFFFFB1E0  }
0x14: {  	[bflag:$0x0] =	sbarrier.arrive $0xFFFF  }
0x15: {  	[tilespmem:s2], [sflag:$0x1] =	stream.linear.gather [hbm4b:s7+s2], $0x1388, $0x38;
	[tilespmem:$0x17318] =	vst v63  }
0x16: {  	_ =	swait.ge [sflag:s4], $0x1388  }
0x17: {  	[sflag:s4] =	ssyncset.done $0x0  }
0x18: {  	[sflag:s4] =	ssyncadd.s32 $0xFFFFEC78  }
0x19: {  	[tilespmem:s10], [sflag:$0x1] =	stream.linear.gather [hbm4b:s5+s2], $0x13880, $0x38;
	[tilespmem:$0x17318] =	vst v63  }
0x1a: {  	_ =	swait.ge [sflag:s4], $0x13880  }
0x1b: {  	[sflag:s4] =	ssyncset.done $0x0  }
0x1c: {  	[sflag:s4] =	ssyncadd.s32 $0xFFFEC780  }
0x1d: {  	[spmem:s1] =	stream.indirect.scatter.add.f32 [tilespmem:s10], [sflag:$0x1], $0x10, s2, s10, $0xb8;
	[tilespmem:$0x17318] =	vst v63  }
0x1e: {  	s14 =	sadd.s32 $0xFFFFFFFF, s14;
	_ =	swait.ge [sflag:s4], $0x13880  }
0x1f: {  	p2 =	sne.s32 s14, $0x0;
	[sflag:s4] =	ssyncset.done $0x0  }
.Ltmp1:
0x20: {  	[sflag:s4] =	ssyncadd.s32 $0xFFFEC780;
	(pc) =	sbr.rel @!p2 .LBB2_3-.Ltmp1, $4  }
0x21: {  	[bflag:$0x0] =	sbarrier.arrive $0xFFFF  }
0x22: {  	[hbm:s3], [sflag:s8] =	dma.local [spmem:s9], $0x4E2  }
0x23: {  	_ =	swait.ge [sflag:s4], $0x4E2  }
0x24: {  	p1 =	por $0x1, $0x1;
	[sflag:s4] =	ssyncset.done $0x0  }
.LBB2_2:
0x25: {  	[sflag:s4] =	ssyncadd.s32 $0xFFFFFB1E  }
0x26: {  	[spmem:s11], [sflag:s12] =	dma.local @!p0 [hbm:s6], $0x4E20  }
0x27: {  	s14 =	sadd.s32 $0xFFFFFFFF, s14;
	_ =	swait.ge @!p0 [sflag:s13], $0x4E20  }
0x28: {  	p2 =	sne.s32 s14, $0x0;
	[sflag:s13] =	ssyncset.done @!p0 $0x0  }
0x29: {  	[sflag:s13] =	ssyncadd.s32 @!p0 $0xFFFFB1E0  }
0x2a: {  	[bflag:$0x0] =	sbarrier.arrive $0xFFFF  }
0x2b: {  	[tilespmem:s2], [sflag:$0x1] =	stream.linear.gather [hbm4b:s7+s2], $0x1388, $0x38;
	[tilespmem:$0x17318] =	vst v63  }
0x2c: {  	_ =	swait.ge [sflag:s4], $0x1388  }
0x2d: {  	[sflag:s4] =	ssyncset.done $0x0  }
0x2e: {  	[sflag:s4] =	ssyncadd.s32 $0xFFFFEC78  }
0x2f: {  	[tilespmem:s10], [sflag:$0x1] =	stream.linear.gather [hbm4b:s5+s2], $0x13880, $0x38;
	[tilespmem:$0x17318] =	vst v63  }
0x30: {  	_ =	swait.ge [sflag:s4], $0x13880  }
0x31: {  	[sflag:s4] =	ssyncset.done $0x0  }
0x32: {  	[sflag:s4] =	ssyncadd.s32 $0xFFFEC780  }
0x33: {  	[spmem:s1] =	stream.indirect.scatter.add.f32 [tilespmem:s10], [sflag:$0x1], $0x10, s2, s10, $0xb8;
	[tilespmem:$0x17318] =	vst v63  }
0x34: {  	_ =	swait.ge [sflag:s4], $0x13880  }
0x35: {  	[sflag:s4] =	ssyncset.done $0x0  }
.Ltmp2:
0x36: {  	[sflag:s4] =	ssyncadd.s32 $0xFFFEC780;
	(pc) =	sbr.rel @p2 .LBB2_2-.Ltmp2, $4  }
0x37: {  	[bflag:$0x0] =	sbarrier.arrive $0xFFFF  }
0x38: {  	[hbm:s3], [sflag:s8] =	dma.local [spmem:s9], $0x4E2  }
0x39: {  	_ =	swait.ge [sflag:s4], $0x4E2  }
0x3a: {  	[sflag:s4] =	ssyncset.done $0x0  }
.LBB2_3:
0x3b: {  	s12 =	simm.s32 @!p0 $0x1C01;
	s13 =	simm.s32 @!p0 $0x1;
	[sflag:s4] =	ssyncadd.s32 @p1 $0xFFFFFB1E  }
0x3c: {  	[spmem:s11], [sflag:s12] =	dma.local @!p0 [hbm:s6], $0x4E20  }
0x3d: {  	_ =	swait.ge @!p0 [sflag:s13], $0x4E20  }
0x3e: {  	[sflag:s13] =	ssyncset.done @!p0 $0x0  }
0x3f: {  	[sflag:s13] =	ssyncadd.s32 @!p0 $0xFFFFB1E0  }
0x40: {  	[bflag:$0x0] =	sbarrier.arrive $0xFFFF  }
0x41: {  	[tilespmem:s2], [sflag:$0x1] =	stream.linear.gather [hbm4b:s7+s2], $0x1388, $0x38;
	[tilespmem:$0x17318] =	vst v63  }
0x42: {  	_ =	swait.ge [sflag:s4], $0x1388  }
0x43: {  	[sflag:s4] =	ssyncset.done $0x0  }
0x44: {  	[sflag:s4] =	ssyncadd.s32 $0xFFFFEC78  }
0x45: {  	[tilespmem:s10], [sflag:$0x1] =	stream.linear.gather [hbm4b:s5+s2], $0x13880, $0x38;
	[tilespmem:$0x17318] =	vst v63  }
0x46: {  	_ =	swait.ge [sflag:s4], $0x13880  }
0x47: {  	[sflag:s4] =	ssyncset.done $0x0  }
0x48: {  	[sflag:s4] =	ssyncadd.s32 $0xFFFEC780  }
0x49: {  	[spmem:s1] =	stream.indirect.scatter.add.f32 [tilespmem:s10], [sflag:$0x1], $0x10, s2, s10, $0xb8;
	[tilespmem:$0x17318] =	vst v63  }
0x4a: {  	_ =	swait.ge [sflag:s4], $0x13880  }
0x4b: {  	[sflag:s4] =	ssyncset.done $0x0  }
0x4c: {  	[sflag:s4] =	ssyncadd.s32 $0xFFFEC780  }
0x4d: {  	[bflag:$0x0] =	sbarrier.arrive $0xFFFF  }
0x4e: {  	[hbm:s3], [sflag:s8] =	dma.local [spmem:s9], $0x4E2  }
0x4f: {  	_ =	swait.ge [sflag:s4], $0x4E2  }
0x50: {  	[sflag:s4] =	ssyncset.done $0x0  }
0x51: {  	[sflag:s4] =	ssyncadd.s32 $0xFFFFFB1E  }
0x52: {  	_ =	sfence.sel $0x180000  }
0x53: {  	[bflag:$0x0] =	sbarrier.arrive $0xFFFF  }
0x54: {  	_ =	strace $0x9000004D  }
0x55: {  	s0 =	sadd.s32 @!p0 $0x100000, s0;
	[bflag:$0x2] =	sbarrier.arrive $0xFFFF  }
0x56: {  	[sflag:s0] =	ssyncadd.tile.s32 @!p0 $0x1;
	_ =	shalt  }
.Lfunc_end2:
_tile_overlayer_lowered:
.L_overlay_start_2:
0x57: {  	(tag) =	ssettag $0x2  }
0x58: {  	s0 =	rddreg [dreg:$0x0];
	s2 =	stileid.u32  }
0x59: {  	s1 =	rddreg [dreg:$0x1];
	p0 =	sne.s32 s2, $0x0  }
0x5a: {  	s3 =	rddreg [dreg:$0x2];
	[bflag:$0x3] =	sbarrier.arrive $0xFFFF;
	s2 =	simm.s32 @!p0 $0x1C01  }
0x5b: {  	[timem:s3], [sflag:s2] =	dma.local @!p0 [hbm:s0], s1  }
0x5c: {  	s0 =	simm.s32 @!p0 $0x1  }
0x5d: {  	_ =	swait.ge @!p0 [sflag:s0], s1  }
0x5e: {  	s1 =	ssub.s32 @!p0 $0x0, s1;
	[sflag:s0] =	ssyncset.done @!p0 $0x0  }
0x5f: {  	[sflag:s0] =	ssyncadd.s32 @!p0 s1  }
0x60: {  	[bflag:$0x3] =	sbarrier.arrive $0xFFFF  }
0x61: {  	_ =	shalt  }

// kernel: kernel.31.cloned.1.call-start
scs
__scs_entry_jumppad:
0x0: {  	(pc) =	sbr.rel $0x88, $3  }
0x1: {  	(tag) =	ssettag $0x0;
	lr =	simm.s32 $0x1  }
0x2: {  	[smem:$0x3F88] =	sst lr;
	_ =	strace $0xD0000000  }
0x3: {  	_ = 	snop  }
0x4: {  	_ = 	snop  }
0x5: {  	_ = 	snop  }
0x6: {  	_ = 	snop  }
0x7: {  	_ = 	snop  }
__scs_overlays_trampoline_lowered:
0x8: {  	[smem:$0x3F97] =	sst s0  }
0x9: {  	[smem:$0x3F98] =	sst s1  }
0xa: {  	[smem:$0x3F99] =	sst s2  }
0xb: {  	[smem:$0x3F9A] =	sst s3  }
0xc: {  	[smem:$0x3F9B] =	sst s4  }
0xd: {  	[smem:$0x3F9C] =	sst s5  }
0xe: {  	[smem:$0x3F9D] =	sst s6  }
0xf: {  	[smem:$0x3F9E] =	sst s7  }
0x10: {  	[smem:$0x3F9F] =	sst s8  }
0x11: {  	[smem:$0x3FA0] =	sst s9;
	s0 =	simm.s32 @!p0 $0x0  }
0x12: {  	s1 =	sld [smem:$0x3F86];
	s0 =	simm.s32 @p0 $0x1  }
0x13: {  	[smem:$0x3FA1] =	sst s0;
	s0 =	simm.s32 @!p1 $0x0  }
0x14: {  	s2 =	sld [smem:$0x3F85];
	s0 =	simm.s32 @p1 $0x1  }
0x15: {  	[smem:$0x3FA2] =	sst s0;
	s0 =	simm.s32 @!p2 $0x0  }
0x16: {  	s3 =	sld [smem:$0x3FDB];
	s0 =	simm.s32 @p2 $0x1  }
0x17: {  	s4 =	simm.s32 $0x1BF5;
	[smem:$0x3FA4] =	sst s0  }
0x18: {  	s0 =	sld [smem:$0x3F87];
	_ =	swait.ge [sflag:s4], $0x0  }
0x19: {  	s7 =	sld [smem:$0x3F88]  }
0x1a: {  	s8 =	sadd.s32 $0xFFFFE003, lr  }
0x1b: {  	s9 =	sadd.s32 $0xFFFFFEF7, lr;
	s5 =	simm.s32 $0xFFFFFFFF;
	p2 =	slt.u32 s8, $0xFFFFF086  }
0x1c: {  	p1 =	slt.u32 s9, $0xF7A;
	s5 =	simm.s32 @!p2 $0x0  }
0x1d: {  	s5 =	simm.s32 @p1 $0x1;
	p0 =	seq.s32 s7, s2  }
0x1e: {  	s7 =	smul.u32 @!p0 $0xF7A, s2;
	p2 =	seq.s32 @!p0 s5, $0x0  }
0x1f: {  	s9 =	smul.u32 $0xF7A, s1;
	s8 =	simm.s32 @!p0 $0x1BF5;
	p2 =	por !p2, p0  }
0x20: {  	[sflag:s8] =	ssyncset.s32 @!p0 $0xFFFFF086;
	s6 =	sadd.s32 @!p0 s3, s7;
	s7 =	simm.s32 @!p0 $0x108  }
0x21: {  	s3 =	sadd.s32 s3, s9;
	s6 =	sadd.s32 @!p0 $0x88, s6;
	s7 =	simm.s32 @p2 $0x1082  }
0x22: {  	[simem:s7], [sflag:s8] =	dma.local @!p0 [hbm:s6], $0xF7A  }
0x23: {  	s9 =	sor.u32 $0xD0000000, s2;
	s6 =	simm.s32 $0x108;
	_ =	swait.ge @!p0 [sflag:s8], $0x0  }
0x24: {  	s3 =	sadd.s32 $0x88, s3;
	s6 =	simm.s32 @!p1 $0x1082;
	[sflag:s4] =	ssyncset.s32 $0xFFFFF086  }
0x25: {  	[simem:s6], [sflag:s4] =	dma.local [hbm:s3], $0xF7A  }
0x26: {  	[smem:$0x3F88] =	sst s1;
	(tag) =	ssettag s2;
	_ =	strace s9  }
0x27: {  	s1 =	sld [smem:$0x3F98]  }
0x28: {  	s2 =	sld [smem:$0x3F99]  }
0x29: {  	s4 =	sld [smem:$0x3F9B]  }
0x2a: {  	p0 =	seq.s32 s5, $0x0;
	s5 =	sld [smem:$0x3F9C]  }
0x2b: {  	s6 =	sld [smem:$0x3F9D]  }
0x2c: {  	s7 =	sld [smem:$0x3F9E]  }
0x2d: {  	s3 =	simm.s32 $0x108;
	s8 =	sld [smem:$0x3F9F]  }
0x2e: {  	s3 =	simm.s32 @!p0 $0x1082;
	s9 =	sld [smem:$0x3FA0]  }
0x2f: {  	lr =	sadd.s32 s0, s3;
	s0 =	sld [smem:$0x3F97]  }
0x30: {  	s3 =	sld [smem:$0x3F9A]  }
0x31: {  	[smem:$0x3FA3] =	sst s10  }
0x32: {  	s10 =	sld [smem:$0x3FA1];
	_ =	sdelay $0x3  }
0x33: {  	p0 =	seq.s32 s10, $0x1;
	s10 =	sld [smem:$0x3FA3];
	_ =	sdelay $0x3  }
0x34: {  	[smem:$0x3FA3] =	sst s10  }
0x35: {  	s10 =	sld [smem:$0x3FA2];
	_ =	sdelay $0x3  }
0x36: {  	p1 =	seq.s32 s10, $0x1;
	s10 =	sld [smem:$0x3FA3];
	_ =	sdelay $0x3  }
0x37: {  	[smem:$0x3FA3] =	sst s10  }
0x38: {  	s10 =	sld [smem:$0x3FA4]  }
0x39: {  	_ = 	snop;
	(pc) =	sbr.ind lr, $3  }
0x3a: {  	_ = 	snop  }
0x3b: {  	_ = 	snop  }
0x3c: {  	p2 =	seq.s32 s10, $0x1;
	s10 =	sld [smem:$0x3FA3]  }
0x3d: {  	_ =	shalt  }
0x3e: {  	_ =	shalt  }
0x3f: {  	_ =	shalt  }
0x40: {  	_ =	shalt  }
0x41: {  	_ =	shalt  }
0x42: {  	_ =	shalt  }
0x43: {  	_ =	shalt  }
0x44: {  	_ =	shalt  }
0x45: {  	_ =	shalt  }
0x46: {  	_ =	shalt  }
0x47: {  	_ =	shalt  }
0x48: {  	_ =	shalt  }
0x49: {  	_ =	shalt  }
0x4a: {  	_ =	shalt  }
0x4b: {  	_ =	shalt  }
0x4c: {  	_ =	shalt  }
0x4d: {  	_ =	shalt  }
0x4e: {  	_ =	shalt  }
0x4f: {  	_ =	shalt  }
0x50: {  	_ =	shalt  }
0x51: {  	_ =	shalt  }
0x52: {  	_ =	shalt  }
0x53: {  	_ =	shalt  }
0x54: {  	_ =	shalt  }
0x55: {  	_ =	shalt  }
0x56: {  	_ =	shalt  }
0x57: {  	_ =	shalt  }
0x58: {  	_ =	shalt  }
0x59: {  	_ =	shalt  }
0x5a: {  	_ =	shalt  }
0x5b: {  	_ =	shalt  }
0x5c: {  	_ =	shalt  }
0x5d: {  	_ =	shalt  }
0x5e: {  	_ =	shalt  }
0x5f: {  	_ =	shalt  }
0x60: {  	_ =	shalt  }
0x61: {  	_ =	shalt  }
0x62: {  	_ =	shalt  }
0x63: {  	_ =	shalt  }
0x64: {  	_ =	shalt  }
0x65: {  	_ =	shalt  }
0x66: {  	_ =	shalt  }
0x67: {  	_ =	shalt  }
0x68: {  	_ =	shalt  }
0x69: {  	_ =	shalt  }
0x6a: {  	_ =	shalt  }
0x6b: {  	_ =	shalt  }
0x6c: {  	_ =	shalt  }
0x6d: {  	_ =	shalt  }
0x6e: {  	_ =	shalt  }
0x6f: {  	_ =	shalt  }
0x70: {  	_ =	shalt  }
0x71: {  	_ =	shalt  }
0x72: {  	_ =	shalt  }
0x73: {  	_ =	shalt  }
0x74: {  	_ =	shalt  }
0x75: {  	_ =	shalt  }
0x76: {  	_ =	shalt  }
0x77: {  	_ =	shalt  }
0x78: {  	_ =	shalt  }
0x79: {  	_ =	shalt  }
0x7a: {  	_ =	shalt  }
0x7b: {  	_ =	shalt  }
0x7c: {  	_ =	shalt  }
0x7d: {  	_ =	shalt  }
0x7e: {  	_ =	shalt  }
0x7f: {  	_ =	shalt  }
0x80: {  	_ =	shalt  }
0x81: {  	_ =	shalt  }
0x82: {  	_ =	shalt  }
0x83: {  	_ =	shalt  }
0x84: {  	_ =	shalt  }
0x85: {  	_ =	shalt  }
0x86: {  	_ =	shalt  }
0x87: {  	_ =	shalt  }
.Lfunc_end0:
.L_simem_size_0:
called_computation.3_lowered:
.L_overlay_start_0:
0x88: {  	s2 =	sld [smem:$0x3FD9]  }
0x89: {  	s3 =	sld [smem:$0x3FFE];
	_ =	sdelay $0x1  }
0x8a: {  	s1 =	srdreg.scid  }
0x8b: {  	s0 =	sand.u32 $0x1, s1  }
0x8c: {  	s16 =	sshll.u32 s0, $0xA;
	s2 =	sadd.s32 s3, s2  }
0x8d: {  	s2 =	sadd.s32 s2, s16  }
0x8e: {  	[smem:$0x3FAF] =	sst s2  }
0x8f: {  	_ = 	snop  }
0x90: {  	(tm) =	ssettm $0x1  }
0x91: {  	s17 =	sld [smem:$0x3FFB];
	_ =	sdelay $0x3  }
0x92: {  	_ =	strace s17  }
0x93: {  	s2 =	sld [smem:$0x3FFC];
	_ =	sdelay $0x3  }
0x94: {  	_ =	strace s2  }
0x95: {  	s2 =	sld [smem:$0x3FFD];
	_ =	sdelay $0x3  }
0x96: {  	_ =	strace s2  }
0x97: {  	_ =	strace $0x8FFFFFFF  }
0x98: {  	s18 =	sld [smem:$0x3FDB];
	_ =	sdelay $0x1  }
0x99: {  	s19 =	simm.s32 $_scs_section_size  }
0x9a: {  	s4 =	simm.s32 $_size__tile_overlayer_lowered;
	s5 =	simm.s32 $_tile_overlayer_lowered  }
0x9b: {  	s22 =	simm.s32 $0x1BFF;
	s21 =	sshll.u32 s5, $0x1;
	s2 =	sadd.s32 s19, s18  }
0x9c: {  	s6 =	simm.s32 $0x0;
	s20 =	sshll.u32 s4, $0x1;
	s4 =	sadd.s32 s21, s2  }
0x9d: {  	[timem:s6], [sflag:s22] =	dma.local [hbm:s4], s20  }
0x9e: {  	_ =	swait.ge [sflag:s22], s20  }
0x9f: {  	s3 =	ssub.s32 $0x0, s20;
	[sflag:s22] =	ssyncset.done $0x0  }
0xa0: {  	[sflag:s22] =	ssyncadd.s32 s3;
	_ =	sdelay $0x1  }
0xa1: {  	s23 =	simm.s32 $0x1B8B  }
0xa2: {  	_ =	swait.ge [sflag:s23], $0x1  }
0xa3: {  	[sflag:s23] =	ssyncset.done $0x0  }
0xa4: {  	s25 =	simm.s32 $0x1B8E;
	s24 =	sld [smem:$0x3FFE];
	[sflag:s23] =	ssyncadd.s32 $0xFFFFFFFF  }
0xa5: {  	s26 =	simm.s32 $execute0_lowered;
	[smem:$0x3FD2] =	sst s25  }
0xa6: {  	s4 =	sshll.u32 s26, $0x1;
	_ =	strace $0x8000004F;
	[dreg:$0x1] =	wrdreg $0xFFFFFFFF  }
0xa7: {  	s28 =	simm.s32 $_size_execute0_lowered;
	s2 =	sadd.s32 s2, s4;
	[dreg:$0x0] =	wrdreg $0x0  }
0xa8: {  	s4 =	sshll.u32 s28, $0x1;
	[dreg:$0x2] =	wrdreg s2  }
0xa9: {  	[dreg:$0x3] =	wrdreg s4  }
0xaa: {  	[dreg:$0x4] =	wrdreg $0xC0  }
0xab: {  	_ =	task [dreg:s6], $0x5FFFF  }
0xac: {  	[dreg:$0x1] =	wrdreg $0xFFFFFFFF  }
0xad: {  	[dreg:$0x0] =	wrdreg $0x60  }
0xae: {  	[dreg:$0x2] =	wrdreg s24  }
0xaf: {  	[dreg:$0x3] =	wrdreg $0x9  }
0xb0: {  	_ =	task.clear_ibuf [dreg:s6], $0x4FFFF;
	_ =	strace $0x9000004F  }
0xb1: {  	s29 =	simm.s32 $0x9;
	_ =	strace $0x80000051  }
0xb2: {  	_ =	swait.ge [sflag:s29], $0x1  }
0xb3: {  	[sflag:s29] =	ssyncadd.s32 $0xFFFFFFFF  }
0xb4: {  	_ =	strace $0x90000051  }
0xb5: {  	_ =	sfence  }
0xb6: {  	s30 =	sld [smem:$0x0];
	_ =	sdelay $0x2  }
0xb7: {  	s31 =	sshll.u32 s1, $0xD;
	s1 =	sshrl.u32 s1, $0x2  }
0xb8: {  	s3 =	sand.u32 $0x4000, s31;
	s1 =	sadd.s32 s1, s30  }
0xb9: {  	s0 =	sor.u32 s3, s0;
	s1 =	sshll.u32 s1, $0x11  }
0xba: {  	s0 =	sor.u32 s1, s0  }
0xbb: {  	s0 =	sadd.s32 $0x8F2B, s0  }
0xbc: {  	[sflag:s0] =	ssyncadd.remote.s32 $0x1  }
0xbd: {  	_ =	sfence.sel $0xFFFF  }
0xbe: {  	[dreg:$0x0] =	wrdreg $0xFFFFFFFF;
	(pc) =	sbr.abs _section_cstart, $3  }
0xbf: {  	[dreg:$0x1] =	wrdreg $0xFFFFFFFF  }
0xc0: {  	_ =	task.clear_ibuf [dreg:s6], $0x2FFFF;
	_ =	strace $0x9FFFFFFF  }
0xc1: {  	(tm) =	ssettm $0x7FFFFFFF  }
tec
execute0_lowered:
.L_overlay_start_1:
0x0: {  	(tag) =	ssettag $0x1  }
0x1: {  	s1 =	srdreg.scid;
	s0 =	stileid.u32  }
0x2: {  	s6 =	sand.u32 $0x1, s1;
	s30 =	sshll.u32 s0, $0x1  }
0x3: {  	s8 =	rddreg [dreg:$0x0];
	s7 =	sor.u32 s6, s30  }
0x4: {  	s2 =	simm.s32 $0x0;
	s1 =	rddreg [dreg:$0x1];
	s3 =	smul.u32 $0x271, s7  }
0x5: {  	[smem:$0x7FF] =	sst s2;
	s5 =	sadd.s32 $0xB3600, s8  }
0x6: {  	_ =	strace $0x80000050;
	s10 =	ssub.s32 $0x2, s6;
	s3 =	sadd.s32 s3, s8  }
0x7: {  	s6 =	simm.s32 $0x1388;
	s4 =	sadd.s32 $0xD200, s3;
	s3 =	simm.s32 $0x2  }
0x8: {  	[tilespmem:s2], [sflag:$0x2] =	stream.linear.gather [hbm4b:s4+s2], $0x1388, $0x38;
	[tilespmem:$0x14C08] =	vst v63  }
0x9: {  	s9 =	smul.u32 $0x2710, s7;
	s11 =	sshrl.u32 s10, $0x1;
	_ =	swait.ge [sflag:s3], $0x1388  }
0xa: {  	s7 =	simm.s32 $0x1;
	s31 =	ssub.s32 s10, s11;
	[sflag:s3] =	ssyncset.done $0x0  }
0xb: {  	s8 =	sadd.s32 s9, s8;
	s9 =	smax.u32 s31, $0x1;
	[sflag:s3] =	ssyncadd.s32 $0xFFFFEC78  }
0xc: {  	[tilespmem:s6], [sflag:$0x1] =	stream.indirect.gather [hbm4b:s5+s6], $0x10, s2, s6, $0xb8;
	[tilespmem:$0x14C08] =	vst v63  }
0xd: {  	p0 =	sne.s32 s9, $0x1;
	_ =	swait.ge [sflag:s7], $0x13880  }
.Ltmp0:
0xe: {  	[sflag:s7] =	ssyncset.done $0x0;
	(pc) =	sbr.rel @!p0 .LBB2_2-.Ltmp0, $4  }
0xf: {  	s8 =	sadd.s32 $0xB8600, s8;
	[sflag:s7] =	ssyncadd.s32 $0xFFFEC780  }
0x10: {  	[hbm4b:s8+s2] =	stream.linear.scatter [tilespmem:s6], [sflag:$0x2], $0x13880, $0x38;
	[tilespmem:$0x14C08] =	vst v63  }
0x11: {  	_ =	swait.ge [sflag:s3], $0x13880  }
0x12: {  	s9 =	sadd.s32 $0xFFFFFFFF, s9;
	[sflag:s3] =	ssyncset.done $0x0  }
.LBB2_1:
0x13: {  	p0 =	sne.s32 s9, $0x1;
	s9 =	sadd.s32 $0xFFFFFFFF, s9;
	[sflag:s3] =	ssyncadd.s32 $0xFFFEC780  }
0x14: {  	[tilespmem:s2], [sflag:$0x2] =	stream.linear.gather [hbm4b:s4+s2], $0x1388, $0x38;
	[tilespmem:$0x14C08] =	vst v63  }
0x15: {  	_ =	swait.ge [sflag:s3], $0x1388  }
0x16: {  	[sflag:s3] =	ssyncset.done $0x0  }
0x17: {  	[sflag:s3] =	ssyncadd.s32 $0xFFFFEC78  }
0x18: {  	[tilespmem:s6], [sflag:$0x1] =	stream.indirect.gather [hbm4b:s5+s6], $0x10, s2, s6, $0xb8;
	[tilespmem:$0x14C08] =	vst v63  }
0x19: {  	_ =	swait.ge [sflag:s7], $0x13880  }
.Ltmp1:
0x1a: {  	[sflag:s7] =	ssyncset.done $0x0;
	(pc) =	sbr.rel @p0 .LBB2_1-.Ltmp1, $4  }
0x1b: {  	[sflag:s7] =	ssyncadd.s32 $0xFFFEC780  }
0x1c: {  	[hbm4b:s8+s2] =	stream.linear.scatter [tilespmem:s6], [sflag:$0x2], $0x13880, $0x38;
	[tilespmem:$0x14C08] =	vst v63  }
0x1d: {  	_ =	swait.ge [sflag:s3], $0x13880  }
0x1e: {  	[sflag:s3] =	ssyncset.done $0x0  }
.LBB2_2:
0x1f: {  	[sflag:s3] =	ssyncadd.s32 $0xFFFEC780  }
0x20: {  	_ =	sfence.sel $0x180000  }
0x21: {  	[bflag:$0x0] =	sbarrier.arrive $0xFFFF  }
0x22: {  	p0 =	sne.s32 s0, $0x0;
	_ =	strace $0x90000050  }
0x23: {  	s0 =	sadd.s32 @!p0 $0x100000, s1;
	[bflag:$0x2] =	sbarrier.arrive $0xFFFF  }
0x24: {  	[sflag:s0] =	ssyncadd.tile.s32 @!p0 $0x1;
	_ =	shalt  }
.Lfunc_end2:
_tile_overlayer_lowered:
.L_overlay_start_2:
0x25: {  	(tag) =	ssettag $0x2  }
0x26: {  	s0 =	rddreg [dreg:$0x0];
	s2 =	stileid.u32  }
0x27: {  	s1 =	rddreg [dreg:$0x1];
	p0 =	sne.s32 s2, $0x0  }
0x28: {  	s3 =	rddreg [dreg:$0x2];
	[bflag:$0x3] =	sbarrier.arrive $0xFFFF;
	s2 =	simm.s32 @!p0 $0x1C02  }
0x29: {  	[timem:s3], [sflag:s2] =	dma.local @!p0 [hbm:s0], s1  }
0x2a: {  	s0 =	simm.s32 @!p0 $0x2  }
0x2b: {  	_ =	swait.ge @!p0 [sflag:s0], s1  }
0x2c: {  	s1 =	ssub.s32 @!p0 $0x0, s1;
	[sflag:s0] =	ssyncset.done @!p0 $0x0  }
0x2d: {  	[sflag:s0] =	ssyncadd.s32 @!p0 s1  }
0x2e: {  	[bflag:$0x3] =	sbarrier.arrive $0xFFFF  }
0x2f: {  	_ =	shalt  }

// kernel: kernel.34.cloned.1.call-start
scs
__scs_entry_jumppad:
0x0: {  	(pc) =	sbr.rel $0x88, $3  }
0x1: {  	(tag) =	ssettag $0x0;
	lr =	simm.s32 $0x1  }
0x2: {  	[smem:$0x3F88] =	sst lr;
	_ =	strace $0xD0000000  }
0x3: {  	_ = 	snop  }
0x4: {  	_ = 	snop  }
0x5: {  	_ = 	snop  }
0x6: {  	_ = 	snop  }
0x7: {  	_ = 	snop  }
__scs_overlays_trampoline_lowered:
0x8: {  	[smem:$0x3F97] =	sst s0  }
0x9: {  	[smem:$0x3F98] =	sst s1  }
0xa: {  	[smem:$0x3F99] =	sst s2  }
0xb: {  	[smem:$0x3F9A] =	sst s3  }
0xc: {  	[smem:$0x3F9B] =	sst s4  }
0xd: {  	[smem:$0x3F9C] =	sst s5  }
0xe: {  	[smem:$0x3F9D] =	sst s6  }
0xf: {  	[smem:$0x3F9E] =	sst s7  }
0x10: {  	[smem:$0x3F9F] =	sst s8  }
0x11: {  	[smem:$0x3FA0] =	sst s9;
	s0 =	simm.s32 @!p0 $0x0  }
0x12: {  	s1 =	sld [smem:$0x3F86];
	s0 =	simm.s32 @p0 $0x1  }
0x13: {  	[smem:$0x3FA1] =	sst s0;
	s0 =	simm.s32 @!p1 $0x0  }
0x14: {  	s2 =	sld [smem:$0x3F85];
	s0 =	simm.s32 @p1 $0x1  }
0x15: {  	[smem:$0x3FA2] =	sst s0;
	s0 =	simm.s32 @!p2 $0x0  }
0x16: {  	s3 =	sld [smem:$0x3FDB];
	s0 =	simm.s32 @p2 $0x1  }
0x17: {  	s4 =	simm.s32 $0x1BF5;
	[smem:$0x3FA4] =	sst s0  }
0x18: {  	s0 =	sld [smem:$0x3F87];
	_ =	swait.ge [sflag:s4], $0x0  }
0x19: {  	s7 =	sld [smem:$0x3F88]  }
0x1a: {  	s8 =	sadd.s32 $0xFFFFE003, lr  }
0x1b: {  	s9 =	sadd.s32 $0xFFFFFEF7, lr;
	s5 =	simm.s32 $0xFFFFFFFF;
	p2 =	slt.u32 s8, $0xFFFFF086  }
0x1c: {  	p1 =	slt.u32 s9, $0xF7A;
	s5 =	simm.s32 @!p2 $0x0  }
0x1d: {  	s5 =	simm.s32 @p1 $0x1;
	p0 =	seq.s32 s7, s2  }
0x1e: {  	s7 =	smul.u32 @!p0 $0xF7A, s2;
	p2 =	seq.s32 @!p0 s5, $0x0  }
0x1f: {  	s9 =	smul.u32 $0xF7A, s1;
	s8 =	simm.s32 @!p0 $0x1BF5;
	p2 =	por !p2, p0  }
0x20: {  	[sflag:s8] =	ssyncset.s32 @!p0 $0xFFFFF086;
	s6 =	sadd.s32 @!p0 s3, s7;
	s7 =	simm.s32 @!p0 $0x108  }
0x21: {  	s3 =	sadd.s32 s3, s9;
	s6 =	sadd.s32 @!p0 $0x88, s6;
	s7 =	simm.s32 @p2 $0x1082  }
0x22: {  	[simem:s7], [sflag:s8] =	dma.local @!p0 [hbm:s6], $0xF7A  }
0x23: {  	s9 =	sor.u32 $0xD0000000, s2;
	s6 =	simm.s32 $0x108;
	_ =	swait.ge @!p0 [sflag:s8], $0x0  }
0x24: {  	s3 =	sadd.s32 $0x88, s3;
	s6 =	simm.s32 @!p1 $0x1082;
	[sflag:s4] =	ssyncset.s32 $0xFFFFF086  }
0x25: {  	[simem:s6], [sflag:s4] =	dma.local [hbm:s3], $0xF7A  }
0x26: {  	[smem:$0x3F88] =	sst s1;
	(tag) =	ssettag s2;
	_ =	strace s9  }
0x27: {  	s1 =	sld [smem:$0x3F98]  }
0x28: {  	s2 =	sld [smem:$0x3F99]  }
0x29: {  	s4 =	sld [smem:$0x3F9B]  }
0x2a: {  	p0 =	seq.s32 s5, $0x0;
	s5 =	sld [smem:$0x3F9C]  }
0x2b: {  	s6 =	sld [smem:$0x3F9D]  }
0x2c: {  	s7 =	sld [smem:$0x3F9E]  }
0x2d: {  	s3 =	simm.s32 $0x108;
	s8 =	sld [smem:$0x3F9F]  }
0x2e: {  	s3 =	simm.s32 @!p0 $0x1082;
	s9 =	sld [smem:$0x3FA0]  }
0x2f: {  	lr =	sadd.s32 s0, s3;
	s0 =	sld [smem:$0x3F97]  }
0x30: {  	s3 =	sld [smem:$0x3F9A]  }
0x31: {  	[smem:$0x3FA3] =	sst s10  }
0x32: {  	s10 =	sld [smem:$0x3FA1];
	_ =	sdelay $0x3  }
0x33: {  	p0 =	seq.s32 s10, $0x1;
	s10 =	sld [smem:$0x3FA3];
	_ =	sdelay $0x3  }
0x34: {  	[smem:$0x3FA3] =	sst s10  }
0x35: {  	s10 =	sld [smem:$0x3FA2];
	_ =	sdelay $0x3  }
0x36: {  	p1 =	seq.s32 s10, $0x1;
	s10 =	sld [smem:$0x3FA3];
	_ =	sdelay $0x3  }
0x37: {  	[smem:$0x3FA3] =	sst s10  }
0x38: {  	s10 =	sld [smem:$0x3FA4]  }
0x39: {  	_ = 	snop;
	(pc) =	sbr.ind lr, $3  }
0x3a: {  	_ = 	snop  }
0x3b: {  	_ = 	snop  }
0x3c: {  	p2 =	seq.s32 s10, $0x1;
	s10 =	sld [smem:$0x3FA3]  }
0x3d: {  	_ =	shalt  }
0x3e: {  	_ =	shalt  }
0x3f: {  	_ =	shalt  }
0x40: {  	_ =	shalt  }
0x41: {  	_ =	shalt  }
0x42: {  	_ =	shalt  }
0x43: {  	_ =	shalt  }
0x44: {  	_ =	shalt  }
0x45: {  	_ =	shalt  }
0x46: {  	_ =	shalt  }
0x47: {  	_ =	shalt  }
0x48: {  	_ =	shalt  }
0x49: {  	_ =	shalt  }
0x4a: {  	_ =	shalt  }
0x4b: {  	_ =	shalt  }
0x4c: {  	_ =	shalt  }
0x4d: {  	_ =	shalt  }
0x4e: {  	_ =	shalt  }
0x4f: {  	_ =	shalt  }
0x50: {  	_ =	shalt  }
0x51: {  	_ =	shalt  }
0x52: {  	_ =	shalt  }
0x53: {  	_ =	shalt  }
0x54: {  	_ =	shalt  }
0x55: {  	_ =	shalt  }
0x56: {  	_ =	shalt  }
0x57: {  	_ =	shalt  }
0x58: {  	_ =	shalt  }
0x59: {  	_ =	shalt  }
0x5a: {  	_ =	shalt  }
0x5b: {  	_ =	shalt  }
0x5c: {  	_ =	shalt  }
0x5d: {  	_ =	shalt  }
0x5e: {  	_ =	shalt  }
0x5f: {  	_ =	shalt  }
0x60: {  	_ =	shalt  }
0x61: {  	_ =	shalt  }
0x62: {  	_ =	shalt  }
0x63: {  	_ =	shalt  }
0x64: {  	_ =	shalt  }
0x65: {  	_ =	shalt  }
0x66: {  	_ =	shalt  }
0x67: {  	_ =	shalt  }
0x68: {  	_ =	shalt  }
0x69: {  	_ =	shalt  }
0x6a: {  	_ =	shalt  }
0x6b: {  	_ =	shalt  }
0x6c: {  	_ =	shalt  }
0x6d: {  	_ =	shalt  }
0x6e: {  	_ =	shalt  }
0x6f: {  	_ =	shalt  }
0x70: {  	_ =	shalt  }
0x71: {  	_ =	shalt  }
0x72: {  	_ =	shalt  }
0x73: {  	_ =	shalt  }
0x74: {  	_ =	shalt  }
0x75: {  	_ =	shalt  }
0x76: {  	_ =	shalt  }
0x77: {  	_ =	shalt  }
0x78: {  	_ =	shalt  }
0x79: {  	_ =	shalt  }
0x7a: {  	_ =	shalt  }
0x7b: {  	_ =	shalt  }
0x7c: {  	_ =	shalt  }
0x7d: {  	_ =	shalt  }
0x7e: {  	_ =	shalt  }
0x7f: {  	_ =	shalt  }
0x80: {  	_ =	shalt  }
0x81: {  	_ =	shalt  }
0x82: {  	_ =	shalt  }
0x83: {  	_ =	shalt  }
0x84: {  	_ =	shalt  }
0x85: {  	_ =	shalt  }
0x86: {  	_ =	shalt  }
0x87: {  	_ =	shalt  }
.Lfunc_end0:
.L_simem_size_0:
called_computation.4_lowered:
.L_overlay_start_0:
0x88: {  	s2 =	sld [smem:$0x3FD9]  }
0x89: {  	s3 =	sld [smem:$0x3FFE];
	_ =	sdelay $0x1  }
0x8a: {  	s1 =	srdreg.scid  }
0x8b: {  	s0 =	sand.u32 $0x1, s1  }
0x8c: {  	s16 =	sshll.u32 s0, $0xA;
	s2 =	sadd.s32 s3, s2  }
0x8d: {  	s2 =	sadd.s32 s2, s16  }
0x8e: {  	[smem:$0x3FAF] =	sst s2  }
0x8f: {  	_ = 	snop  }
0x90: {  	(tm) =	ssettm $0x1  }
0x91: {  	s17 =	sld [smem:$0x3FFB];
	_ =	sdelay $0x3  }
0x92: {  	_ =	strace s17  }
0x93: {  	s2 =	sld [smem:$0x3FFC];
	_ =	sdelay $0x3  }
0x94: {  	_ =	strace s2  }
0x95: {  	s2 =	sld [smem:$0x3FFD];
	_ =	sdelay $0x3  }
0x96: {  	_ =	strace s2  }
0x97: {  	_ =	strace $0x8FFFFFFF  }
0x98: {  	s18 =	sld [smem:$0x3FDB];
	_ =	sdelay $0x1  }
0x99: {  	s19 =	simm.s32 $_scs_section_size  }
0x9a: {  	s4 =	simm.s32 $_size__tile_overlayer_lowered;
	s5 =	simm.s32 $_tile_overlayer_lowered  }
0x9b: {  	s22 =	simm.s32 $0x1BFF;
	s21 =	sshll.u32 s5, $0x1;
	s2 =	sadd.s32 s19, s18  }
0x9c: {  	s6 =	simm.s32 $0x0;
	s20 =	sshll.u32 s4, $0x1;
	s4 =	sadd.s32 s21, s2  }
0x9d: {  	[timem:s6], [sflag:s22] =	dma.local [hbm:s4], s20  }
0x9e: {  	_ =	swait.ge [sflag:s22], s20  }
0x9f: {  	s3 =	ssub.s32 $0x0, s20;
	[sflag:s22] =	ssyncset.done $0x0  }
0xa0: {  	[sflag:s22] =	ssyncadd.s32 s3;
	_ =	sdelay $0x1  }
0xa1: {  	s23 =	simm.s32 $0x1B8B  }
0xa2: {  	_ =	swait.ge [sflag:s23], $0x1  }
0xa3: {  	[sflag:s23] =	ssyncset.done $0x0  }
0xa4: {  	s25 =	simm.s32 $0x1B8E;
	s24 =	sld [smem:$0x3FFE];
	[sflag:s23] =	ssyncadd.s32 $0xFFFFFFFF  }
0xa5: {  	s26 =	simm.s32 $execute0_lowered;
	[smem:$0x3FD2] =	sst s25  }
0xa6: {  	s4 =	sshll.u32 s26, $0x1;
	_ =	strace $0x80000052;
	[dreg:$0x1] =	wrdreg $0xFFFFFFFF  }
0xa7: {  	s28 =	simm.s32 $_size_execute0_lowered;
	s2 =	sadd.s32 s2, s4;
	[dreg:$0x0] =	wrdreg $0x0  }
0xa8: {  	s4 =	sshll.u32 s28, $0x1;
	[dreg:$0x2] =	wrdreg s2  }
0xa9: {  	[dreg:$0x3] =	wrdreg s4  }
0xaa: {  	[dreg:$0x4] =	wrdreg $0xC0  }
0xab: {  	_ =	task [dreg:s6], $0x5FFFF  }
0xac: {  	[dreg:$0x1] =	wrdreg $0xFFFFFFFF  }
0xad: {  	[dreg:$0x0] =	wrdreg $0x60  }
0xae: {  	[dreg:$0x2] =	wrdreg s24  }
0xaf: {  	[dreg:$0x3] =	wrdreg $0x14C080  }
0xb0: {  	[dreg:$0x4] =	wrdreg $0x9  }
0xb1: {  	_ =	task.clear_ibuf [dreg:s6], $0x5FFFF;
	_ =	strace $0x90000052  }
0xb2: {  	s29 =	simm.s32 $0x9;
	_ =	strace $0x80000054  }
0xb3: {  	_ =	swait.ge [sflag:s29], $0x1  }
0xb4: {  	[sflag:s29] =	ssyncadd.s32 $0xFFFFFFFF  }
0xb5: {  	_ =	strace $0x90000054  }
0xb6: {  	_ =	sfence  }
0xb7: {  	s30 =	sld [smem:$0x0];
	_ =	sdelay $0x2  }
0xb8: {  	s31 =	sshll.u32 s1, $0xD;
	s1 =	sshrl.u32 s1, $0x2  }
0xb9: {  	s3 =	sand.u32 $0x4000, s31;
	s1 =	sadd.s32 s1, s30  }
0xba: {  	s0 =	sor.u32 s3, s0;
	s1 =	sshll.u32 s1, $0x11  }
0xbb: {  	s0 =	sor.u32 s1, s0  }
0xbc: {  	s0 =	sadd.s32 $0x8F2B, s0  }
0xbd: {  	[sflag:s0] =	ssyncadd.remote.s32 $0x1  }
0xbe: {  	_ =	sfence.sel $0xFFFF  }
0xbf: {  	[dreg:$0x0] =	wrdreg $0xFFFFFFFF;
	(pc) =	sbr.abs _section_cstart, $3  }
0xc0: {  	[dreg:$0x1] =	wrdreg $0xFFFFFFFF  }
0xc1: {  	_ =	task.clear_ibuf [dreg:s6], $0x2FFFF;
	_ =	strace $0x9FFFFFFF  }
0xc2: {  	(tm) =	ssettm $0x7FFFFFFF  }
0xc3: {  	_ =	shalt  }
tec
execute0_lowered:
.L_overlay_start_1:
0x0: {  	(tag) =	ssettag $0x1  }
0x1: {  	s0 =	srdreg.scid;
	s4 =	rddreg [dreg:$0x0]  }
0x2: {  	s8 =	stileid.u32;
	s1 =	rddreg [dreg:$0x1];
	s2 =	simm.s32 $0x0  }
0x3: {  	p1 =	por $0x0, $0x0;
	s3 =	sand.u32 $0x1, s0;
	s10 =	smul.u32 $0x4E2, s8  }
0x4: {  	s0 =	sshll.u32 s3, $0x4;
	s7 =	smul.u32 $0x4E20, s3;
	s3 =	ssub.s32 $0x2, s3  }
0x5: {  	[smem:$0x7FF] =	sst s2;
	s11 =	smul.u32 $0x9C40, s8;
	s29 =	sshrl.u32 s3, $0x1  }
0x6: {  	p0 =	sne.s32 s8, $0x0;
	s7 =	sadd.s32 s10, s7;
	s10 =	ssub.s32 s3, s29  }
0x7: {  	s5 =	sor.u32 s8, s0;
	s0 =	rddreg [dreg:$0x2];
	s10 =	smax.u32 s10, $0x1  }
0x8: {  	_ =	strace $0x80000053;
	s6 =	smul.u32 $0x2710, s5;
	s14 =	sadd.s32 $0xFFFFFFFF, s10  }
0x9: {  	s30 =	sshrl.u32 s11, $0x2;
	s5 =	smul.u32 $0x271, s5;
	p2 =	sne.s32 s14, $0x0  }
.Ltmp0:
0xa: {  	s11 =	sshrl.u32 @!p0 s1, $0x3;
	s8 =	sshll.u32 s8, $0x6;
	(pc) =	sbr.rel @!p2 .LBB2_3-.Ltmp0, $4  }
0xb: {  	s31 =	sadd.s32 s30, s1;
	s8 =	sor.u32 $0x1C01, s8;
	s9 =	sadd.s32 s6, s4  }
0xc: {  	s5 =	sadd.s32 s5, s4;
	s6 =	sadd.s32 $0x8200, s4;
	s4 =	sadd.s32 s7, s4  }
0xd: {  	s10 =	simm.s32 $0x1388;
	s7 =	sadd.s32 $0x12200, s5;
	s5 =	sadd.s32 $0xB8600, s9  }
0xe: {  	s3 =	sadd.s32 $0x106800, s4;
	s4 =	simm.s32 $0x1;
	s9 =	sshrl.u32 s31, $0x3  }
0xf: {  	s12 =	simm.s32 @!p0 $0x1C01;
	s13 =	simm.s32 @!p0 $0x1  }
0x10: {  	[spmem:s11], [sflag:s12] =	dma.local @!p0 [hbm:s6], $0x4E20  }
0x11: {  	_ =	swait.ge @!p0 [sflag:s13], $0x4E20  }
0x12: {  	[sflag:s13] =	ssyncset.done @!p0 $0x0  }
0x13: {  	[sflag:s13] =	ssyncadd.s32 @!p0 $0xFFFFB1E0  }
0x14: {  	[bflag:$0x0] =	sbarrier.arrive $0xFFFF  }
0x15: {  	[tilespmem:s2], [sflag:$0x1] =	stream.linear.gather [hbm4b:s7+s2], $0x1388, $0x38;
	[tilespmem:$0x17318] =	vst v63  }
0x16: {  	_ =	swait.ge [sflag:s4], $0x1388  }
0x17: {  	[sflag:s4] =	ssyncset.done $0x0  }
0x18: {  	[sflag:s4] =	ssyncadd.s32 $0xFFFFEC78  }
0x19: {  	[tilespmem:s10], [sflag:$0x1] =	stream.linear.gather [hbm4b:s5+s2], $0x13880, $0x38;
	[tilespmem:$0x17318] =	vst v63  }
0x1a: {  	_ =	swait.ge [sflag:s4], $0x13880  }
0x1b: {  	[sflag:s4] =	ssyncset.done $0x0  }
0x1c: {  	[sflag:s4] =	ssyncadd.s32 $0xFFFEC780  }
0x1d: {  	[spmem:s1] =	stream.indirect.scatter.add.f32 [tilespmem:s10], [sflag:$0x1], $0x10, s2, s10, $0xb8;
	[tilespmem:$0x17318] =	vst v63  }
0x1e: {  	s14 =	sadd.s32 $0xFFFFFFFF, s14;
	_ =	swait.ge [sflag:s4], $0x13880  }
0x1f: {  	p2 =	sne.s32 s14, $0x0;
	[sflag:s4] =	ssyncset.done $0x0  }
.Ltmp1:
0x20: {  	[sflag:s4] =	ssyncadd.s32 $0xFFFEC780;
	(pc) =	sbr.rel @!p2 .LBB2_3-.Ltmp1, $4  }
0x21: {  	[bflag:$0x0] =	sbarrier.arrive $0xFFFF  }
0x22: {  	[hbm:s3], [sflag:s8] =	dma.local [spmem:s9], $0x4E2  }
0x23: {  	_ =	swait.ge [sflag:s4], $0x4E2  }
0x24: {  	p1 =	por $0x1, $0x1;
	[sflag:s4] =	ssyncset.done $0x0  }
.LBB2_2:
0x25: {  	[sflag:s4] =	ssyncadd.s32 $0xFFFFFB1E  }
0x26: {  	[spmem:s11], [sflag:s12] =	dma.local @!p0 [hbm:s6], $0x4E20  }
0x27: {  	s14 =	sadd.s32 $0xFFFFFFFF, s14;
	_ =	swait.ge @!p0 [sflag:s13], $0x4E20  }
0x28: {  	p2 =	sne.s32 s14, $0x0;
	[sflag:s13] =	ssyncset.done @!p0 $0x0  }
0x29: {  	[sflag:s13] =	ssyncadd.s32 @!p0 $0xFFFFB1E0  }
0x2a: {  	[bflag:$0x0] =	sbarrier.arrive $0xFFFF  }
0x2b: {  	[tilespmem:s2], [sflag:$0x1] =	stream.linear.gather [hbm4b:s7+s2], $0x1388, $0x38;
	[tilespmem:$0x17318] =	vst v63  }
0x2c: {  	_ =	swait.ge [sflag:s4], $0x1388  }
0x2d: {  	[sflag:s4] =	ssyncset.done $0x0  }
0x2e: {  	[sflag:s4] =	ssyncadd.s32 $0xFFFFEC78  }
0x2f: {  	[tilespmem:s10], [sflag:$0x1] =	stream.linear.gather [hbm4b:s5+s2], $0x13880, $0x38;
	[tilespmem:$0x17318] =	vst v63  }
0x30: {  	_ =	swait.ge [sflag:s4], $0x13880  }
0x31: {  	[sflag:s4] =	ssyncset.done $0x0  }
0x32: {  	[sflag:s4] =	ssyncadd.s32 $0xFFFEC780  }
0x33: {  	[spmem:s1] =	stream.indirect.scatter.add.f32 [tilespmem:s10], [sflag:$0x1], $0x10, s2, s10, $0xb8;
	[tilespmem:$0x17318] =	vst v63  }
0x34: {  	_ =	swait.ge [sflag:s4], $0x13880  }
0x35: {  	[sflag:s4] =	ssyncset.done $0x0  }
.Ltmp2:
0x36: {  	[sflag:s4] =	ssyncadd.s32 $0xFFFEC780;
	(pc) =	sbr.rel @p2 .LBB2_2-.Ltmp2, $4  }
0x37: {  	[bflag:$0x0] =	sbarrier.arrive $0xFFFF  }
0x38: {  	[hbm:s3], [sflag:s8] =	dma.local [spmem:s9], $0x4E2  }
0x39: {  	_ =	swait.ge [sflag:s4], $0x4E2  }
0x3a: {  	[sflag:s4] =	ssyncset.done $0x0  }
.LBB2_3:
0x3b: {  	s12 =	simm.s32 @!p0 $0x1C01;
	s13 =	simm.s32 @!p0 $0x1;
	[sflag:s4] =	ssyncadd.s32 @p1 $0xFFFFFB1E  }
0x3c: {  	[spmem:s11], [sflag:s12] =	dma.local @!p0 [hbm:s6], $0x4E20  }
0x3d: {  	_ =	swait.ge @!p0 [sflag:s13], $0x4E20  }
0x3e: {  	[sflag:s13] =	ssyncset.done @!p0 $0x0  }
0x3f: {  	[sflag:s13] =	ssyncadd.s32 @!p0 $0xFFFFB1E0  }
0x40: {  	[bflag:$0x0] =	sbarrier.arrive $0xFFFF  }
0x41: {  	[tilespmem:s2], [sflag:$0x1] =	stream.linear.gather [hbm4b:s7+s2], $0x1388, $0x38;
	[tilespmem:$0x17318] =	vst v63  }
0x42: {  	_ =	swait.ge [sflag:s4], $0x1388  }
0x43: {  	[sflag:s4] =	ssyncset.done $0x0  }
0x44: {  	[sflag:s4] =	ssyncadd.s32 $0xFFFFEC78  }
0x45: {  	[tilespmem:s10], [sflag:$0x1] =	stream.linear.gather [hbm4b:s5+s2], $0x13880, $0x38;
	[tilespmem:$0x17318] =	vst v63  }
0x46: {  	_ =	swait.ge [sflag:s4], $0x13880  }
0x47: {  	[sflag:s4] =	ssyncset.done $0x0  }
0x48: {  	[sflag:s4] =	ssyncadd.s32 $0xFFFEC780  }
0x49: {  	[spmem:s1] =	stream.indirect.scatter.add.f32 [tilespmem:s10], [sflag:$0x1], $0x10, s2, s10, $0xb8;
	[tilespmem:$0x17318] =	vst v63  }
0x4a: {  	_ =	swait.ge [sflag:s4], $0x13880  }
0x4b: {  	[sflag:s4] =	ssyncset.done $0x0  }
0x4c: {  	[sflag:s4] =	ssyncadd.s32 $0xFFFEC780  }
0x4d: {  	[bflag:$0x0] =	sbarrier.arrive $0xFFFF  }
0x4e: {  	[hbm:s3], [sflag:s8] =	dma.local [spmem:s9], $0x4E2  }
0x4f: {  	_ =	swait.ge [sflag:s4], $0x4E2  }
0x50: {  	[sflag:s4] =	ssyncset.done $0x0  }
0x51: {  	[sflag:s4] =	ssyncadd.s32 $0xFFFFFB1E  }
0x52: {  	_ =	sfence.sel $0x180000  }
0x53: {  	[bflag:$0x0] =	sbarrier.arrive $0xFFFF  }
0x54: {  	_ =	strace $0x90000053  }
0x55: {  	s0 =	sadd.s32 @!p0 $0x100000, s0;
	[bflag:$0x2] =	sbarrier.arrive $0xFFFF  }
0x56: {  	[sflag:s0] =	ssyncadd.tile.s32 @!p0 $0x1;
	_ =	shalt  }
.Lfunc_end2:
_tile_overlayer_lowered:
.L_overlay_start_2:
0x57: {  	(tag) =	ssettag $0x2  }
0x58: {  	s0 =	rddreg [dreg:$0x0];
	s2 =	stileid.u32  }
0x59: {  	s1 =	rddreg [dreg:$0x1];
	p0 =	sne.s32 s2, $0x0  }
0x5a: {  	s3 =	rddreg [dreg:$0x2];
	[bflag:$0x3] =	sbarrier.arrive $0xFFFF;
	s2 =	simm.s32 @!p0 $0x1C01  }
0x5b: {  	[timem:s3], [sflag:s2] =	dma.local @!p0 [hbm:s0], s1  }
0x5c: {  	s0 =	simm.s32 @!p0 $0x1  }
0x5d: {  	_ =	swait.ge @!p0 [sflag:s0], s1  }
0x5e: {  	s1 =	ssub.s32 @!p0 $0x0, s1;
	[sflag:s0] =	ssyncset.done @!p0 $0x0  }
0x5f: {  	[sflag:s0] =	ssyncadd.s32 @!p0 s1  }
0x60: {  	[bflag:$0x3] =	sbarrier.arrive $0xFFFF  }
0x61: {  	_ =	shalt  }

// kernel: kernel.37.cloned.1.call-start
scs
__scs_entry_jumppad:
0x0: {  	(pc) =	sbr.rel $0x88, $3  }
0x1: {  	(tag) =	ssettag $0x0;
	lr =	simm.s32 $0x1  }
0x2: {  	[smem:$0x3F88] =	sst lr;
	_ =	strace $0xD0000000  }
0x3: {  	_ = 	snop  }
0x4: {  	_ = 	snop  }
0x5: {  	_ = 	snop  }
0x6: {  	_ = 	snop  }
0x7: {  	_ = 	snop  }
__scs_overlays_trampoline_lowered:
0x8: {  	[smem:$0x3F97] =	sst s0  }
0x9: {  	[smem:$0x3F98] =	sst s1  }
0xa: {  	[smem:$0x3F99] =	sst s2  }
0xb: {  	[smem:$0x3F9A] =	sst s3  }
0xc: {  	[smem:$0x3F9B] =	sst s4  }
0xd: {  	[smem:$0x3F9C] =	sst s5  }
0xe: {  	[smem:$0x3F9D] =	sst s6  }
0xf: {  	[smem:$0x3F9E] =	sst s7  }
0x10: {  	[smem:$0x3F9F] =	sst s8  }
0x11: {  	[smem:$0x3FA0] =	sst s9;
	s0 =	simm.s32 @!p0 $0x0  }
0x12: {  	s1 =	sld [smem:$0x3F86];
	s0 =	simm.s32 @p0 $0x1  }
0x13: {  	[smem:$0x3FA1] =	sst s0;
	s0 =	simm.s32 @!p1 $0x0  }
0x14: {  	s2 =	sld [smem:$0x3F85];
	s0 =	simm.s32 @p1 $0x1  }
0x15: {  	[smem:$0x3FA2] =	sst s0;
	s0 =	simm.s32 @!p2 $0x0  }
0x16: {  	s3 =	sld [smem:$0x3FDB];
	s0 =	simm.s32 @p2 $0x1  }
0x17: {  	s4 =	simm.s32 $0x1BF5;
	[smem:$0x3FA4] =	sst s0  }
0x18: {  	s0 =	sld [smem:$0x3F87];
	_ =	swait.ge [sflag:s4], $0x0  }
0x19: {  	s7 =	sld [smem:$0x3F88]  }
0x1a: {  	s8 =	sadd.s32 $0xFFFFE003, lr  }
0x1b: {  	s9 =	sadd.s32 $0xFFFFFEF7, lr;
	s5 =	simm.s32 $0xFFFFFFFF;
	p2 =	slt.u32 s8, $0xFFFFF086  }
0x1c: {  	p1 =	slt.u32 s9, $0xF7A;
	s5 =	simm.s32 @!p2 $0x0  }
0x1d: {  	s5 =	simm.s32 @p1 $0x1;
	p0 =	seq.s32 s7, s2  }
0x1e: {  	s7 =	smul.u32 @!p0 $0xF7A, s2;
	p2 =	seq.s32 @!p0 s5, $0x0  }
0x1f: {  	s9 =	smul.u32 $0xF7A, s1;
	s8 =	simm.s32 @!p0 $0x1BF5;
	p2 =	por !p2, p0  }
0x20: {  	[sflag:s8] =	ssyncset.s32 @!p0 $0xFFFFF086;
	s6 =	sadd.s32 @!p0 s3, s7;
	s7 =	simm.s32 @!p0 $0x108  }
0x21: {  	s3 =	sadd.s32 s3, s9;
	s6 =	sadd.s32 @!p0 $0x88, s6;
	s7 =	simm.s32 @p2 $0x1082  }
0x22: {  	[simem:s7], [sflag:s8] =	dma.local @!p0 [hbm:s6], $0xF7A  }
0x23: {  	s9 =	sor.u32 $0xD0000000, s2;
	s6 =	simm.s32 $0x108;
	_ =	swait.ge @!p0 [sflag:s8], $0x0  }
0x24: {  	s3 =	sadd.s32 $0x88, s3;
	s6 =	simm.s32 @!p1 $0x1082;
	[sflag:s4] =	ssyncset.s32 $0xFFFFF086  }
0x25: {  	[simem:s6], [sflag:s4] =	dma.local [hbm:s3], $0xF7A  }
0x26: {  	[smem:$0x3F88] =	sst s1;
	(tag) =	ssettag s2;
	_ =	strace s9  }
0x27: {  	s1 =	sld [smem:$0x3F98]  }
0x28: {  	s2 =	sld [smem:$0x3F99]  }
0x29: {  	s4 =	sld [smem:$0x3F9B]  }
0x2a: {  	p0 =	seq.s32 s5, $0x0;
	s5 =	sld [smem:$0x3F9C]  }
0x2b: {  	s6 =	sld [smem:$0x3F9D]  }
0x2c: {  	s7 =	sld [smem:$0x3F9E]  }
0x2d: {  	s3 =	simm.s32 $0x108;
	s8 =	sld [smem:$0x3F9F]  }
0x2e: {  	s3 =	simm.s32 @!p0 $0x1082;
	s9 =	sld [smem:$0x3FA0]  }
0x2f: {  	lr =	sadd.s32 s0, s3;
	s0 =	sld [smem:$0x3F97]  }
0x30: {  	s3 =	sld [smem:$0x3F9A]  }
0x31: {  	[smem:$0x3FA3] =	sst s10  }
0x32: {  	s10 =	sld [smem:$0x3FA1];
	_ =	sdelay $0x3  }
0x33: {  	p0 =	seq.s32 s10, $0x1;
	s10 =	sld [smem:$0x3FA3];
	_ =	sdelay $0x3  }
0x34: {  	[smem:$0x3FA3] =	sst s10  }
0x35: {  	s10 =	sld [smem:$0x3FA2];
	_ =	sdelay $0x3  }
0x36: {  	p1 =	seq.s32 s10, $0x1;
	s10 =	sld [smem:$0x3FA3];
	_ =	sdelay $0x3  }
0x37: {  	[smem:$0x3FA3] =	sst s10  }
0x38: {  	s10 =	sld [smem:$0x3FA4]  }
0x39: {  	_ = 	snop;
	(pc) =	sbr.ind lr, $3  }
0x3a: {  	_ = 	snop  }
0x3b: {  	_ = 	snop  }
0x3c: {  	p2 =	seq.s32 s10, $0x1;
	s10 =	sld [smem:$0x3FA3]  }
0x3d: {  	_ =	shalt  }
0x3e: {  	_ =	shalt  }
0x3f: {  	_ =	shalt  }
0x40: {  	_ =	shalt  }
0x41: {  	_ =	shalt  }
0x42: {  	_ =	shalt  }
0x43: {  	_ =	shalt  }
0x44: {  	_ =	shalt  }
0x45: {  	_ =	shalt  }
0x46: {  	_ =	shalt  }
0x47: {  	_ =	shalt  }
0x48: {  	_ =	shalt  }
0x49: {  	_ =	shalt  }
0x4a: {  	_ =	shalt  }
0x4b: {  	_ =	shalt  }
0x4c: {  	_ =	shalt  }
0x4d: {  	_ =	shalt  }
0x4e: {  	_ =	shalt  }
0x4f: {  	_ =	shalt  }
0x50: {  	_ =	shalt  }
0x51: {  	_ =	shalt  }
0x52: {  	_ =	shalt  }
0x53: {  	_ =	shalt  }
0x54: {  	_ =	shalt  }
0x55: {  	_ =	shalt  }
0x56: {  	_ =	shalt  }
0x57: {  	_ =	shalt  }
0x58: {  	_ =	shalt  }
0x59: {  	_ =	shalt  }
0x5a: {  	_ =	shalt  }
0x5b: {  	_ =	shalt  }
0x5c: {  	_ =	shalt  }
0x5d: {  	_ =	shalt  }
0x5e: {  	_ =	shalt  }
0x5f: {  	_ =	shalt  }
0x60: {  	_ =	shalt  }
0x61: {  	_ =	shalt  }
0x62: {  	_ =	shalt  }
0x63: {  	_ =	shalt  }
0x64: {  	_ =	shalt  }
0x65: {  	_ =	shalt  }
0x66: {  	_ =	shalt  }
0x67: {  	_ =	shalt  }
0x68: {  	_ =	shalt  }
0x69: {  	_ =	shalt  }
0x6a: {  	_ =	shalt  }
0x6b: {  	_ =	shalt  }
0x6c: {  	_ =	shalt  }
0x6d: {  	_ =	shalt  }
0x6e: {  	_ =	shalt  }
0x6f: {  	_ =	shalt  }
0x70: {  	_ =	shalt  }
0x71: {  	_ =	shalt  }
0x72: {  	_ =	shalt  }
0x73: {  	_ =	shalt  }
0x74: {  	_ =	shalt  }
0x75: {  	_ =	shalt  }
0x76: {  	_ =	shalt  }
0x77: {  	_ =	shalt  }
0x78: {  	_ =	shalt  }
0x79: {  	_ =	shalt  }
0x7a: {  	_ =	shalt  }
0x7b: {  	_ =	shalt  }
0x7c: {  	_ =	shalt  }
0x7d: {  	_ =	shalt  }
0x7e: {  	_ =	shalt  }
0x7f: {  	_ =	shalt  }
0x80: {  	_ =	shalt  }
0x81: {  	_ =	shalt  }
0x82: {  	_ =	shalt  }
0x83: {  	_ =	shalt  }
0x84: {  	_ =	shalt  }
0x85: {  	_ =	shalt  }
0x86: {  	_ =	shalt  }
0x87: {  	_ =	shalt  }
.Lfunc_end0:
.L_simem_size_0:
called_computation.5_lowered:
.L_overlay_start_0:
0x88: {  	s2 =	sld [smem:$0x3FD9]  }
0x89: {  	s3 =	sld [smem:$0x3FFE];
	_ =	sdelay $0x1  }
0x8a: {  	s1 =	srdreg.scid  }
0x8b: {  	s0 =	sand.u32 $0x1, s1  }
0x8c: {  	s16 =	sshll.u32 s0, $0xA;
	s2 =	sadd.s32 s3, s2  }
0x8d: {  	s2 =	sadd.s32 s2, s16  }
0x8e: {  	[smem:$0x3FAF] =	sst s2  }
0x8f: {  	_ = 	snop  }
0x90: {  	(tm) =	ssettm $0x1  }
0x91: {  	s17 =	sld [smem:$0x3FFB];
	_ =	sdelay $0x3  }
0x92: {  	_ =	strace s17  }
0x93: {  	s2 =	sld [smem:$0x3FFC];
	_ =	sdelay $0x3  }
0x94: {  	_ =	strace s2  }
0x95: {  	s2 =	sld [smem:$0x3FFD];
	_ =	sdelay $0x3  }
0x96: {  	_ =	strace s2  }
0x97: {  	_ =	strace $0x8FFFFFFF  }
0x98: {  	s18 =	sld [smem:$0x3FDB];
	_ =	sdelay $0x1  }
0x99: {  	s19 =	simm.s32 $_scs_section_size  }
0x9a: {  	s4 =	simm.s32 $_size__tile_overlayer_lowered;
	s5 =	simm.s32 $_tile_overlayer_lowered  }
0x9b: {  	s22 =	simm.s32 $0x1BFF;
	s21 =	sshll.u32 s5, $0x1;
	s2 =	sadd.s32 s19, s18  }
0x9c: {  	s6 =	simm.s32 $0x0;
	s20 =	sshll.u32 s4, $0x1;
	s4 =	sadd.s32 s21, s2  }
0x9d: {  	[timem:s6], [sflag:s22] =	dma.local [hbm:s4], s20  }
0x9e: {  	_ =	swait.ge [sflag:s22], s20  }
0x9f: {  	s3 =	ssub.s32 $0x0, s20;
	[sflag:s22] =	ssyncset.done $0x0  }
0xa0: {  	[sflag:s22] =	ssyncadd.s32 s3;
	_ =	sdelay $0x1  }
0xa1: {  	s23 =	simm.s32 $0x1B8B  }
0xa2: {  	_ =	swait.ge [sflag:s23], $0x1  }
0xa3: {  	[sflag:s23] =	ssyncset.done $0x0  }
0xa4: {  	s25 =	simm.s32 $0x1B8E;
	s24 =	sld [smem:$0x3FFE];
	[sflag:s23] =	ssyncadd.s32 $0xFFFFFFFF  }
0xa5: {  	s26 =	simm.s32 $execute0_lowered;
	[smem:$0x3FD2] =	sst s25  }
0xa6: {  	s4 =	sshll.u32 s26, $0x1;
	_ =	strace $0x80000055;
	[dreg:$0x1] =	wrdreg $0xFFFFFFFF  }
0xa7: {  	s28 =	simm.s32 $_size_execute0_lowered;
	s2 =	sadd.s32 s2, s4;
	[dreg:$0x0] =	wrdreg $0x0  }
0xa8: {  	s4 =	sshll.u32 s28, $0x1;
	[dreg:$0x2] =	wrdreg s2  }
0xa9: {  	[dreg:$0x3] =	wrdreg s4  }
0xaa: {  	[dreg:$0x4] =	wrdreg $0xC0  }
0xab: {  	_ =	task [dreg:s6], $0x5FFFF  }
0xac: {  	[dreg:$0x1] =	wrdreg $0xFFFFFFFF  }
0xad: {  	[dreg:$0x0] =	wrdreg $0x60  }
0xae: {  	[dreg:$0x2] =	wrdreg s24  }
0xaf: {  	[dreg:$0x3] =	wrdreg $0x9  }
0xb0: {  	_ =	task.clear_ibuf [dreg:s6], $0x4FFFF;
	_ =	strace $0x90000055  }
0xb1: {  	s29 =	simm.s32 $0x9;
	_ =	strace $0x80000057  }
0xb2: {  	_ =	swait.ge [sflag:s29], $0x1  }
0xb3: {  	[sflag:s29] =	ssyncadd.s32 $0xFFFFFFFF  }
0xb4: {  	_ =	strace $0x90000057  }
0xb5: {  	_ =	sfence  }
0xb6: {  	s30 =	sld [smem:$0x0];
	_ =	sdelay $0x2  }
0xb7: {  	s31 =	sshll.u32 s1, $0xD;
	s1 =	sshrl.u32 s1, $0x2  }
0xb8: {  	s3 =	sand.u32 $0x4000, s31;
	s1 =	sadd.s32 s1, s30  }
0xb9: {  	s0 =	sor.u32 s3, s0;
	s1 =	sshll.u32 s1, $0x11  }
0xba: {  	s0 =	sor.u32 s1, s0  }
0xbb: {  	s0 =	sadd.s32 $0x8F2B, s0  }
0xbc: {  	[sflag:s0] =	ssyncadd.remote.s32 $0x1  }
0xbd: {  	_ =	sfence.sel $0xFFFF  }
0xbe: {  	[dreg:$0x0] =	wrdreg $0xFFFFFFFF;
	(pc) =	sbr.abs _section_cstart, $3  }
0xbf: {  	[dreg:$0x1] =	wrdreg $0xFFFFFFFF  }
0xc0: {  	_ =	task.clear_ibuf [dreg:s6], $0x2FFFF;
	_ =	strace $0x9FFFFFFF  }
0xc1: {  	(tm) =	ssettm $0x7FFFFFFF  }
tec
execute0_lowered:
.L_overlay_start_1:
0x0: {  	(tag) =	ssettag $0x1  }
0x1: {  	s1 =	srdreg.scid;
	s0 =	stileid.u32  }
0x2: {  	s6 =	sand.u32 $0x1, s1;
	s30 =	sshll.u32 s0, $0x1  }
0x3: {  	s8 =	rddreg [dreg:$0x0];
	s7 =	sor.u32 s6, s30  }
0x4: {  	s2 =	simm.s32 $0x0;
	s1 =	rddreg [dreg:$0x1];
	s3 =	smul.u32 $0x271, s7  }
0x5: {  	[smem:$0x7FF] =	sst s2;
	s5 =	sadd.s32 $0xB3600, s8  }
0x6: {  	_ =	strace $0x80000056;
	s10 =	ssub.s32 $0x2, s6;
	s3 =	sadd.s32 s3, s8  }
0x7: {  	s6 =	simm.s32 $0x1388;
	s4 =	sadd.s32 $0xD200, s3;
	s3 =	simm.s32 $0x2  }
0x8: {  	[tilespmem:s2], [sflag:$0x2] =	stream.linear.gather [hbm4b:s4+s2], $0x1388, $0x38;
	[tilespmem:$0x14C08] =	vst v63  }
0x9: {  	s9 =	smul.u32 $0x2710, s7;
	s11 =	sshrl.u32 s10, $0x1;
	_ =	swait.ge [sflag:s3], $0x1388  }
0xa: {  	s7 =	simm.s32 $0x1;
	s31 =	ssub.s32 s10, s11;
	[sflag:s3] =	ssyncset.done $0x0  }
0xb: {  	s8 =	sadd.s32 s9, s8;
	s9 =	smax.u32 s31, $0x1;
	[sflag:s3] =	ssyncadd.s32 $0xFFFFEC78  }
0xc: {  	[tilespmem:s6], [sflag:$0x1] =	stream.indirect.gather [hbm4b:s5+s6], $0x10, s2, s6, $0xb8;
	[tilespmem:$0x14C08] =	vst v63  }
0xd: {  	p0 =	sne.s32 s9, $0x1;
	_ =	swait.ge [sflag:s7], $0x13880  }
.Ltmp0:
0xe: {  	[sflag:s7] =	ssyncset.done $0x0;
	(pc) =	sbr.rel @!p0 .LBB2_2-.Ltmp0, $4  }
0xf: {  	s8 =	sadd.s32 $0xB8600, s8;
	[sflag:s7] =	ssyncadd.s32 $0xFFFEC780  }
0x10: {  	[hbm4b:s8+s2] =	stream.linear.scatter [tilespmem:s6], [sflag:$0x2], $0x13880, $0x38;
	[tilespmem:$0x14C08] =	vst v63  }
0x11: {  	_ =	swait.ge [sflag:s3], $0x13880  }
0x12: {  	s9 =	sadd.s32 $0xFFFFFFFF, s9;
	[sflag:s3] =	ssyncset.done $0x0  }
.LBB2_1:
0x13: {  	p0 =	sne.s32 s9, $0x1;
	s9 =	sadd.s32 $0xFFFFFFFF, s9;
	[sflag:s3] =	ssyncadd.s32 $0xFFFEC780  }
0x14: {  	[tilespmem:s2], [sflag:$0x2] =	stream.linear.gather [hbm4b:s4+s2], $0x1388, $0x38;
	[tilespmem:$0x14C08] =	vst v63  }
0x15: {  	_ =	swait.ge [sflag:s3], $0x1388  }
0x16: {  	[sflag:s3] =	ssyncset.done $0x0  }
0x17: {  	[sflag:s3] =	ssyncadd.s32 $0xFFFFEC78  }
0x18: {  	[tilespmem:s6], [sflag:$0x1] =	stream.indirect.gather [hbm4b:s5+s6], $0x10, s2, s6, $0xb8;
	[tilespmem:$0x14C08] =	vst v63  }
0x19: {  	_ =	swait.ge [sflag:s7], $0x13880  }
.Ltmp1:
0x1a: {  	[sflag:s7] =	ssyncset.done $0x0;
	(pc) =	sbr.rel @p0 .LBB2_1-.Ltmp1, $4  }
0x1b: {  	[sflag:s7] =	ssyncadd.s32 $0xFFFEC780  }
0x1c: {  	[hbm4b:s8+s2] =	stream.linear.scatter [tilespmem:s6], [sflag:$0x2], $0x13880, $0x38;
	[tilespmem:$0x14C08] =	vst v63  }
0x1d: {  	_ =	swait.ge [sflag:s3], $0x13880  }
0x1e: {  	[sflag:s3] =	ssyncset.done $0x0  }
.LBB2_2:
0x1f: {  	[sflag:s3] =	ssyncadd.s32 $0xFFFEC780  }
0x20: {  	_ =	sfence.sel $0x180000  }
0x21: {  	[bflag:$0x0] =	sbarrier.arrive $0xFFFF  }
0x22: {  	p0 =	sne.s32 s0, $0x0;
	_ =	strace $0x90000056  }
0x23: {  	s0 =	sadd.s32 @!p0 $0x100000, s1;
	[bflag:$0x2] =	sbarrier.arrive $0xFFFF  }
0x24: {  	[sflag:s0] =	ssyncadd.tile.s32 @!p0 $0x1;
	_ =	shalt  }
.Lfunc_end2:
_tile_overlayer_lowered:
.L_overlay_start_2:
0x25: {  	(tag) =	ssettag $0x2  }
0x26: {  	s0 =	rddreg [dreg:$0x0];
	s2 =	stileid.u32  }
0x27: {  	s1 =	rddreg [dreg:$0x1];
	p0 =	sne.s32 s2, $0x0  }
0x28: {  	s3 =	rddreg [dreg:$0x2];
	[bflag:$0x3] =	sbarrier.arrive $0xFFFF;
	s2 =	simm.s32 @!p0 $0x1C02  }
0x29: {  	[timem:s3], [sflag:s2] =	dma.local @!p0 [hbm:s0], s1  }
0x2a: {  	s0 =	simm.s32 @!p0 $0x2  }
0x2b: {  	_ =	swait.ge @!p0 [sflag:s0], s1  }
0x2c: {  	s1 =	ssub.s32 @!p0 $0x0, s1;
	[sflag:s0] =	ssyncset.done @!p0 $0x0  }
0x2d: {  	[sflag:s0] =	ssyncadd.s32 @!p0 s1  }
0x2e: {  	[bflag:$0x3] =	sbarrier.arrive $0xFFFF  }
0x2f: {  	_ =	shalt  }

// kernel: kernel.40.cloned.1.call-start
scs
__scs_entry_jumppad:
0x0: {  	(pc) =	sbr.rel $0x88, $3  }
0x1: {  	(tag) =	ssettag $0x0;
	lr =	simm.s32 $0x1  }
0x2: {  	[smem:$0x3F88] =	sst lr;
	_ =	strace $0xD0000000  }
0x3: {  	_ = 	snop  }
0x4: {  	_ = 	snop  }
0x5: {  	_ = 	snop  }
0x6: {  	_ = 	snop  }
0x7: {  	_ = 	snop  }
__scs_overlays_trampoline_lowered:
0x8: {  	[smem:$0x3F97] =	sst s0  }
0x9: {  	[smem:$0x3F98] =	sst s1  }
0xa: {  	[smem:$0x3F99] =	sst s2  }
0xb: {  	[smem:$0x3F9A] =	sst s3  }
0xc: {  	[smem:$0x3F9B] =	sst s4  }
0xd: {  	[smem:$0x3F9C] =	sst s5  }
0xe: {  	[smem:$0x3F9D] =	sst s6  }
0xf: {  	[smem:$0x3F9E] =	sst s7  }
0x10: {  	[smem:$0x3F9F] =	sst s8  }
0x11: {  	[smem:$0x3FA0] =	sst s9;
	s0 =	simm.s32 @!p0 $0x0  }
0x12: {  	s1 =	sld [smem:$0x3F86];
	s0 =	simm.s32 @p0 $0x1  }
0x13: {  	[smem:$0x3FA1] =	sst s0;
	s0 =	simm.s32 @!p1 $0x0  }
0x14: {  	s2 =	sld [smem:$0x3F85];
	s0 =	simm.s32 @p1 $0x1  }
0x15: {  	[smem:$0x3FA2] =	sst s0;
	s0 =	simm.s32 @!p2 $0x0  }
0x16: {  	s3 =	sld [smem:$0x3FDB];
	s0 =	simm.s32 @p2 $0x1  }
0x17: {  	s4 =	simm.s32 $0x1BF5;
	[smem:$0x3FA4] =	sst s0  }
0x18: {  	s0 =	sld [smem:$0x3F87];
	_ =	swait.ge [sflag:s4], $0x0  }
0x19: {  	s7 =	sld [smem:$0x3F88]  }
0x1a: {  	s8 =	sadd.s32 $0xFFFFE003, lr  }
0x1b: {  	s9 =	sadd.s32 $0xFFFFFEF7, lr;
	s5 =	simm.s32 $0xFFFFFFFF;
	p2 =	slt.u32 s8, $0xFFFFF086  }
0x1c: {  	p1 =	slt.u32 s9, $0xF7A;
	s5 =	simm.s32 @!p2 $0x0  }
0x1d: {  	s5 =	simm.s32 @p1 $0x1;
	p0 =	seq.s32 s7, s2  }
0x1e: {  	s7 =	smul.u32 @!p0 $0xF7A, s2;
	p2 =	seq.s32 @!p0 s5, $0x0  }
0x1f: {  	s9 =	smul.u32 $0xF7A, s1;
	s8 =	simm.s32 @!p0 $0x1BF5;
	p2 =	por !p2, p0  }
0x20: {  	[sflag:s8] =	ssyncset.s32 @!p0 $0xFFFFF086;
	s6 =	sadd.s32 @!p0 s3, s7;
	s7 =	simm.s32 @!p0 $0x108  }
0x21: {  	s3 =	sadd.s32 s3, s9;
	s6 =	sadd.s32 @!p0 $0x88, s6;
	s7 =	simm.s32 @p2 $0x1082  }
0x22: {  	[simem:s7], [sflag:s8] =	dma.local @!p0 [hbm:s6], $0xF7A  }
0x23: {  	s9 =	sor.u32 $0xD0000000, s2;
	s6 =	simm.s32 $0x108;
	_ =	swait.ge @!p0 [sflag:s8], $0x0  }
0x24: {  	s3 =	sadd.s32 $0x88, s3;
	s6 =	simm.s32 @!p1 $0x1082;
	[sflag:s4] =	ssyncset.s32 $0xFFFFF086  }
0x25: {  	[simem:s6], [sflag:s4] =	dma.local [hbm:s3], $0xF7A  }
0x26: {  	[smem:$0x3F88] =	sst s1;
	(tag) =	ssettag s2;
	_ =	strace s9  }
0x27: {  	s1 =	sld [smem:$0x3F98]  }
0x28: {  	s2 =	sld [smem:$0x3F99]  }
0x29: {  	s4 =	sld [smem:$0x3F9B]  }
0x2a: {  	p0 =	seq.s32 s5, $0x0;
	s5 =	sld [smem:$0x3F9C]  }
0x2b: {  	s6 =	sld [smem:$0x3F9D]  }
0x2c: {  	s7 =	sld [smem:$0x3F9E]  }
0x2d: {  	s3 =	simm.s32 $0x108;
	s8 =	sld [smem:$0x3F9F]  }
0x2e: {  	s3 =	simm.s32 @!p0 $0x1082;
	s9 =	sld [smem:$0x3FA0]  }
0x2f: {  	lr =	sadd.s32 s0, s3;
	s0 =	sld [smem:$0x3F97]  }
0x30: {  	s3 =	sld [smem:$0x3F9A]  }
0x31: {  	[smem:$0x3FA3] =	sst s10  }
0x32: {  	s10 =	sld [smem:$0x3FA1];
	_ =	sdelay $0x3  }
0x33: {  	p0 =	seq.s32 s10, $0x1;
	s10 =	sld [smem:$0x3FA3];
	_ =	sdelay $0x3  }
0x34: {  	[smem:$0x3FA3] =	sst s10  }
0x35: {  	s10 =	sld [smem:$0x3FA2];
	_ =	sdelay $0x3  }
0x36: {  	p1 =	seq.s32 s10, $0x1;
	s10 =	sld [smem:$0x3FA3];
	_ =	sdelay $0x3  }
0x37: {  	[smem:$0x3FA3] =	sst s10  }
0x38: {  	s10 =	sld [smem:$0x3FA4]  }
0x39: {  	_ = 	snop;
	(pc) =	sbr.ind lr, $3  }
0x3a: {  	_ = 	snop  }
0x3b: {  	_ = 	snop  }
0x3c: {  	p2 =	seq.s32 s10, $0x1;
	s10 =	sld [smem:$0x3FA3]  }
0x3d: {  	_ =	shalt  }
0x3e: {  	_ =	shalt  }
0x3f: {  	_ =	shalt  }
0x40: {  	_ =	shalt  }
0x41: {  	_ =	shalt  }
0x42: {  	_ =	shalt  }
0x43: {  	_ =	shalt  }
0x44: {  	_ =	shalt  }
0x45: {  	_ =	shalt  }
0x46: {  	_ =	shalt  }
0x47: {  	_ =	shalt  }
0x48: {  	_ =	shalt  }
0x49: {  	_ =	shalt  }
0x4a: {  	_ =	shalt  }
0x4b: {  	_ =	shalt  }
0x4c: {  	_ =	shalt  }
0x4d: {  	_ =	shalt  }
0x4e: {  	_ =	shalt  }
0x4f: {  	_ =	shalt  }
0x50: {  	_ =	shalt  }
0x51: {  	_ =	shalt  }
0x52: {  	_ =	shalt  }
0x53: {  	_ =	shalt  }
0x54: {  	_ =	shalt  }
0x55: {  	_ =	shalt  }
0x56: {  	_ =	shalt  }
0x57: {  	_ =	shalt  }
0x58: {  	_ =	shalt  }
0x59: {  	_ =	shalt  }
0x5a: {  	_ =	shalt  }
0x5b: {  	_ =	shalt  }
0x5c: {  	_ =	shalt  }
0x5d: {  	_ =	shalt  }
0x5e: {  	_ =	shalt  }
0x5f: {  	_ =	shalt  }
0x60: {  	_ =	shalt  }
0x61: {  	_ =	shalt  }
0x62: {  	_ =	shalt  }
0x63: {  	_ =	shalt  }
0x64: {  	_ =	shalt  }
0x65: {  	_ =	shalt  }
0x66: {  	_ =	shalt  }
0x67: {  	_ =	shalt  }
0x68: {  	_ =	shalt  }
0x69: {  	_ =	shalt  }
0x6a: {  	_ =	shalt  }
0x6b: {  	_ =	shalt  }
0x6c: {  	_ =	shalt  }
0x6d: {  	_ =	shalt  }
0x6e: {  	_ =	shalt  }
0x6f: {  	_ =	shalt  }
0x70: {  	_ =	shalt  }
0x71: {  	_ =	shalt  }
0x72: {  	_ =	shalt  }
0x73: {  	_ =	shalt  }
0x74: {  	_ =	shalt  }
0x75: {  	_ =	shalt  }
0x76: {  	_ =	shalt  }
0x77: {  	_ =	shalt  }
0x78: {  	_ =	shalt  }
0x79: {  	_ =	shalt  }
0x7a: {  	_ =	shalt  }
0x7b: {  	_ =	shalt  }
0x7c: {  	_ =	shalt  }
0x7d: {  	_ =	shalt  }
0x7e: {  	_ =	shalt  }
0x7f: {  	_ =	shalt  }
0x80: {  	_ =	shalt  }
0x81: {  	_ =	shalt  }
0x82: {  	_ =	shalt  }
0x83: {  	_ =	shalt  }
0x84: {  	_ =	shalt  }
0x85: {  	_ =	shalt  }
0x86: {  	_ =	shalt  }
0x87: {  	_ =	shalt  }
.Lfunc_end0:
.L_simem_size_0:
called_computation.6_lowered:
.L_overlay_start_0:
0x88: {  	s2 =	sld [smem:$0x3FD9]  }
0x89: {  	s3 =	sld [smem:$0x3FFE];
	_ =	sdelay $0x1  }
0x8a: {  	s1 =	srdreg.scid  }
0x8b: {  	s0 =	sand.u32 $0x1, s1  }
0x8c: {  	s16 =	sshll.u32 s0, $0xA;
	s2 =	sadd.s32 s3, s2  }
0x8d: {  	s2 =	sadd.s32 s2, s16  }
0x8e: {  	[smem:$0x3FAF] =	sst s2  }
0x8f: {  	_ = 	snop  }
0x90: {  	(tm) =	ssettm $0x1  }
0x91: {  	s17 =	sld [smem:$0x3FFB];
	_ =	sdelay $0x3  }
0x92: {  	_ =	strace s17  }
0x93: {  	s2 =	sld [smem:$0x3FFC];
	_ =	sdelay $0x3  }
0x94: {  	_ =	strace s2  }
0x95: {  	s2 =	sld [smem:$0x3FFD];
	_ =	sdelay $0x3  }
0x96: {  	_ =	strace s2  }
0x97: {  	_ =	strace $0x8FFFFFFF  }
0x98: {  	s18 =	sld [smem:$0x3FDB];
	_ =	sdelay $0x1  }
0x99: {  	s19 =	simm.s32 $_scs_section_size  }
0x9a: {  	s4 =	simm.s32 $_size__tile_overlayer_lowered;
	s5 =	simm.s32 $_tile_overlayer_lowered  }
0x9b: {  	s22 =	simm.s32 $0x1BFF;
	s21 =	sshll.u32 s5, $0x1;
	s2 =	sadd.s32 s19, s18  }
0x9c: {  	s6 =	simm.s32 $0x0;
	s20 =	sshll.u32 s4, $0x1;
	s4 =	sadd.s32 s21, s2  }
0x9d: {  	[timem:s6], [sflag:s22] =	dma.local [hbm:s4], s20  }
0x9e: {  	_ =	swait.ge [sflag:s22], s20  }
0x9f: {  	s3 =	ssub.s32 $0x0, s20;
	[sflag:s22] =	ssyncset.done $0x0  }
0xa0: {  	[sflag:s22] =	ssyncadd.s32 s3;
	_ =	sdelay $0x1  }
0xa1: {  	s23 =	simm.s32 $0x1B8B  }
0xa2: {  	_ =	swait.ge [sflag:s23], $0x1  }
0xa3: {  	[sflag:s23] =	ssyncset.done $0x0  }
0xa4: {  	s25 =	simm.s32 $0x1B8E;
	s24 =	sld [smem:$0x3FFE];
	[sflag:s23] =	ssyncadd.s32 $0xFFFFFFFF  }
0xa5: {  	s26 =	simm.s32 $execute0_lowered;
	[smem:$0x3FD2] =	sst s25  }
0xa6: {  	s4 =	sshll.u32 s26, $0x1;
	_ =	strace $0x80000058;
	[dreg:$0x1] =	wrdreg $0xFFFFFFFF  }
0xa7: {  	s28 =	simm.s32 $_size_execute0_lowered;
	s2 =	sadd.s32 s2, s4;
	[dreg:$0x0] =	wrdreg $0x0  }
0xa8: {  	s4 =	sshll.u32 s28, $0x1;
	[dreg:$0x2] =	wrdreg s2  }
0xa9: {  	[dreg:$0x3] =	wrdreg s4  }
0xaa: {  	[dreg:$0x4] =	wrdreg $0xC0  }
0xab: {  	_ =	task [dreg:s6], $0x5FFFF  }
0xac: {  	[dreg:$0x1] =	wrdreg $0xFFFFFFFF  }
0xad: {  	[dreg:$0x0] =	wrdreg $0x60  }
0xae: {  	[dreg:$0x2] =	wrdreg s24  }
0xaf: {  	[dreg:$0x3] =	wrdreg $0x14C080  }
0xb0: {  	[dreg:$0x4] =	wrdreg $0x9  }
0xb1: {  	_ =	task.clear_ibuf [dreg:s6], $0x5FFFF;
	_ =	strace $0x90000058  }
0xb2: {  	s29 =	simm.s32 $0x9;
	_ =	strace $0x8000005A  }
0xb3: {  	_ =	swait.ge [sflag:s29], $0x1  }
0xb4: {  	[sflag:s29] =	ssyncadd.s32 $0xFFFFFFFF  }
0xb5: {  	_ =	strace $0x9000005A  }
0xb6: {  	_ =	sfence  }
0xb7: {  	s30 =	sld [smem:$0x0];
	_ =	sdelay $0x2  }
0xb8: {  	s31 =	sshll.u32 s1, $0xD;
	s1 =	sshrl.u32 s1, $0x2  }
0xb9: {  	s3 =	sand.u32 $0x4000, s31;
	s1 =	sadd.s32 s1, s30  }
0xba: {  	s0 =	sor.u32 s3, s0;
	s1 =	sshll.u32 s1, $0x11  }
0xbb: {  	s0 =	sor.u32 s1, s0  }
0xbc: {  	s0 =	sadd.s32 $0x8F2B, s0  }
0xbd: {  	[sflag:s0] =	ssyncadd.remote.s32 $0x1  }
0xbe: {  	_ =	sfence.sel $0xFFFF  }
0xbf: {  	[dreg:$0x0] =	wrdreg $0xFFFFFFFF;
	(pc) =	sbr.abs _section_cstart, $3  }
0xc0: {  	[dreg:$0x1] =	wrdreg $0xFFFFFFFF  }
0xc1: {  	_ =	task.clear_ibuf [dreg:s6], $0x2FFFF;
	_ =	strace $0x9FFFFFFF  }
0xc2: {  	(tm) =	ssettm $0x7FFFFFFF  }
0xc3: {  	_ =	shalt  }
tec
execute0_lowered:
.L_overlay_start_1:
0x0: {  	(tag) =	ssettag $0x1  }
0x1: {  	s0 =	srdreg.scid;
	s4 =	rddreg [dreg:$0x0]  }
0x2: {  	s8 =	stileid.u32;
	s1 =	rddreg [dreg:$0x1];
	s2 =	simm.s32 $0x0  }
0x3: {  	p1 =	por $0x0, $0x0;
	s3 =	sand.u32 $0x1, s0;
	s10 =	smul.u32 $0x4E2, s8  }
0x4: {  	s0 =	sshll.u32 s3, $0x4;
	s7 =	smul.u32 $0x4E20, s3;
	s3 =	ssub.s32 $0x2, s3  }
0x5: {  	[smem:$0x7FF] =	sst s2;
	s11 =	smul.u32 $0x9C40, s8;
	s29 =	sshrl.u32 s3, $0x1  }
0x6: {  	p0 =	sne.s32 s8, $0x0;
	s7 =	sadd.s32 s10, s7;
	s10 =	ssub.s32 s3, s29  }
0x7: {  	s5 =	sor.u32 s8, s0;
	s0 =	rddreg [dreg:$0x2];
	s10 =	smax.u32 s10, $0x1  }
0x8: {  	_ =	strace $0x80000059;
	s6 =	smul.u32 $0x2710, s5;
	s14 =	sadd.s32 $0xFFFFFFFF, s10  }
0x9: {  	s30 =	sshrl.u32 s11, $0x2;
	s5 =	smul.u32 $0x271, s5;
	p2 =	sne.s32 s14, $0x0  }
.Ltmp0:
0xa: {  	s11 =	sshrl.u32 @!p0 s1, $0x3;
	s8 =	sshll.u32 s8, $0x6;
	(pc) =	sbr.rel @!p2 .LBB2_3-.Ltmp0, $4  }
0xb: {  	s31 =	sadd.s32 s30, s1;
	s8 =	sor.u32 $0x1C01, s8;
	s9 =	sadd.s32 s6, s4  }
0xc: {  	s5 =	sadd.s32 s5, s4;
	s6 =	sadd.s32 $0x8200, s4;
	s4 =	sadd.s32 s7, s4  }
0xd: {  	s10 =	simm.s32 $0x1388;
	s7 =	sadd.s32 $0x12200, s5;
	s5 =	sadd.s32 $0xB8600, s9  }
0xe: {  	s3 =	sadd.s32 $0x106800, s4;
	s4 =	simm.s32 $0x1;
	s9 =	sshrl.u32 s31, $0x3  }
0xf: {  	s12 =	simm.s32 @!p0 $0x1C01;
	s13 =	simm.s32 @!p0 $0x1  }
0x10: {  	[spmem:s11], [sflag:s12] =	dma.local @!p0 [hbm:s6], $0x4E20  }
0x11: {  	_ =	swait.ge @!p0 [sflag:s13], $0x4E20  }
0x12: {  	[sflag:s13] =	ssyncset.done @!p0 $0x0  }
0x13: {  	[sflag:s13] =	ssyncadd.s32 @!p0 $0xFFFFB1E0  }
0x14: {  	[bflag:$0x0] =	sbarrier.arrive $0xFFFF  }
0x15: {  	[tilespmem:s2], [sflag:$0x1] =	stream.linear.gather [hbm4b:s7+s2], $0x1388, $0x38;
	[tilespmem:$0x17318] =	vst v63  }
0x16: {  	_ =	swait.ge [sflag:s4], $0x1388  }
0x17: {  	[sflag:s4] =	ssyncset.done $0x0  }
0x18: {  	[sflag:s4] =	ssyncadd.s32 $0xFFFFEC78  }
0x19: {  	[tilespmem:s10], [sflag:$0x1] =	stream.linear.gather [hbm4b:s5+s2], $0x13880, $0x38;
	[tilespmem:$0x17318] =	vst v63  }
0x1a: {  	_ =	swait.ge [sflag:s4], $0x13880  }
0x1b: {  	[sflag:s4] =	ssyncset.done $0x0  }
0x1c: {  	[sflag:s4] =	ssyncadd.s32 $0xFFFEC780  }
0x1d: {  	[spmem:s1] =	stream.indirect.scatter.add.f32 [tilespmem:s10], [sflag:$0x1], $0x10, s2, s10, $0xb8;
	[tilespmem:$0x17318] =	vst v63  }
0x1e: {  	s14 =	sadd.s32 $0xFFFFFFFF, s14;
	_ =	swait.ge [sflag:s4], $0x13880  }
0x1f: {  	p2 =	sne.s32 s14, $0x0;
	[sflag:s4] =	ssyncset.done $0x0  }
.Ltmp1:
0x20: {  	[sflag:s4] =	ssyncadd.s32 $0xFFFEC780;
	(pc) =	sbr.rel @!p2 .LBB2_3-.Ltmp1, $4  }
0x21: {  	[bflag:$0x0] =	sbarrier.arrive $0xFFFF  }
0x22: {  	[hbm:s3], [sflag:s8] =	dma.local [spmem:s9], $0x4E2  }
0x23: {  	_ =	swait.ge [sflag:s4], $0x4E2  }
0x24: {  	p1 =	por $0x1, $0x1;
	[sflag:s4] =	ssyncset.done $0x0  }
.LBB2_2:
0x25: {  	[sflag:s4] =	ssyncadd.s32 $0xFFFFFB1E  }
0x26: {  	[spmem:s11], [sflag:s12] =	dma.local @!p0 [hbm:s6], $0x4E20  }
0x27: {  	s14 =	sadd.s32 $0xFFFFFFFF, s14;
	_ =	swait.ge @!p0 [sflag:s13], $0x4E20  }
0x28: {  	p2 =	sne.s32 s14, $0x0;
	[sflag:s13] =	ssyncset.done @!p0 $0x0  }
0x29: {  	[sflag:s13] =	ssyncadd.s32 @!p0 $0xFFFFB1E0  }
0x2a: {  	[bflag:$0x0] =	sbarrier.arrive $0xFFFF  }
0x2b: {  	[tilespmem:s2], [sflag:$0x1] =	stream.linear.gather [hbm4b:s7+s2], $0x1388, $0x38;
	[tilespmem:$0x17318] =	vst v63  }
0x2c: {  	_ =	swait.ge [sflag:s4], $0x1388  }
0x2d: {  	[sflag:s4] =	ssyncset.done $0x0  }
0x2e: {  	[sflag:s4] =	ssyncadd.s32 $0xFFFFEC78  }
0x2f: {  	[tilespmem:s10], [sflag:$0x1] =	stream.linear.gather [hbm4b:s5+s2], $0x13880, $0x38;
	[tilespmem:$0x17318] =	vst v63  }
0x30: {  	_ =	swait.ge [sflag:s4], $0x13880  }
0x31: {  	[sflag:s4] =	ssyncset.done $0x0  }
0x32: {  	[sflag:s4] =	ssyncadd.s32 $0xFFFEC780  }
0x33: {  	[spmem:s1] =	stream.indirect.scatter.add.f32 [tilespmem:s10], [sflag:$0x1], $0x10, s2, s10, $0xb8;
	[tilespmem:$0x17318] =	vst v63  }
0x34: {  	_ =	swait.ge [sflag:s4], $0x13880  }
0x35: {  	[sflag:s4] =	ssyncset.done $0x0  }
.Ltmp2:
0x36: {  	[sflag:s4] =	ssyncadd.s32 $0xFFFEC780;
	(pc) =	sbr.rel @p2 .LBB2_2-.Ltmp2, $4  }
0x37: {  	[bflag:$0x0] =	sbarrier.arrive $0xFFFF  }
0x38: {  	[hbm:s3], [sflag:s8] =	dma.local [spmem:s9], $0x4E2  }
0x39: {  	_ =	swait.ge [sflag:s4], $0x4E2  }
0x3a: {  	[sflag:s4] =	ssyncset.done $0x0  }
.LBB2_3:
0x3b: {  	s12 =	simm.s32 @!p0 $0x1C01;
	s13 =	simm.s32 @!p0 $0x1;
	[sflag:s4] =	ssyncadd.s32 @p1 $0xFFFFFB1E  }
0x3c: {  	[spmem:s11], [sflag:s12] =	dma.local @!p0 [hbm:s6], $0x4E20  }
0x3d: {  	_ =	swait.ge @!p0 [sflag:s13], $0x4E20  }
0x3e: {  	[sflag:s13] =	ssyncset.done @!p0 $0x0  }
0x3f: {  	[sflag:s13] =	ssyncadd.s32 @!p0 $0xFFFFB1E0  }
0x40: {  	[bflag:$0x0] =	sbarrier.arrive $0xFFFF  }
0x41: {  	[tilespmem:s2], [sflag:$0x1] =	stream.linear.gather [hbm4b:s7+s2], $0x1388, $0x38;
	[tilespmem:$0x17318] =	vst v63  }
0x42: {  	_ =	swait.ge [sflag:s4], $0x1388  }
0x43: {  	[sflag:s4] =	ssyncset.done $0x0  }
0x44: {  	[sflag:s4] =	ssyncadd.s32 $0xFFFFEC78  }
0x45: {  	[tilespmem:s10], [sflag:$0x1] =	stream.linear.gather [hbm4b:s5+s2], $0x13880, $0x38;
	[tilespmem:$0x17318] =	vst v63  }
0x46: {  	_ =	swait.ge [sflag:s4], $0x13880  }
0x47: {  	[sflag:s4] =	ssyncset.done $0x0  }
0x48: {  	[sflag:s4] =	ssyncadd.s32 $0xFFFEC780  }
0x49: {  	[spmem:s1] =	stream.indirect.scatter.add.f32 [tilespmem:s10], [sflag:$0x1], $0x10, s2, s10, $0xb8;
	[tilespmem:$0x17318] =	vst v63  }
0x4a: {  	_ =	swait.ge [sflag:s4], $0x13880  }
0x4b: {  	[sflag:s4] =	ssyncset.done $0x0  }
0x4c: {  	[sflag:s4] =	ssyncadd.s32 $0xFFFEC780  }
0x4d: {  	[bflag:$0x0] =	sbarrier.arrive $0xFFFF  }
0x4e: {  	[hbm:s3], [sflag:s8] =	dma.local [spmem:s9], $0x4E2  }
0x4f: {  	_ =	swait.ge [sflag:s4], $0x4E2  }
0x50: {  	[sflag:s4] =	ssyncset.done $0x0  }
0x51: {  	[sflag:s4] =	ssyncadd.s32 $0xFFFFFB1E  }
0x52: {  	_ =	sfence.sel $0x180000  }
0x53: {  	[bflag:$0x0] =	sbarrier.arrive $0xFFFF  }
0x54: {  	_ =	strace $0x90000059  }
0x55: {  	s0 =	sadd.s32 @!p0 $0x100000, s0;
	[bflag:$0x2] =	sbarrier.arrive $0xFFFF  }
0x56: {  	[sflag:s0] =	ssyncadd.tile.s32 @!p0 $0x1;
	_ =	shalt  }
.Lfunc_end2:
_tile_overlayer_lowered:
.L_overlay_start_2:
0x57: {  	(tag) =	ssettag $0x2  }
0x58: {  	s0 =	rddreg [dreg:$0x0];
	s2 =	stileid.u32  }
0x59: {  	s1 =	rddreg [dreg:$0x1];
	p0 =	sne.s32 s2, $0x0  }
0x5a: {  	s3 =	rddreg [dreg:$0x2];
	[bflag:$0x3] =	sbarrier.arrive $0xFFFF;
	s2 =	simm.s32 @!p0 $0x1C01  }
0x5b: {  	[timem:s3], [sflag:s2] =	dma.local @!p0 [hbm:s0], s1  }
0x5c: {  	s0 =	simm.s32 @!p0 $0x1  }
0x5d: {  	_ =	swait.ge @!p0 [sflag:s0], s1  }
0x5e: {  	s1 =	ssub.s32 @!p0 $0x0, s1;
	[sflag:s0] =	ssyncset.done @!p0 $0x0  }
0x5f: {  	[sflag:s0] =	ssyncadd.s32 @!p0 s1  }
0x60: {  	[bflag:$0x3] =	sbarrier.arrive $0xFFFF  }
0x61: {  	_ =	shalt  }

// kernel: kernel.43.cloned.1.call-start
scs
__scs_entry_jumppad:
0x0: {  	(pc) =	sbr.rel $0x88, $3  }
0x1: {  	(tag) =	ssettag $0x0;
	lr =	simm.s32 $0x1  }
0x2: {  	[smem:$0x3F88] =	sst lr;
	_ =	strace $0xD0000000  }
0x3: {  	_ = 	snop  }
0x4: {  	_ = 	snop  }
0x5: {  	_ = 	snop  }
0x6: {  	_ = 	snop  }
0x7: {  	_ = 	snop  }
__scs_overlays_trampoline_lowered:
0x8: {  	[smem:$0x3F97] =	sst s0  }
0x9: {  	[smem:$0x3F98] =	sst s1  }
0xa: {  	[smem:$0x3F99] =	sst s2  }
0xb: {  	[smem:$0x3F9A] =	sst s3  }
0xc: {  	[smem:$0x3F9B] =	sst s4  }
0xd: {  	[smem:$0x3F9C] =	sst s5  }
0xe: {  	[smem:$0x3F9D] =	sst s6  }
0xf: {  	[smem:$0x3F9E] =	sst s7  }
0x10: {  	[smem:$0x3F9F] =	sst s8  }
0x11: {  	[smem:$0x3FA0] =	sst s9;
	s0 =	simm.s32 @!p0 $0x0  }
0x12: {  	s1 =	sld [smem:$0x3F86];
	s0 =	simm.s32 @p0 $0x1  }
0x13: {  	[smem:$0x3FA1] =	sst s0;
	s0 =	simm.s32 @!p1 $0x0  }
0x14: {  	s2 =	sld [smem:$0x3F85];
	s0 =	simm.s32 @p1 $0x1  }
0x15: {  	[smem:$0x3FA2] =	sst s0;
	s0 =	simm.s32 @!p2 $0x0  }
0x16: {  	s3 =	sld [smem:$0x3FDB];
	s0 =	simm.s32 @p2 $0x1  }
0x17: {  	s4 =	simm.s32 $0x1BF5;
	[smem:$0x3FA4] =	sst s0  }
0x18: {  	s0 =	sld [smem:$0x3F87];
	_ =	swait.ge [sflag:s4], $0x0  }
0x19: {  	s7 =	sld [smem:$0x3F88]  }
0x1a: {  	s8 =	sadd.s32 $0xFFFFE003, lr  }
0x1b: {  	s9 =	sadd.s32 $0xFFFFFEF7, lr;
	s5 =	simm.s32 $0xFFFFFFFF;
	p2 =	slt.u32 s8, $0xFFFFF086  }
0x1c: {  	p1 =	slt.u32 s9, $0xF7A;
	s5 =	simm.s32 @!p2 $0x0  }
0x1d: {  	s5 =	simm.s32 @p1 $0x1;
	p0 =	seq.s32 s7, s2  }
0x1e: {  	s7 =	smul.u32 @!p0 $0xF7A, s2;
	p2 =	seq.s32 @!p0 s5, $0x0  }
0x1f: {  	s9 =	smul.u32 $0xF7A, s1;
	s8 =	simm.s32 @!p0 $0x1BF5;
	p2 =	por !p2, p0  }
0x20: {  	[sflag:s8] =	ssyncset.s32 @!p0 $0xFFFFF086;
	s6 =	sadd.s32 @!p0 s3, s7;
	s7 =	simm.s32 @!p0 $0x108  }
0x21: {  	s3 =	sadd.s32 s3, s9;
	s6 =	sadd.s32 @!p0 $0x88, s6;
	s7 =	simm.s32 @p2 $0x1082  }
0x22: {  	[simem:s7], [sflag:s8] =	dma.local @!p0 [hbm:s6], $0xF7A  }
0x23: {  	s9 =	sor.u32 $0xD0000000, s2;
	s6 =	simm.s32 $0x108;
	_ =	swait.ge @!p0 [sflag:s8], $0x0  }
0x24: {  	s3 =	sadd.s32 $0x88, s3;
	s6 =	simm.s32 @!p1 $0x1082;
	[sflag:s4] =	ssyncset.s32 $0xFFFFF086  }
0x25: {  	[simem:s6], [sflag:s4] =	dma.local [hbm:s3], $0xF7A  }
0x26: {  	[smem:$0x3F88] =	sst s1;
	(tag) =	ssettag s2;
	_ =	strace s9  }
0x27: {  	s1 =	sld [smem:$0x3F98]  }
0x28: {  	s2 =	sld [smem:$0x3F99]  }
0x29: {  	s4 =	sld [smem:$0x3F9B]  }
0x2a: {  	p0 =	seq.s32 s5, $0x0;
	s5 =	sld [smem:$0x3F9C]  }
0x2b: {  	s6 =	sld [smem:$0x3F9D]  }
0x2c: {  	s7 =	sld [smem:$0x3F9E]  }
0x2d: {  	s3 =	simm.s32 $0x108;
	s8 =	sld [smem:$0x3F9F]  }
0x2e: {  	s3 =	simm.s32 @!p0 $0x1082;
	s9 =	sld [smem:$0x3FA0]  }
0x2f: {  	lr =	sadd.s32 s0, s3;
	s0 =	sld [smem:$0x3F97]  }
0x30: {  	s3 =	sld [smem:$0x3F9A]  }
0x31: {  	[smem:$0x3FA3] =	sst s10  }
0x32: {  	s10 =	sld [smem:$0x3FA1];
	_ =	sdelay $0x3  }
0x33: {  	p0 =	seq.s32 s10, $0x1;
	s10 =	sld [smem:$0x3FA3];
	_ =	sdelay $0x3  }
0x34: {  	[smem:$0x3FA3] =	sst s10  }
0x35: {  	s10 =	sld [smem:$0x3FA2];
	_ =	sdelay $0x3  }
0x36: {  	p1 =	seq.s32 s10, $0x1;
	s10 =	sld [smem:$0x3FA3];
	_ =	sdelay $0x3  }
0x37: {  	[smem:$0x3FA3] =	sst s10  }
0x38: {  	s10 =	sld [smem:$0x3FA4]  }
0x39: {  	_ = 	snop;
	(pc) =	sbr.ind lr, $3  }
0x3a: {  	_ = 	snop  }
0x3b: {  	_ = 	snop  }
0x3c: {  	p2 =	seq.s32 s10, $0x1;
	s10 =	sld [smem:$0x3FA3]  }
0x3d: {  	_ =	shalt  }
0x3e: {  	_ =	shalt  }
0x3f: {  	_ =	shalt  }
0x40: {  	_ =	shalt  }
0x41: {  	_ =	shalt  }
0x42: {  	_ =	shalt  }
0x43: {  	_ =	shalt  }
0x44: {  	_ =	shalt  }
0x45: {  	_ =	shalt  }
0x46: {  	_ =	shalt  }
0x47: {  	_ =	shalt  }
0x48: {  	_ =	shalt  }
0x49: {  	_ =	shalt  }
0x4a: {  	_ =	shalt  }
0x4b: {  	_ =	shalt  }
0x4c: {  	_ =	shalt  }
0x4d: {  	_ =	shalt  }
0x4e: {  	_ =	shalt  }
0x4f: {  	_ =	shalt  }
0x50: {  	_ =	shalt  }
0x51: {  	_ =	shalt  }
0x52: {  	_ =	shalt  }
0x53: {  	_ =	shalt  }
0x54: {  	_ =	shalt  }
0x55: {  	_ =	shalt  }
0x56: {  	_ =	shalt  }
0x57: {  	_ =	shalt  }
0x58: {  	_ =	shalt  }
0x59: {  	_ =	shalt  }
0x5a: {  	_ =	shalt  }
0x5b: {  	_ =	shalt  }
0x5c: {  	_ =	shalt  }
0x5d: {  	_ =	shalt  }
0x5e: {  	_ =	shalt  }
0x5f: {  	_ =	shalt  }
0x60: {  	_ =	shalt  }
0x61: {  	_ =	shalt  }
0x62: {  	_ =	shalt  }
0x63: {  	_ =	shalt  }
0x64: {  	_ =	shalt  }
0x65: {  	_ =	shalt  }
0x66: {  	_ =	shalt  }
0x67: {  	_ =	shalt  }
0x68: {  	_ =	shalt  }
0x69: {  	_ =	shalt  }
0x6a: {  	_ =	shalt  }
0x6b: {  	_ =	shalt  }
0x6c: {  	_ =	shalt  }
0x6d: {  	_ =	shalt  }
0x6e: {  	_ =	shalt  }
0x6f: {  	_ =	shalt  }
0x70: {  	_ =	shalt  }
0x71: {  	_ =	shalt  }
0x72: {  	_ =	shalt  }
0x73: {  	_ =	shalt  }
0x74: {  	_ =	shalt  }
0x75: {  	_ =	shalt  }
0x76: {  	_ =	shalt  }
0x77: {  	_ =	shalt  }
0x78: {  	_ =	shalt  }
0x79: {  	_ =	shalt  }
0x7a: {  	_ =	shalt  }
0x7b: {  	_ =	shalt  }
0x7c: {  	_ =	shalt  }
0x7d: {  	_ =	shalt  }
0x7e: {  	_ =	shalt  }
0x7f: {  	_ =	shalt  }
0x80: {  	_ =	shalt  }
0x81: {  	_ =	shalt  }
0x82: {  	_ =	shalt  }
0x83: {  	_ =	shalt  }
0x84: {  	_ =	shalt  }
0x85: {  	_ =	shalt  }
0x86: {  	_ =	shalt  }
0x87: {  	_ =	shalt  }
.Lfunc_end0:
.L_simem_size_0:
called_computation.7_lowered:
.L_overlay_start_0:
0x88: {  	s2 =	sld [smem:$0x3FD9]  }
0x89: {  	s3 =	sld [smem:$0x3FFE];
	_ =	sdelay $0x1  }
0x8a: {  	s1 =	srdreg.scid  }
0x8b: {  	s0 =	sand.u32 $0x1, s1  }
0x8c: {  	s16 =	sshll.u32 s0, $0xA;
	s2 =	sadd.s32 s3, s2  }
0x8d: {  	s2 =	sadd.s32 s2, s16  }
0x8e: {  	[smem:$0x3FAF] =	sst s2  }
0x8f: {  	_ = 	snop  }
0x90: {  	(tm) =	ssettm $0x1  }
0x91: {  	s17 =	sld [smem:$0x3FFB];
	_ =	sdelay $0x3  }
0x92: {  	_ =	strace s17  }
0x93: {  	s2 =	sld [smem:$0x3FFC];
	_ =	sdelay $0x3  }
0x94: {  	_ =	strace s2  }
0x95: {  	s2 =	sld [smem:$0x3FFD];
	_ =	sdelay $0x3  }
0x96: {  	_ =	strace s2  }
0x97: {  	_ =	strace $0x8FFFFFFF  }
0x98: {  	s18 =	sld [smem:$0x3FDB];
	_ =	sdelay $0x1  }
0x99: {  	s19 =	simm.s32 $_scs_section_size  }
0x9a: {  	s4 =	simm.s32 $_size__tile_overlayer_lowered;
	s5 =	simm.s32 $_tile_overlayer_lowered  }
0x9b: {  	s22 =	simm.s32 $0x1BFF;
	s21 =	sshll.u32 s5, $0x1;
	s2 =	sadd.s32 s19, s18  }
0x9c: {  	s6 =	simm.s32 $0x0;
	s20 =	sshll.u32 s4, $0x1;
	s4 =	sadd.s32 s21, s2  }
0x9d: {  	[timem:s6], [sflag:s22] =	dma.local [hbm:s4], s20  }
0x9e: {  	_ =	swait.ge [sflag:s22], s20  }
0x9f: {  	s3 =	ssub.s32 $0x0, s20;
	[sflag:s22] =	ssyncset.done $0x0  }
0xa0: {  	[sflag:s22] =	ssyncadd.s32 s3;
	_ =	sdelay $0x1  }
0xa1: {  	s23 =	simm.s32 $0x1B8B  }
0xa2: {  	_ =	swait.ge [sflag:s23], $0x1  }
0xa3: {  	[sflag:s23] =	ssyncset.done $0x0  }
0xa4: {  	s25 =	simm.s32 $0x1B8E;
	s24 =	sld [smem:$0x3FFE];
	[sflag:s23] =	ssyncadd.s32 $0xFFFFFFFF  }
0xa5: {  	s26 =	simm.s32 $execute0_lowered;
	[smem:$0x3FD2] =	sst s25  }
0xa6: {  	s4 =	sshll.u32 s26, $0x1;
	_ =	strace $0x8000005B;
	[dreg:$0x1] =	wrdreg $0xFFFFFFFF  }
0xa7: {  	s28 =	simm.s32 $_size_execute0_lowered;
	s2 =	sadd.s32 s2, s4;
	[dreg:$0x0] =	wrdreg $0x0  }
0xa8: {  	s4 =	sshll.u32 s28, $0x1;
	[dreg:$0x2] =	wrdreg s2  }
0xa9: {  	[dreg:$0x3] =	wrdreg s4  }
0xaa: {  	[dreg:$0x4] =	wrdreg $0xC0  }
0xab: {  	_ =	task [dreg:s6], $0x5FFFF  }
0xac: {  	[dreg:$0x1] =	wrdreg $0xFFFFFFFF  }
0xad: {  	[dreg:$0x0] =	wrdreg $0x60  }
0xae: {  	[dreg:$0x2] =	wrdreg s24  }
0xaf: {  	[dreg:$0x3] =	wrdreg $0x9  }
0xb0: {  	_ =	task.clear_ibuf [dreg:s6], $0x4FFFF;
	_ =	strace $0x9000005B  }
0xb1: {  	s29 =	simm.s32 $0x9;
	_ =	strace $0x8000005D  }
0xb2: {  	_ =	swait.ge [sflag:s29], $0x1  }
0xb3: {  	[sflag:s29] =	ssyncadd.s32 $0xFFFFFFFF  }
0xb4: {  	_ =	strace $0x9000005D  }
0xb5: {  	_ =	sfence  }
0xb6: {  	s30 =	sld [smem:$0x0];
	_ =	sdelay $0x2  }
0xb7: {  	s31 =	sshll.u32 s1, $0xD;
	s1 =	sshrl.u32 s1, $0x2  }
0xb8: {  	s3 =	sand.u32 $0x4000, s31;
	s1 =	sadd.s32 s1, s30  }
0xb9: {  	s0 =	sor.u32 s3, s0;
	s1 =	sshll.u32 s1, $0x11  }
0xba: {  	s0 =	sor.u32 s1, s0  }
0xbb: {  	s0 =	sadd.s32 $0x8F2B, s0  }
0xbc: {  	[sflag:s0] =	ssyncadd.remote.s32 $0x1  }
0xbd: {  	_ =	sfence.sel $0xFFFF  }
0xbe: {  	[dreg:$0x0] =	wrdreg $0xFFFFFFFF;
	(pc) =	sbr.abs _section_cstart, $3  }
0xbf: {  	[dreg:$0x1] =	wrdreg $0xFFFFFFFF  }
0xc0: {  	_ =	task.clear_ibuf [dreg:s6], $0x2FFFF;
	_ =	strace $0x9FFFFFFF  }
0xc1: {  	(tm) =	ssettm $0x7FFFFFFF  }
tec
execute0_lowered:
.L_overlay_start_1:
0x0: {  	(tag) =	ssettag $0x1  }
0x1: {  	s1 =	srdreg.scid;
	s0 =	stileid.u32  }
0x2: {  	s6 =	sand.u32 $0x1, s1;
	s30 =	sshll.u32 s0, $0x1  }
0x3: {  	s8 =	rddreg [dreg:$0x0];
	s7 =	sor.u32 s6, s30  }
0x4: {  	s2 =	simm.s32 $0x0;
	s1 =	rddreg [dreg:$0x1];
	s3 =	smul.u32 $0x271, s7  }
0x5: {  	[smem:$0x7FF] =	sst s2;
	s5 =	sadd.s32 $0xB3600, s8  }
0x6: {  	_ =	strace $0x8000005C;
	s10 =	ssub.s32 $0x2, s6;
	s3 =	sadd.s32 s3, s8  }
0x7: {  	s6 =	simm.s32 $0x1388;
	s4 =	sadd.s32 $0xD200, s3;
	s3 =	simm.s32 $0x2  }
0x8: {  	[tilespmem:s2], [sflag:$0x2] =	stream.linear.gather [hbm4b:s4+s2], $0x1388, $0x38;
	[tilespmem:$0x14C08] =	vst v63  }
0x9: {  	s9 =	smul.u32 $0x2710, s7;
	s11 =	sshrl.u32 s10, $0x1;
	_ =	swait.ge [sflag:s3], $0x1388  }
0xa: {  	s7 =	simm.s32 $0x1;
	s31 =	ssub.s32 s10, s11;
	[sflag:s3] =	ssyncset.done $0x0  }
0xb: {  	s8 =	sadd.s32 s9, s8;
	s9 =	smax.u32 s31, $0x1;
	[sflag:s3] =	ssyncadd.s32 $0xFFFFEC78  }
0xc: {  	[tilespmem:s6], [sflag:$0x1] =	stream.indirect.gather [hbm4b:s5+s6], $0x10, s2, s6, $0xb8;
	[tilespmem:$0x14C08] =	vst v63  }
0xd: {  	p0 =	sne.s32 s9, $0x1;
	_ =	swait.ge [sflag:s7], $0x13880  }
.Ltmp0:
0xe: {  	[sflag:s7] =	ssyncset.done $0x0;
	(pc) =	sbr.rel @!p0 .LBB2_2-.Ltmp0, $4  }
0xf: {  	s8 =	sadd.s32 $0xB8600, s8;
	[sflag:s7] =	ssyncadd.s32 $0xFFFEC780  }
0x10: {  	[hbm4b:s8+s2] =	stream.linear.scatter [tilespmem:s6], [sflag:$0x2], $0x13880, $0x38;
	[tilespmem:$0x14C08] =	vst v63  }
0x11: {  	_ =	swait.ge [sflag:s3], $0x13880  }
0x12: {  	s9 =	sadd.s32 $0xFFFFFFFF, s9;
	[sflag:s3] =	ssyncset.done $0x0  }
.LBB2_1:
0x13: {  	p0 =	sne.s32 s9, $0x1;
	s9 =	sadd.s32 $0xFFFFFFFF, s9;
	[sflag:s3] =	ssyncadd.s32 $0xFFFEC780  }
0x14: {  	[tilespmem:s2], [sflag:$0x2] =	stream.linear.gather [hbm4b:s4+s2], $0x1388, $0x38;
	[tilespmem:$0x14C08] =	vst v63  }
0x15: {  	_ =	swait.ge [sflag:s3], $0x1388  }
0x16: {  	[sflag:s3] =	ssyncset.done $0x0  }
0x17: {  	[sflag:s3] =	ssyncadd.s32 $0xFFFFEC78  }
0x18: {  	[tilespmem:s6], [sflag:$0x1] =	stream.indirect.gather [hbm4b:s5+s6], $0x10, s2, s6, $0xb8;
	[tilespmem:$0x14C08] =	vst v63  }
0x19: {  	_ =	swait.ge [sflag:s7], $0x13880  }
.Ltmp1:
0x1a: {  	[sflag:s7] =	ssyncset.done $0x0;
	(pc) =	sbr.rel @p0 .LBB2_1-.Ltmp1, $4  }
0x1b: {  	[sflag:s7] =	ssyncadd.s32 $0xFFFEC780  }
0x1c: {  	[hbm4b:s8+s2] =	stream.linear.scatter [tilespmem:s6], [sflag:$0x2], $0x13880, $0x38;
	[tilespmem:$0x14C08] =	vst v63  }
0x1d: {  	_ =	swait.ge [sflag:s3], $0x13880  }
0x1e: {  	[sflag:s3] =	ssyncset.done $0x0  }
.LBB2_2:
0x1f: {  	[sflag:s3] =	ssyncadd.s32 $0xFFFEC780  }
0x20: {  	_ =	sfence.sel $0x180000  }
0x21: {  	[bflag:$0x0] =	sbarrier.arrive $0xFFFF  }
0x22: {  	p0 =	sne.s32 s0, $0x0;
	_ =	strace $0x9000005C  }
0x23: {  	s0 =	sadd.s32 @!p0 $0x100000, s1;
	[bflag:$0x2] =	sbarrier.arrive $0xFFFF  }
0x24: {  	[sflag:s0] =	ssyncadd.tile.s32 @!p0 $0x1;
	_ =	shalt  }
.Lfunc_end2:
_tile_overlayer_lowered:
.L_overlay_start_2:
0x25: {  	(tag) =	ssettag $0x2  }
0x26: {  	s0 =	rddreg [dreg:$0x0];
	s2 =	stileid.u32  }
0x27: {  	s1 =	rddreg [dreg:$0x1];
	p0 =	sne.s32 s2, $0x0  }
0x28: {  	s3 =	rddreg [dreg:$0x2];
	[bflag:$0x3] =	sbarrier.arrive $0xFFFF;
	s2 =	simm.s32 @!p0 $0x1C02  }
0x29: {  	[timem:s3], [sflag:s2] =	dma.local @!p0 [hbm:s0], s1  }
0x2a: {  	s0 =	simm.s32 @!p0 $0x2  }
0x2b: {  	_ =	swait.ge @!p0 [sflag:s0], s1  }
0x2c: {  	s1 =	ssub.s32 @!p0 $0x0, s1;
	[sflag:s0] =	ssyncset.done @!p0 $0x0  }
0x2d: {  	[sflag:s0] =	ssyncadd.s32 @!p0 s1  }
0x2e: {  	[bflag:$0x3] =	sbarrier.arrive $0xFFFF  }
0x2f: {  	_ =	shalt  }

// kernel: kernel.46.cloned.1.call-start
scs
__scs_entry_jumppad:
0x0: {  	(pc) =	sbr.rel $0x88, $3  }
0x1: {  	(tag) =	ssettag $0x0;
	lr =	simm.s32 $0x1  }
0x2: {  	[smem:$0x3F88] =	sst lr;
	_ =	strace $0xD0000000  }
0x3: {  	_ = 	snop  }
0x4: {  	_ = 	snop  }
0x5: {  	_ = 	snop  }
0x6: {  	_ = 	snop  }
0x7: {  	_ = 	snop  }
__scs_overlays_trampoline_lowered:
0x8: {  	[smem:$0x3F97] =	sst s0  }
0x9: {  	[smem:$0x3F98] =	sst s1  }
0xa: {  	[smem:$0x3F99] =	sst s2  }
0xb: {  	[smem:$0x3F9A] =	sst s3  }
0xc: {  	[smem:$0x3F9B] =	sst s4  }
0xd: {  	[smem:$0x3F9C] =	sst s5  }
0xe: {  	[smem:$0x3F9D] =	sst s6  }
0xf: {  	[smem:$0x3F9E] =	sst s7  }
0x10: {  	[smem:$0x3F9F] =	sst s8  }
0x11: {  	[smem:$0x3FA0] =	sst s9;
	s0 =	simm.s32 @!p0 $0x0  }
0x12: {  	s1 =	sld [smem:$0x3F86];
	s0 =	simm.s32 @p0 $0x1  }
0x13: {  	[smem:$0x3FA1] =	sst s0;
	s0 =	simm.s32 @!p1 $0x0  }
0x14: {  	s2 =	sld [smem:$0x3F85];
	s0 =	simm.s32 @p1 $0x1  }
0x15: {  	[smem:$0x3FA2] =	sst s0;
	s0 =	simm.s32 @!p2 $0x0  }
0x16: {  	s3 =	sld [smem:$0x3FDB];
	s0 =	simm.s32 @p2 $0x1  }
0x17: {  	s4 =	simm.s32 $0x1BF5;
	[smem:$0x3FA4] =	sst s0  }
0x18: {  	s0 =	sld [smem:$0x3F87];
	_ =	swait.ge [sflag:s4], $0x0  }
0x19: {  	s7 =	sld [smem:$0x3F88]  }
0x1a: {  	s8 =	sadd.s32 $0xFFFFE003, lr  }
0x1b: {  	s9 =	sadd.s32 $0xFFFFFEF7, lr;
	s5 =	simm.s32 $0xFFFFFFFF;
	p2 =	slt.u32 s8, $0xFFFFF086  }
0x1c: {  	p1 =	slt.u32 s9, $0xF7A;
	s5 =	simm.s32 @!p2 $0x0  }
0x1d: {  	s5 =	simm.s32 @p1 $0x1;
	p0 =	seq.s32 s7, s2  }
0x1e: {  	s7 =	smul.u32 @!p0 $0xF7A, s2;
	p2 =	seq.s32 @!p0 s5, $0x0  }
0x1f: {  	s9 =	smul.u32 $0xF7A, s1;
	s8 =	simm.s32 @!p0 $0x1BF5;
	p2 =	por !p2, p0  }
0x20: {  	[sflag:s8] =	ssyncset.s32 @!p0 $0xFFFFF086;
	s6 =	sadd.s32 @!p0 s3, s7;
	s7 =	simm.s32 @!p0 $0x108  }
0x21: {  	s3 =	sadd.s32 s3, s9;
	s6 =	sadd.s32 @!p0 $0x88, s6;
	s7 =	simm.s32 @p2 $0x1082  }
0x22: {  	[simem:s7], [sflag:s8] =	dma.local @!p0 [hbm:s6], $0xF7A  }
0x23: {  	s9 =	sor.u32 $0xD0000000, s2;
	s6 =	simm.s32 $0x108;
	_ =	swait.ge @!p0 [sflag:s8], $0x0  }
0x24: {  	s3 =	sadd.s32 $0x88, s3;
	s6 =	simm.s32 @!p1 $0x1082;
	[sflag:s4] =	ssyncset.s32 $0xFFFFF086  }
0x25: {  	[simem:s6], [sflag:s4] =	dma.local [hbm:s3], $0xF7A  }
0x26: {  	[smem:$0x3F88] =	sst s1;
	(tag) =	ssettag s2;
	_ =	strace s9  }
0x27: {  	s1 =	sld [smem:$0x3F98]  }
0x28: {  	s2 =	sld [smem:$0x3F99]  }
0x29: {  	s4 =	sld [smem:$0x3F9B]  }
0x2a: {  	p0 =	seq.s32 s5, $0x0;
	s5 =	sld [smem:$0x3F9C]  }
0x2b: {  	s6 =	sld [smem:$0x3F9D]  }
0x2c: {  	s7 =	sld [smem:$0x3F9E]  }
0x2d: {  	s3 =	simm.s32 $0x108;
	s8 =	sld [smem:$0x3F9F]  }
0x2e: {  	s3 =	simm.s32 @!p0 $0x1082;
	s9 =	sld [smem:$0x3FA0]  }
0x2f: {  	lr =	sadd.s32 s0, s3;
	s0 =	sld [smem:$0x3F97]  }
0x30: {  	s3 =	sld [smem:$0x3F9A]  }
0x31: {  	[smem:$0x3FA3] =	sst s10  }
0x32: {  	s10 =	sld [smem:$0x3FA1];
	_ =	sdelay $0x3  }
0x33: {  	p0 =	seq.s32 s10, $0x1;
	s10 =	sld [smem:$0x3FA3];
	_ =	sdelay $0x3  }
0x34: {  	[smem:$0x3FA3] =	sst s10  }
0x35: {  	s10 =	sld [smem:$0x3FA2];
	_ =	sdelay $0x3  }
0x36: {  	p1 =	seq.s32 s10, $0x1;
	s10 =	sld [smem:$0x3FA3];
	_ =	sdelay $0x3  }
0x37: {  	[smem:$0x3FA3] =	sst s10  }
0x38: {  	s10 =	sld [smem:$0x3FA4]  }
0x39: {  	_ = 	snop;
	(pc) =	sbr.ind lr, $3  }
0x3a: {  	_ = 	snop  }
0x3b: {  	_ = 	snop  }
0x3c: {  	p2 =	seq.s32 s10, $0x1;
	s10 =	sld [smem:$0x3FA3]  }
0x3d: {  	_ =	shalt  }
0x3e: {  	_ =	shalt  }
0x3f: {  	_ =	shalt  }
0x40: {  	_ =	shalt  }
0x41: {  	_ =	shalt  }
0x42: {  	_ =	shalt  }
0x43: {  	_ =	shalt  }
0x44: {  	_ =	shalt  }
0x45: {  	_ =	shalt  }
0x46: {  	_ =	shalt  }
0x47: {  	_ =	shalt  }
0x48: {  	_ =	shalt  }
0x49: {  	_ =	shalt  }
0x4a: {  	_ =	shalt  }
0x4b: {  	_ =	shalt  }
0x4c: {  	_ =	shalt  }
0x4d: {  	_ =	shalt  }
0x4e: {  	_ =	shalt  }
0x4f: {  	_ =	shalt  }
0x50: {  	_ =	shalt  }
0x51: {  	_ =	shalt  }
0x52: {  	_ =	shalt  }
0x53: {  	_ =	shalt  }
0x54: {  	_ =	shalt  }
0x55: {  	_ =	shalt  }
0x56: {  	_ =	shalt  }
0x57: {  	_ =	shalt  }
0x58: {  	_ =	shalt  }
0x59: {  	_ =	shalt  }
0x5a: {  	_ =	shalt  }
0x5b: {  	_ =	shalt  }
0x5c: {  	_ =	shalt  }
0x5d: {  	_ =	shalt  }
0x5e: {  	_ =	shalt  }
0x5f: {  	_ =	shalt  }
0x60: {  	_ =	shalt  }
0x61: {  	_ =	shalt  }
0x62: {  	_ =	shalt  }
0x63: {  	_ =	shalt  }
0x64: {  	_ =	shalt  }
0x65: {  	_ =	shalt  }
0x66: {  	_ =	shalt  }
0x67: {  	_ =	shalt  }
0x68: {  	_ =	shalt  }
0x69: {  	_ =	shalt  }
0x6a: {  	_ =	shalt  }
0x6b: {  	_ =	shalt  }
0x6c: {  	_ =	shalt  }
0x6d: {  	_ =	shalt  }
0x6e: {  	_ =	shalt  }
0x6f: {  	_ =	shalt  }
0x70: {  	_ =	shalt  }
0x71: {  	_ =	shalt  }
0x72: {  	_ =	shalt  }
0x73: {  	_ =	shalt  }
0x74: {  	_ =	shalt  }
0x75: {  	_ =	shalt  }
0x76: {  	_ =	shalt  }
0x77: {  	_ =	shalt  }
0x78: {  	_ =	shalt  }
0x79: {  	_ =	shalt  }
0x7a: {  	_ =	shalt  }
0x7b: {  	_ =	shalt  }
0x7c: {  	_ =	shalt  }
0x7d: {  	_ =	shalt  }
0x7e: {  	_ =	shalt  }
0x7f: {  	_ =	shalt  }
0x80: {  	_ =	shalt  }
0x81: {  	_ =	shalt  }
0x82: {  	_ =	shalt  }
0x83: {  	_ =	shalt  }
0x84: {  	_ =	shalt  }
0x85: {  	_ =	shalt  }
0x86: {  	_ =	shalt  }
0x87: {  	_ =	shalt  }
.Lfunc_end0:
.L_simem_size_0:
called_computation.8_lowered:
.L_overlay_start_0:
0x88: {  	s2 =	sld [smem:$0x3FD9]  }
0x89: {  	s3 =	sld [smem:$0x3FFE];
	_ =	sdelay $0x1  }
0x8a: {  	s1 =	srdreg.scid  }
0x8b: {  	s0 =	sand.u32 $0x1, s1  }
0x8c: {  	s16 =	sshll.u32 s0, $0xA;
	s2 =	sadd.s32 s3, s2  }
0x8d: {  	s2 =	sadd.s32 s2, s16  }
0x8e: {  	[smem:$0x3FAF] =	sst s2  }
0x8f: {  	_ = 	snop  }
0x90: {  	(tm) =	ssettm $0x1  }
0x91: {  	s17 =	sld [smem:$0x3FFB];
	_ =	sdelay $0x3  }
0x92: {  	_ =	strace s17  }
0x93: {  	s2 =	sld [smem:$0x3FFC];
	_ =	sdelay $0x3  }
0x94: {  	_ =	strace s2  }
0x95: {  	s2 =	sld [smem:$0x3FFD];
	_ =	sdelay $0x3  }
0x96: {  	_ =	strace s2  }
0x97: {  	_ =	strace $0x8FFFFFFF  }
0x98: {  	s18 =	sld [smem:$0x3FDB];
	_ =	sdelay $0x1  }
0x99: {  	s19 =	simm.s32 $_scs_section_size  }
0x9a: {  	s4 =	simm.s32 $_size__tile_overlayer_lowered;
	s5 =	simm.s32 $_tile_overlayer_lowered  }
0x9b: {  	s22 =	simm.s32 $0x1BFF;
	s21 =	sshll.u32 s5, $0x1;
	s2 =	sadd.s32 s19, s18  }
0x9c: {  	s6 =	simm.s32 $0x0;
	s20 =	sshll.u32 s4, $0x1;
	s4 =	sadd.s32 s21, s2  }
0x9d: {  	[timem:s6], [sflag:s22] =	dma.local [hbm:s4], s20  }
0x9e: {  	_ =	swait.ge [sflag:s22], s20  }
0x9f: {  	s3 =	ssub.s32 $0x0, s20;
	[sflag:s22] =	ssyncset.done $0x0  }
0xa0: {  	[sflag:s22] =	ssyncadd.s32 s3;
	_ =	sdelay $0x1  }
0xa1: {  	s23 =	simm.s32 $0x1B8B  }
0xa2: {  	_ =	swait.ge [sflag:s23], $0x1  }
0xa3: {  	[sflag:s23] =	ssyncset.done $0x0  }
0xa4: {  	s25 =	simm.s32 $0x1B8E;
	s24 =	sld [smem:$0x3FFE];
	[sflag:s23] =	ssyncadd.s32 $0xFFFFFFFF  }
0xa5: {  	s26 =	simm.s32 $execute0_lowered;
	[smem:$0x3FD2] =	sst s25  }
0xa6: {  	s4 =	sshll.u32 s26, $0x1;
	_ =	strace $0x8000005E;
	[dreg:$0x1] =	wrdreg $0xFFFFFFFF  }
0xa7: {  	s28 =	simm.s32 $_size_execute0_lowered;
	s2 =	sadd.s32 s2, s4;
	[dreg:$0x0] =	wrdreg $0x0  }
0xa8: {  	s4 =	sshll.u32 s28, $0x1;
	[dreg:$0x2] =	wrdreg s2  }
0xa9: {  	[dreg:$0x3] =	wrdreg s4  }
0xaa: {  	[dreg:$0x4] =	wrdreg $0xC0  }
0xab: {  	_ =	task [dreg:s6], $0x5FFFF  }
0xac: {  	[dreg:$0x1] =	wrdreg $0xFFFFFFFF  }
0xad: {  	[dreg:$0x0] =	wrdreg $0x60  }
0xae: {  	[dreg:$0x2] =	wrdreg s24  }
0xaf: {  	[dreg:$0x3] =	wrdreg $0x14C080  }
0xb0: {  	[dreg:$0x4] =	wrdreg $0x9  }
0xb1: {  	_ =	task.clear_ibuf [dreg:s6], $0x5FFFF;
	_ =	strace $0x9000005E  }
0xb2: {  	s29 =	simm.s32 $0x9;
	_ =	strace $0x80000060  }
0xb3: {  	_ =	swait.ge [sflag:s29], $0x1  }
0xb4: {  	[sflag:s29] =	ssyncadd.s32 $0xFFFFFFFF  }
0xb5: {  	_ =	strace $0x90000060  }
0xb6: {  	_ =	sfence  }
0xb7: {  	s30 =	sld [smem:$0x0];
	_ =	sdelay $0x2  }
0xb8: {  	s31 =	sshll.u32 s1, $0xD;
	s1 =	sshrl.u32 s1, $0x2  }
0xb9: {  	s3 =	sand.u32 $0x4000, s31;
	s1 =	sadd.s32 s1, s30  }
0xba: {  	s0 =	sor.u32 s3, s0;
	s1 =	sshll.u32 s1, $0x11  }
0xbb: {  	s0 =	sor.u32 s1, s0  }
0xbc: {  	s0 =	sadd.s32 $0x8F2B, s0  }
0xbd: {  	[sflag:s0] =	ssyncadd.remote.s32 $0x1  }
0xbe: {  	_ =	sfence.sel $0xFFFF  }
0xbf: {  	[dreg:$0x0] =	wrdreg $0xFFFFFFFF;
	(pc) =	sbr.abs _section_cstart, $3  }
0xc0: {  	[dreg:$0x1] =	wrdreg $0xFFFFFFFF  }
0xc1: {  	_ =	task.clear_ibuf [dreg:s6], $0x2FFFF;
	_ =	strace $0x9FFFFFFF  }
0xc2: {  	(tm) =	ssettm $0x7FFFFFFF  }
0xc3: {  	_ =	shalt  }
tec
execute0_lowered:
.L_overlay_start_1:
0x0: {  	(tag) =	ssettag $0x1  }
0x1: {  	s0 =	srdreg.scid;
	s4 =	rddreg [dreg:$0x0]  }
0x2: {  	s8 =	stileid.u32;
	s1 =	rddreg [dreg:$0x1];
	s2 =	simm.s32 $0x0  }
0x3: {  	p1 =	por $0x0, $0x0;
	s3 =	sand.u32 $0x1, s0;
	s10 =	smul.u32 $0x4E2, s8  }
0x4: {  	s0 =	sshll.u32 s3, $0x4;
	s7 =	smul.u32 $0x4E20, s3;
	s3 =	ssub.s32 $0x2, s3  }
0x5: {  	[smem:$0x7FF] =	sst s2;
	s11 =	smul.u32 $0x9C40, s8;
	s29 =	sshrl.u32 s3, $0x1  }
0x6: {  	p0 =	sne.s32 s8, $0x0;
	s7 =	sadd.s32 s10, s7;
	s10 =	ssub.s32 s3, s29  }
0x7: {  	s5 =	sor.u32 s8, s0;
	s0 =	rddreg [dreg:$0x2];
	s10 =	smax.u32 s10, $0x1  }
0x8: {  	_ =	strace $0x8000005F;
	s6 =	smul.u32 $0x2710, s5;
	s14 =	sadd.s32 $0xFFFFFFFF, s10  }
0x9: {  	s30 =	sshrl.u32 s11, $0x2;
	s5 =	smul.u32 $0x271, s5;
	p2 =	sne.s32 s14, $0x0  }
.Ltmp0:
0xa: {  	s11 =	sshrl.u32 @!p0 s1, $0x3;
	s8 =	sshll.u32 s8, $0x6;
	(pc) =	sbr.rel @!p2 .LBB2_3-.Ltmp0, $4  }
0xb: {  	s31 =	sadd.s32 s30, s1;
	s8 =	sor.u32 $0x1C01, s8;
	s9 =	sadd.s32 s6, s4  }
0xc: {  	s5 =	sadd.s32 s5, s4;
	s6 =	sadd.s32 $0x8200, s4;
	s4 =	sadd.s32 s7, s4  }
0xd: {  	s10 =	simm.s32 $0x1388;
	s7 =	sadd.s32 $0x12200, s5;
	s5 =	sadd.s32 $0x17200, s9  }
0xe: {  	s3 =	sadd.s32 $0x65400, s4;
	s4 =	simm.s32 $0x1;
	s9 =	sshrl.u32 s31, $0x3  }
0xf: {  	s12 =	simm.s32 @!p0 $0x1C01;
	s13 =	simm.s32 @!p0 $0x1  }
0x10: {  	[spmem:s11], [sflag:s12] =	dma.local @!p0 [hbm:s6], $0x4E20  }
0x11: {  	_ =	swait.ge @!p0 [sflag:s13], $0x4E20  }
0x12: {  	[sflag:s13] =	ssyncset.done @!p0 $0x0  }
0x13: {  	[sflag:s13] =	ssyncadd.s32 @!p0 $0xFFFFB1E0  }
0x14: {  	[bflag:$0x0] =	sbarrier.arrive $0xFFFF  }
0x15: {  	[tilespmem:s2], [sflag:$0x1] =	stream.linear.gather [hbm4b:s7+s2], $0x1388, $0x38;
	[tilespmem:$0x17318] =	vst v63  }
0x16: {  	_ =	swait.ge [sflag:s4], $0x1388  }
0x17: {  	[sflag:s4] =	ssyncset.done $0x0  }
0x18: {  	[sflag:s4] =	ssyncadd.s32 $0xFFFFEC78  }
0x19: {  	[tilespmem:s10], [sflag:$0x1] =	stream.linear.gather [hbm4b:s5+s2], $0x13880, $0x38;
	[tilespmem:$0x17318] =	vst v63  }
0x1a: {  	_ =	swait.ge [sflag:s4], $0x13880  }
0x1b: {  	[sflag:s4] =	ssyncset.done $0x0  }
0x1c: {  	[sflag:s4] =	ssyncadd.s32 $0xFFFEC780  }
0x1d: {  	[spmem:s1] =	stream.indirect.scatter.add.f32 [tilespmem:s10], [sflag:$0x1], $0x10, s2, s10, $0xb8;
	[tilespmem:$0x17318] =	vst v63  }
0x1e: {  	s14 =	sadd.s32 $0xFFFFFFFF, s14;
	_ =	swait.ge [sflag:s4], $0x13880  }
0x1f: {  	p2 =	sne.s32 s14, $0x0;
	[sflag:s4] =	ssyncset.done $0x0  }
.Ltmp1:
0x20: {  	[sflag:s4] =	ssyncadd.s32 $0xFFFEC780;
	(pc) =	sbr.rel @!p2 .LBB2_3-.Ltmp1, $4  }
0x21: {  	[bflag:$0x0] =	sbarrier.arrive $0xFFFF  }
0x22: {  	[hbm:s3], [sflag:s8] =	dma.local [spmem:s9], $0x4E2  }
0x23: {  	_ =	swait.ge [sflag:s4], $0x4E2  }
0x24: {  	p1 =	por $0x1, $0x1;
	[sflag:s4] =	ssyncset.done $0x0  }
.LBB2_2:
0x25: {  	[sflag:s4] =	ssyncadd.s32 $0xFFFFFB1E  }
0x26: {  	[spmem:s11], [sflag:s12] =	dma.local @!p0 [hbm:s6], $0x4E20  }
0x27: {  	s14 =	sadd.s32 $0xFFFFFFFF, s14;
	_ =	swait.ge @!p0 [sflag:s13], $0x4E20  }
0x28: {  	p2 =	sne.s32 s14, $0x0;
	[sflag:s13] =	ssyncset.done @!p0 $0x0  }
0x29: {  	[sflag:s13] =	ssyncadd.s32 @!p0 $0xFFFFB1E0  }
0x2a: {  	[bflag:$0x0] =	sbarrier.arrive $0xFFFF  }
0x2b: {  	[tilespmem:s2], [sflag:$0x1] =	stream.linear.gather [hbm4b:s7+s2], $0x1388, $0x38;
	[tilespmem:$0x17318] =	vst v63  }
0x2c: {  	_ =	swait.ge [sflag:s4], $0x1388  }
0x2d: {  	[sflag:s4] =	ssyncset.done $0x0  }
0x2e: {  	[sflag:s4] =	ssyncadd.s32 $0xFFFFEC78  }
0x2f: {  	[tilespmem:s10], [sflag:$0x1] =	stream.linear.gather [hbm4b:s5+s2], $0x13880, $0x38;
	[tilespmem:$0x17318] =	vst v63  }
0x30: {  	_ =	swait.ge [sflag:s4], $0x13880  }
0x31: {  	[sflag:s4] =	ssyncset.done $0x0  }
0x32: {  	[sflag:s4] =	ssyncadd.s32 $0xFFFEC780  }
0x33: {  	[spmem:s1] =	stream.indirect.scatter.add.f32 [tilespmem:s10], [sflag:$0x1], $0x10, s2, s10, $0xb8;
	[tilespmem:$0x17318] =	vst v63  }
0x34: {  	_ =	swait.ge [sflag:s4], $0x13880  }
0x35: {  	[sflag:s4] =	ssyncset.done $0x0  }
.Ltmp2:
0x36: {  	[sflag:s4] =	ssyncadd.s32 $0xFFFEC780;
	(pc) =	sbr.rel @p2 .LBB2_2-.Ltmp2, $4  }
0x37: {  	[bflag:$0x0] =	sbarrier.arrive $0xFFFF  }
0x38: {  	[hbm:s3], [sflag:s8] =	dma.local [spmem:s9], $0x4E2  }
0x39: {  	_ =	swait.ge [sflag:s4], $0x4E2  }
0x3a: {  	[sflag:s4] =	ssyncset.done $0x0  }
.LBB2_3:
0x3b: {  	s12 =	simm.s32 @!p0 $0x1C01;
	s13 =	simm.s32 @!p0 $0x1;
	[sflag:s4] =	ssyncadd.s32 @p1 $0xFFFFFB1E  }
0x3c: {  	[spmem:s11], [sflag:s12] =	dma.local @!p0 [hbm:s6], $0x4E20  }
0x3d: {  	_ =	swait.ge @!p0 [sflag:s13], $0x4E20  }
0x3e: {  	[sflag:s13] =	ssyncset.done @!p0 $0x0  }
0x3f: {  	[sflag:s13] =	ssyncadd.s32 @!p0 $0xFFFFB1E0  }
0x40: {  	[bflag:$0x0] =	sbarrier.arrive $0xFFFF  }
0x41: {  	[tilespmem:s2], [sflag:$0x1] =	stream.linear.gather [hbm4b:s7+s2], $0x1388, $0x38;
	[tilespmem:$0x17318] =	vst v63  }
0x42: {  	_ =	swait.ge [sflag:s4], $0x1388  }
0x43: {  	[sflag:s4] =	ssyncset.done $0x0  }
0x44: {  	[sflag:s4] =	ssyncadd.s32 $0xFFFFEC78  }
0x45: {  	[tilespmem:s10], [sflag:$0x1] =	stream.linear.gather [hbm4b:s5+s2], $0x13880, $0x38;
	[tilespmem:$0x17318] =	vst v63  }
0x46: {  	_ =	swait.ge [sflag:s4], $0x13880  }
0x47: {  	[sflag:s4] =	ssyncset.done $0x0  }
0x48: {  	[sflag:s4] =	ssyncadd.s32 $0xFFFEC780  }
0x49: {  	[spmem:s1] =	stream.indirect.scatter.add.f32 [tilespmem:s10], [sflag:$0x1], $0x10, s2, s10, $0xb8;
	[tilespmem:$0x17318] =	vst v63  }
0x4a: {  	_ =	swait.ge [sflag:s4], $0x13880  }
0x4b: {  	[sflag:s4] =	ssyncset.done $0x0  }
0x4c: {  	[sflag:s4] =	ssyncadd.s32 $0xFFFEC780  }
0x4d: {  	[bflag:$0x0] =	sbarrier.arrive $0xFFFF  }
0x4e: {  	[hbm:s3], [sflag:s8] =	dma.local [spmem:s9], $0x4E2  }
0x4f: {  	_ =	swait.ge [sflag:s4], $0x4E2  }
0x50: {  	[sflag:s4] =	ssyncset.done $0x0  }
0x51: {  	[sflag:s4] =	ssyncadd.s32 $0xFFFFFB1E  }
0x52: {  	_ =	sfence.sel $0x180000  }
0x53: {  	[bflag:$0x0] =	sbarrier.arrive $0xFFFF  }
0x54: {  	_ =	strace $0x9000005F  }
0x55: {  	s0 =	sadd.s32 @!p0 $0x100000, s0;
	[bflag:$0x2] =	sbarrier.arrive $0xFFFF  }
0x56: {  	[sflag:s0] =	ssyncadd.tile.s32 @!p0 $0x1;
	_ =	shalt  }
.Lfunc_end2:
_tile_overlayer_lowered:
.L_overlay_start_2:
0x57: {  	(tag) =	ssettag $0x2  }
0x58: {  	s0 =	rddreg [dreg:$0x0];
	s2 =	stileid.u32  }
0x59: {  	s1 =	rddreg [dreg:$0x1];
	p0 =	sne.s32 s2, $0x0  }
0x5a: {  	s3 =	rddreg [dreg:$0x2];
	[bflag:$0x3] =	sbarrier.arrive $0xFFFF;
	s2 =	simm.s32 @!p0 $0x1C01  }
0x5b: {  	[timem:s3], [sflag:s2] =	dma.local @!p0 [hbm:s0], s1  }
0x5c: {  	s0 =	simm.s32 @!p0 $0x1  }
0x5d: {  	_ =	swait.ge @!p0 [sflag:s0], s1  }
0x5e: {  	s1 =	ssub.s32 @!p0 $0x0, s1;
	[sflag:s0] =	ssyncset.done @!p0 $0x0  }
0x5f: {  	[sflag:s0] =	ssyncadd.s32 @!p0 s1  }
0x60: {  	[bflag:$0x3] =	sbarrier.arrive $0xFFFF  }
0x61: {  	_ =	shalt  }

</sc_bundles>
